<compile_context>
chip_gen: v7x
topology: tpu7x:2x2x1
jax: 0.10.2.dev20260603
libtpu: 0.0.44.dev20260713+nightly
codegen_flags: <defaults>
</compile_context>

<pallas_src>
import functools

import jax
import jax.numpy as jnp
from jax import lax
from jax.experimental import pallas as pl
from jax.experimental.pallas import tpu as pltpu
from jax.experimental.pallas import tpu_sc as plsc

_N = 10000
_E = 160000
_DIN = 128
_HID = 32
_OUT = 16
_R = 8
_NR = _N * _R

_NC = 2
_NS = 16
_NW = _NC * _NS
_EW = _E // _NW
_T = 1000
_NCH = _EW // _T
_TP = 1008
_NPT = _N // _NS
_CPT = _NR // _NS
_CPTP = 5008

_BN = 2000
_NBLK = _N // _BN

_mesh = plsc.VectorSubcoreMesh(core_axis_name="c", subcore_axis_name="s")
_sc_params = pltpu.CompilerParams(use_tc_tiling_on_sc=False)


_EPT = _E // _NS
_NCH1 = _EPT // _T


@functools.partial(
    pl.kernel,
    mesh=_mesh,
    out_type=jax.ShapeDtypeStruct((_NC * _NR,), jnp.float32),
    compiler_params=_sc_params,
    scratch_types=[
        pltpu.VMEM((1, _T), jnp.int32),
        pltpu.VMEM((_TP,), jnp.float32),
        pltpu.VMEM((_CPTP,), jnp.float32),
        pltpu.VMEM_SHARED((_NR,), jnp.float32),
        pltpu.SemaphoreType.DMA,
    ],
)
def _sc_count(k_hbm, out_hbm, k_v, ones_v, zbuf, cnt_sh, sem):
    cid = lax.axis_index("c")
    sid = lax.axis_index("s")
    wid = sid * _NC + cid

    _fill_1d(zbuf, _CPTP, 0.0)
    _fill_1d(ones_v, _TP, 1.0)
    pltpu.sync_copy(zbuf.at[pl.ds(0, _CPT)], cnt_sh.at[pl.ds(sid * _CPT, _CPT)])
    plsc.subcore_barrier()

    @pl.loop(0, _NCH)
    def _(ch):
        base = pl.multiple_of(wid * _EW + ch * _T, 8)
        pltpu.sync_copy(k_hbm.at[pl.ds(base, _T)], k_v.at[0])
        pltpu.sync_copy(ones_v.at[pl.ds(0, _T)], cnt_sh.at[k_v.at[0]], add=True)

    plsc.subcore_barrier()
    pltpu.sync_copy(cnt_sh.at[pl.ds(sid * _CPT, _CPT)], zbuf.at[pl.ds(0, _CPT)])
    pltpu.sync_copy(zbuf.at[pl.ds(0, _CPT)],
                    out_hbm.at[pl.ds(cid * _NR + sid * _CPT, _CPT)])


def _scale_rows(rows, w_ref, F):
    @pl.loop(0, _T, step=16)
    def _(i):
        wv = w_ref[pl.ds(i, 16)]
        for j in range(16):
            wj = wv[j]
            for f0 in range(0, F, 16):
                rows[i + j, pl.ds(f0, 16)] = rows[i + j, pl.ds(f0, 16)] * wj


def _zero_rows(rows, n, F):
    @pl.loop(0, n)
    def _(i):
        for f0 in range(0, F, 16):
            rows[i, pl.ds(f0, 16)] = jnp.zeros((16,), jnp.float32)


def _fill_1d(ref, n, val):
    v = jnp.full((16,), val, jnp.float32)

    @pl.loop(0, n, step=16)
    def _(i):
        ref[pl.ds(i, 16)] = v


@functools.partial(
    pl.kernel,
    mesh=_mesh,
    out_type=[
        jax.ShapeDtypeStruct((_NC * _N, _HID), jnp.float32),
        jax.ShapeDtypeStruct((_E,), jnp.float32),
    ],
    compiler_params=_sc_params,
    scratch_types=[
        pltpu.VMEM((2, _T), jnp.int32),
        pltpu.VMEM((2, _T), jnp.int32),
        pltpu.VMEM((2, _T), jnp.int32),
        pltpu.VMEM((2, _T, _HID), jnp.float32),
        pltpu.VMEM((2, _TP), jnp.float32),
        pltpu.VMEM((_TP,), jnp.float32),
        pltpu.VMEM_SHARED((_N, _HID), jnp.float32),
        pltpu.SemaphoreType.DMA,
        pltpu.SemaphoreType.DMA,
        pltpu.SemaphoreType.DMA,
        pltpu.SemaphoreType.DMA,
        pltpu.SemaphoreType.DMA,
        pltpu.SemaphoreType.DMA,
    ],
)
def _sc_agg1(y_hbm, g_hbm, d_hbm, k_hbm, cnt_hbm, agg_out, w_out,
             g_v, d_v, k_v, rows_v, c_v, w_v, agg_sh,
             sg0, sg1, sc0, sc1, ss0, ss1):
    cid = lax.axis_index("c")
    sid = lax.axis_index("s")
    wid = sid * _NC + cid
    sgs = (sg0, sg1)
    scs = (sc0, sc1)
    sss = (ss0, ss1)

    _zero_rows(rows_v.at[0], _NPT, _HID)
    pltpu.sync_copy(rows_v.at[0].at[pl.ds(0, _NPT)],
                    agg_sh.at[pl.ds(sid * _NPT, _NPT)])
    plsc.subcore_barrier()

    @pl.loop(0, _NCH)
    def _(ch):
        base = pl.multiple_of(wid * _EW + ch * _T, 8)
        pltpu.sync_copy(g_hbm.at[pl.ds(base, _T)], g_v.at[0])
        pltpu.sync_copy(d_hbm.at[pl.ds(base, _T)], d_v.at[0])
        pltpu.sync_copy(k_hbm.at[pl.ds(base, _T)], k_v.at[0])
        gt = pltpu.async_copy(y_hbm.at[g_v.at[0]], rows_v.at[0], sg0)
        ct = pltpu.async_copy(cnt_hbm.at[k_v.at[0]],
                              c_v.at[0].at[pl.ds(0, _T)], sc0)
        ct.wait()

        @pl.loop(0, _TP, step=16)
        def _(i):
            w_v[pl.ds(i, 16)] = 1.0 / c_v[0, pl.ds(i, 16)]

        pltpu.sync_copy(w_v.at[pl.ds(0, _T)], w_out.at[pl.ds(base, _T)])
        gt.wait()
        _scale_rows(rows_v.at[0], w_v, _HID)
        pltpu.sync_copy(rows_v.at[0], agg_sh.at[d_v.at[0]], add=True)

    plsc.subcore_barrier()

    @pl.when(sid < _N // _T)
    def _():
        pltpu.sync_copy(agg_sh.at[pl.ds(sid * _T, _T)], rows_v.at[0])
        pltpu.sync_copy(rows_v.at[0],
                        agg_out.at[pl.ds(cid * _N + sid * _T, _T)])


@functools.partial(
    pl.kernel,
    mesh=_mesh,
    out_type=jax.ShapeDtypeStruct((_NC * _N, _OUT), jnp.float32),
    compiler_params=_sc_params,
    scratch_types=[
        pltpu.VMEM((2, _T), jnp.int32),
        pltpu.VMEM((2, _T), jnp.int32),
        pltpu.VMEM((2, _TP), jnp.float32),
        pltpu.VMEM((2, _T, _OUT), jnp.float32),
        pltpu.VMEM_SHARED((_N, _OUT), jnp.float32),
        pltpu.SemaphoreType.DMA,
        pltpu.SemaphoreType.DMA,
        pltpu.SemaphoreType.DMA,
        pltpu.SemaphoreType.DMA,
    ],
)
def _sc_agg2(y_hbm, g_hbm, d_hbm, w_hbm, agg_out,
             g_v, d_v, w_v, rows_v, agg_sh, sg0, sg1, ss0, ss1):
    cid = lax.axis_index("c")
    sid = lax.axis_index("s")
    wid = sid * _NC + cid
    sgs = (sg0, sg1)
    sss = (ss0, ss1)

    _zero_rows(rows_v.at[0], _NPT, _OUT)
    pltpu.sync_copy(rows_v.at[0].at[pl.ds(0, _NPT)],
                    agg_sh.at[pl.ds(sid * _NPT, _NPT)])
    plsc.subcore_barrier()

    @pl.loop(0, _NCH)
    def _(ch):
        base = pl.multiple_of(wid * _EW + ch * _T, 8)
        pltpu.sync_copy(g_hbm.at[pl.ds(base, _T)], g_v.at[0])
        pltpu.sync_copy(d_hbm.at[pl.ds(base, _T)], d_v.at[0])
        pltpu.sync_copy(w_hbm.at[pl.ds(base, _T)], w_v.at[0].at[pl.ds(0, _T)])
        gt = pltpu.async_copy(y_hbm.at[g_v.at[0]], rows_v.at[0], sg0)
        gt.wait()
        _scale_rows(rows_v.at[0], w_v.at[0], _OUT)
        pltpu.sync_copy(rows_v.at[0], agg_sh.at[d_v.at[0]], add=True)

    plsc.subcore_barrier()

    @pl.when(sid < _N // _T)
    def _():
        pltpu.sync_copy(agg_sh.at[pl.ds(sid * _T, _T)], rows_v.at[0])
        pltpu.sync_copy(rows_v.at[0],
                        agg_out.at[pl.ds(cid * _N + sid * _T, _T)])


def _weights_body(c1_ref, b1_ref, c2_ref, b2_ref, w1_ref, w2_ref):
    w1_ref[...] = jnp.dot(c1_ref[...], b1_ref[...],
                          preferred_element_type=jnp.float32)
    w2_ref[...] = jnp.dot(c2_ref[...], b2_ref[...],
                          preferred_element_type=jnp.float32)


_weights_call = pl.pallas_call(
    _weights_body,
    out_shape=(
        jax.ShapeDtypeStruct((_R, _DIN * _HID), jnp.float32),
        jax.ShapeDtypeStruct((_R, _HID * _OUT), jnp.float32),
    ),
)


def _dense1_body(x_ref, w_ref, root_ref, cntp_ref, y_ref, xr_ref, cnt_ref):
    i = pl.program_id(0)
    q = pl.program_id(1)
    xb = x_ref[...]
    y_ref[...] = jnp.dot(xb, w_ref[0], preferred_element_type=jnp.float32)

    @pl.when(q == 0)
    def _():
        xr_ref[...] = jnp.dot(xb, root_ref[...],
                              preferred_element_type=jnp.float32)

    @pl.when((i == 0) & (q == 0))
    def _():
        cnt_ref[...] = cntp_ref[0] + cntp_ref[1]


_dense1_call = pl.pallas_call(
    _dense1_body,
    grid=(_NBLK, 2),
    in_specs=[
        pl.BlockSpec((_BN, _DIN), lambda i, q: (i, 0)),
        pl.BlockSpec((1, _DIN, 128), lambda i, q: (q, 0, 0)),
        pl.BlockSpec((_DIN, _HID), lambda i, q: (0, 0)),
        pl.BlockSpec((2, 625, 128), lambda i, q: (0, 0, 0)),
    ],
    out_specs=[
        pl.BlockSpec((_BN, 128), lambda i, q: (q * _NBLK + i, 0)),
        pl.BlockSpec((_BN, _HID), lambda i, q: (i, 0)),
        pl.BlockSpec((625, 128), lambda i, q: (0, 0)),
    ],
    out_shape=(
        jax.ShapeDtypeStruct((2 * _N, 128), jnp.float32),
        jax.ShapeDtypeStruct((_N, _HID), jnp.float32),
        jax.ShapeDtypeStruct((625, 128), jnp.float32),
    ),
)


def _dense2_body(a0_ref, a1_ref, xr_ref, w_ref, root_ref, y_ref, xr2_ref):
    h = jax.nn.relu(a0_ref[...] + a1_ref[...] + xr_ref[...])
    y_ref[...] = jnp.dot(h, w_ref[...], preferred_element_type=jnp.float32)
    xr2_ref[...] = jnp.dot(h, root_ref[...], preferred_element_type=jnp.float32)


_dense2_call = pl.pallas_call(
    _dense2_body,
    grid=(_NBLK,),
    in_specs=[
        pl.BlockSpec((_BN, _HID), lambda i: (i, 0)),
        pl.BlockSpec((_BN, _HID), lambda i: (_NBLK + i, 0)),
        pl.BlockSpec((_BN, _HID), lambda i: (i, 0)),
        pl.BlockSpec((_HID, 128), lambda i: (0, 0)),
        pl.BlockSpec((_HID, _OUT), lambda i: (0, 0)),
    ],
    out_specs=[
        pl.BlockSpec((_BN, 128), lambda i: (i, 0)),
        pl.BlockSpec((_BN, _OUT), lambda i: (i, 0)),
    ],
    out_shape=(
        jax.ShapeDtypeStruct((_N, 128), jnp.float32),
        jax.ShapeDtypeStruct((_N, _OUT), jnp.float32),
    ),
)


def _final_body(a0_ref, a1_ref, xr_ref, z_ref):
    z_ref[...] = a0_ref[...] + a1_ref[...] + xr_ref[...]


_final_call = pl.pallas_call(
    _final_body,
    grid=(_NBLK,),
    in_specs=[
        pl.BlockSpec((_BN, _OUT), lambda i: (i, 0)),
        pl.BlockSpec((_BN, _OUT), lambda i: (_NBLK + i, 0)),
        pl.BlockSpec((_BN, _OUT), lambda i: (i, 0)),
    ],
    out_specs=pl.BlockSpec((_BN, _OUT), lambda i: (i, 0)),
    out_shape=jax.ShapeDtypeStruct((_N, _OUT), jnp.float32),
)


def kernel(x, edge_index, edge_type, basis1, comp1, root1,
           basis2, comp2, root2):
    src = edge_index[0].astype(jnp.int32)
    dst = edge_index[1].astype(jnp.int32)
    et = edge_type.astype(jnp.int32)
    g2 = (et // 4) * (4 * _N) + src * 4 + (et % 4)
    g3 = src * 8 + et
    k = dst * _R + et

    w1cat, w2cat = _weights_call(
        comp1, basis1.reshape(30, _DIN * _HID),
        comp2, basis2.reshape(30, _HID * _OUT))
    w1q = (w1cat.reshape(2, 4, _DIN, _HID)
           .transpose(0, 2, 1, 3).reshape(2, _DIN, 128))
    w2q = (w2cat.reshape(_R, _HID, _OUT)
           .transpose(1, 0, 2).reshape(_HID, 128))

    cntp = _sc_count(k)
    y1q, xr1, cnt2d = _dense1_call(x, w1q, root1, cntp.reshape(2, 625, 128))
    cnt = cnt2d.reshape(_NR)
    aggp1, w_edge = _sc_agg1(y1q.reshape(_R * _N, _HID), g2, dst, k, cnt)
    y2q, xr2 = _dense2_call(aggp1, aggp1, xr1, w2q, root2)
    aggp2 = _sc_agg2(y2q.reshape(_R * _N, _OUT), g3, dst, w_edge)
    return _final_call(aggp2, aggp2, xr2)

# --- scband reference (transcript-rebuilt; emitter-appended) ---
"""Pipeline reference for scband-rgcn-71863392796859 (READ-ONLY COPY).

The authoritative reference and input builder live on the scoring server;
editing this copy changes nothing except your own understanding.
"""

import jax, jax.numpy as jnp
import numpy as np

N = 10000
E = 160000
D_IN = 128
HID = 32
OUT = 16
R = 8
B = 30


def setup_inputs(seed: int = 0) -> dict:
    key = jax.random.key(seed)
    ks = jax.random.split(key, 10)
    x = jax.random.normal(ks[0], (N, D_IN), dtype=jnp.float32)
    edge_index = jax.random.randint(ks[1], (2, E), 0, N)
    edge_type = jax.random.randint(ks[2], (E,), 0, R)
    basis1 = jax.random.normal(ks[3], (B, D_IN, HID), dtype=jnp.float32) * 0.05
    comp1 = jax.random.normal(ks[4], (R, B), dtype=jnp.float32) * 0.05
    root1 = jax.random.normal(ks[5], (D_IN, HID), dtype=jnp.float32) * 0.05
    basis2 = jax.random.normal(ks[6], (B, HID, OUT), dtype=jnp.float32) * 0.05
    comp2 = jax.random.normal(ks[7], (R, B), dtype=jnp.float32) * 0.05
    root2 = jax.random.normal(ks[8], (HID, OUT), dtype=jnp.float32) * 0.05
    return {"x": x, "edge_index": edge_index, "edge_type": edge_type,
            "basis1": basis1, "comp1": comp1, "root1": root1,
            "basis2": basis2, "comp2": comp2, "root2": root2}


def rgcn_layer(x, src, dst, edge_type, basis, comp, root):
    # basis decomposition: W_r = sum_b comp[r, b] * basis[b]
    W = jnp.einsum('rb,bio->rio', comp, basis)  # [R, in, out]
    x_src = x[src]                              # gather: [E, in]
    agg = jnp.zeros((x.shape[0], W.shape[2]), x.dtype)
    for r in range(R):
        mask = (edge_type == r).astype(x.dtype)               # [E]
        cnt = jnp.zeros((x.shape[0],), x.dtype).at[dst].add(mask)  # per-(dst, rel) in-degree
        norm = mask / jnp.clip(cnt[dst], 1.0, None)           # mean normalization
        msg = (x_src @ W[r]) * norm[:, None]                  # [E, out]
        agg = agg.at[dst].add(msg)                            # scatter-add
    return agg + x @ root


def reference(x, edge_index, edge_type, basis1, comp1, root1, basis2, comp2, root2):
    src = edge_index[0]
    dst = edge_index[1]
    h = rgcn_layer(x, src, dst, edge_type, basis1, comp1, root1)
    h = jax.nn.relu(h)
    # dropout(p=0.5) in eval mode -> identity
    z = rgcn_layer(h, src, dst, edge_type, basis2, comp2, root2)
    return z

if __name__ == "__main__":
    import jax
    _d = setup_inputs()
    print(jax.jit(kernel)(*tuple(_d.values())))

</pallas_src>

<mosaic_0001>
#map = affine_map<(d0, d1) -> (0, 0)>
#map1 = affine_map<(d0, d1) -> (0)>
module attributes {stable_mosaic.version = 14 : i64} {
  func.func @_sc_agg2(%arg0: i32, %arg1: i32, %arg2: memref<80000x16xf32, #tpu.memory_space<hbm>>, %arg3: memref<160000xi32, #tpu.memory_space<hbm>>, %arg4: memref<160000xi32, #tpu.memory_space<hbm>>, %arg5: memref<160000xf32, #tpu.memory_space<hbm>>, %arg6: memref<20000x16xf32, #tpu.memory_space<hbm>>, %arg7: memref<2x1000xi32, #tpu.memory_space<vmem>>, %arg8: memref<2x1000xi32, #tpu.memory_space<vmem>>, %arg9: memref<2x1008xf32, #tpu.memory_space<vmem>>, %arg10: memref<2x1000x16xf32, #tpu.memory_space<vmem>>, %arg11: memref<10000x16xf32, #tpu.memory_space<vmem_shared>>, %arg12: memref<!tpu.dma_semaphore, #tpu.memory_space<semaphore_mem>>, %arg13: memref<!tpu.dma_semaphore, #tpu.memory_space<semaphore_mem>>, %arg14: memref<!tpu.dma_semaphore, #tpu.memory_space<semaphore_mem>>, %arg15: memref<!tpu.dma_semaphore, #tpu.memory_space<semaphore_mem>>) attributes {dimension_semantics = [#tpu.dimension_semantics<core_parallel>, #tpu.dimension_semantics<subcore_parallel>], iteration_bounds = array<i64: 2, 16>, scalar_prefetch = 0 : i64, scratch_operands = 9 : i64, tpu.core_type = #tpu.core_type<sc_vector_subcore>, window_params = [{transform_indices = #map}, {transform_indices = #map1}, {transform_indices = #map1}, {transform_indices = #map1}, {transform_indices = #map}]} {
    %mul3A = arith.constant 2 : i32
    %mul3A_0 = arith.muli %arg1, %mul3A : i32
    %add3A = arith.addi %mul3A_0, %arg0 : i32
    %scan3A = arith.constant 0 : i32
    %scan3A_1 = arith.constant 0 : i32
    %scan3A_2 = arith.constant 625 : i32
    %scan3A_3 = arith.addi %scan3A_1, %scan3A_2 : i32
    %scan3A_4 = arith.constant 1 : i32
    scf.for %scan3A_16 = %scan3A_1 to %scan3A_3 step %scan3A_4  : i32 {
      %mul3A_17 = arith.constant 1 : i32
      %mul3A_18 = arith.muli %scan3A_16, %mul3A_17 : i32
      %add3A_19 = arith.constant 0 : i32
      %add3A_20 = arith.addi %add3A_19, %mul3A_18 : i32
      %broadcast_in_dim3A = arith.constant 0.000000e+00 : f32
      %broadcast_in_dim3A_21 = vector.broadcast %broadcast_in_dim3A : f32 to vector<16xf32>
      %swap3A = arith.constant 0 : i32
      %swap3A_22 = arith.constant 0 : i32
      %swap3A_23 = tpu.memref_slice %arg10[%scan3A, %swap3A, %swap3A_22] : memref<2x1000x16xf32, #tpu.memory_space<vmem>> -> memref<1x1000x16xf32, #tpu.memory_space<vmem>>
      %swap3A_24 = tpu.memref_squeeze %swap3A_23 : memref<1x1000x16xf32, #tpu.memory_space<vmem>> -> memref<1000x16xf32, #tpu.memory_space<vmem>>
      %swap3A_25 = arith.index_cast %add3A_20 : i32 to index
      %swap3A_26 = arith.constant 0 : index
      %swap3A_27 = tpu.vector_load %swap3A_24[%swap3A_25, %swap3A_26] {strides = array<i32>} : memref<1000x16xf32, #tpu.memory_space<vmem>>, vector<1x16xf32>,
      %swap3A_28 = vector.shape_cast %swap3A_27 : vector<1x16xf32> to vector<16xf32>
      %swap3A_29 = vector.shape_cast %broadcast_in_dim3A_21 : vector<16xf32> to vector<1x16xf32>
      tpu.vector_store %swap3A_24[%swap3A_25, %swap3A_26], %swap3A_29 {strides = array<i32>} : memref<1000x16xf32, #tpu.memory_space<vmem>>, vector<1x16xf32>,
    }
    %scan3A_5 = arith.constant 625 : i32
    %mul3A_6 = arith.constant 625 : i32
    %mul3A_7 = arith.muli %arg1, %mul3A_6 : i32
    %run_scoped3A = arith.constant 0 : i32
    "tpu.region"() ({
      %run_scoped3A_16 = tpu.sem_alloc : memref<!tpu.dma_semaphore, #tpu.memory_space<semaphore_mem>>
      %dma_start3A = arith.constant 0 : i32
      %dma_start3A_17 = arith.constant 0 : i32
      %dma_start3A_18 = tpu.memref_slice %arg10[%run_scoped3A, %dma_start3A, %dma_start3A_17] : memref<2x1000x16xf32, #tpu.memory_space<vmem>> -> memref<1x1000x16xf32, #tpu.memory_space<vmem>>
      %dma_start3A_19 = tpu.memref_squeeze %dma_start3A_18 : memref<1x1000x16xf32, #tpu.memory_space<vmem>> -> memref<1000x16xf32, #tpu.memory_space<vmem>>
      %dma_start3A_20 = arith.constant 0 : i32
      %dma_start3A_21 = arith.constant 0 : i32
      %dma_start3A_22 = tpu.memref_slice %dma_start3A_19[%dma_start3A_20, %dma_start3A_21] : memref<1000x16xf32, #tpu.memory_space<vmem>> -> memref<625x16xf32, #tpu.memory_space<vmem>>
      %dma_start3A_23 = arith.constant 0 : i32
      %dma_start3A_24 = tpu.memref_slice %arg11[%mul3A_7, %dma_start3A_23] : memref<10000x16xf32, #tpu.memory_space<vmem_shared>> -> memref<625x16xf32, #tpu.memory_space<vmem_shared>>
      %dma_start3A_25 = arith.constant 0 : i32
      %dma_start3A_26 = tpu.memref_slice %arg11[%mul3A_7, %dma_start3A_25] : memref<10000x16xf32, #tpu.memory_space<vmem_shared>> -> memref<625x16xf32, #tpu.memory_space<vmem_shared>>
      %dma_start3A_27 = arith.constant 0 : i32
      %dma_start3A_28 = arith.constant 0 : i32
      %dma_start3A_29 = tpu.memref_slice %arg10[%run_scoped3A, %dma_start3A_27, %dma_start3A_28] : memref<2x1000x16xf32, #tpu.memory_space<vmem>> -> memref<1x1000x16xf32, #tpu.memory_space<vmem>>
      %dma_start3A_30 = tpu.memref_squeeze %dma_start3A_29 : memref<1x1000x16xf32, #tpu.memory_space<vmem>> -> memref<1000x16xf32, #tpu.memory_space<vmem>>
      %dma_start3A_31 = arith.constant 0 : i32
      %dma_start3A_32 = arith.constant 0 : i32
      %dma_start3A_33 = tpu.memref_slice %dma_start3A_30[%dma_start3A_31, %dma_start3A_32] : memref<1000x16xf32, #tpu.memory_space<vmem>> -> memref<625x16xf32, #tpu.memory_space<vmem>>
      tpu.enqueue_dma source(%dma_start3A_33 : memref<625x16xf32, #tpu.memory_space<vmem>>) target(%dma_start3A_26 : memref<625x16xf32, #tpu.memory_space<vmem_shared>>) target_semaphore(%run_scoped3A_16 : memref<!tpu.dma_semaphore, #tpu.memory_space<semaphore_mem>>)
      %dma_wait3A = arith.constant 0 : i32
      %dma_wait3A_34 = arith.constant 0 : i32
      %dma_wait3A_35 = tpu.memref_slice %arg10[%run_scoped3A, %dma_wait3A, %dma_wait3A_34] : memref<2x1000x16xf32, #tpu.memory_space<vmem>> -> memref<1x1000x16xf32, #tpu.memory_space<vmem>>
      %dma_wait3A_36 = tpu.memref_squeeze %dma_wait3A_35 : memref<1x1000x16xf32, #tpu.memory_space<vmem>> -> memref<1000x16xf32, #tpu.memory_space<vmem>>
      %dma_wait3A_37 = arith.constant 0 : i32
      %dma_wait3A_38 = arith.constant 0 : i32
      %dma_wait3A_39 = tpu.memref_slice %dma_wait3A_36[%dma_wait3A_37, %dma_wait3A_38] : memref<1000x16xf32, #tpu.memory_space<vmem>> -> memref<625x16xf32, #tpu.memory_space<vmem>>
      %dma_wait3A_40 = arith.constant 0 : i32
      %dma_wait3A_41 = tpu.memref_slice %arg11[%mul3A_7, %dma_wait3A_40] : memref<10000x16xf32, #tpu.memory_space<vmem_shared>> -> memref<625x16xf32, #tpu.memory_space<vmem_shared>>
      %dma_wait3A_42 = arith.constant 0 : i32
      %dma_wait3A_43 = tpu.memref_slice %arg11[%mul3A_7, %dma_wait3A_42] : memref<10000x16xf32, #tpu.memory_space<vmem_shared>> -> memref<625x16xf32, #tpu.memory_space<vmem_shared>>
      %dma_wait3A_44 = arith.constant 0 : i32
      %dma_wait3A_45 = arith.constant 0 : i32
      %dma_wait3A_46 = tpu.memref_slice %arg10[%run_scoped3A, %dma_wait3A_44, %dma_wait3A_45] : memref<2x1000x16xf32, #tpu.memory_space<vmem>> -> memref<1x1000x16xf32, #tpu.memory_space<vmem>>
      %dma_wait3A_47 = tpu.memref_squeeze %dma_wait3A_46 : memref<1x1000x16xf32, #tpu.memory_space<vmem>> -> memref<1000x16xf32, #tpu.memory_space<vmem>>
      %dma_wait3A_48 = arith.constant 0 : i32
      %dma_wait3A_49 = arith.constant 0 : i32
      %dma_wait3A_50 = tpu.memref_slice %dma_wait3A_47[%dma_wait3A_48, %dma_wait3A_49] : memref<1000x16xf32, #tpu.memory_space<vmem>> -> memref<625x16xf32, #tpu.memory_space<vmem>>
      tpu.wait_dma2 semaphore(%run_scoped3A_16 : memref<!tpu.dma_semaphore, #tpu.memory_space<semaphore_mem>>) src(%dma_wait3A_50 : memref<625x16xf32, #tpu.memory_space<vmem>>) dst(%dma_wait3A_43 : memref<625x16xf32, #tpu.memory_space<vmem_shared>>)
      tpu.yield
    }) : () -> ()
    %barrier3A = arith.constant 0 : index
    tpu.barrier barrier_id(%barrier3A)
    %scan3A_8 = arith.constant 0 : i32
    %scan3A_9 = arith.constant 5 : i32
    %scan3A_10 = arith.addi %scan3A_8, %scan3A_9 : i32
    %scan3A_11 = arith.constant 1 : i32
    scf.for %scan3A_16 = %scan3A_8 to %scan3A_10 step %scan3A_11  : i32 {
      %mul3A_17 = arith.constant 1 : i32
      %mul3A_18 = arith.muli %scan3A_16, %mul3A_17 : i32
      %add3A_19 = arith.constant 0 : i32
      %add3A_20 = arith.addi %add3A_19, %mul3A_18 : i32
      %mul3A_21 = arith.constant 5000 : i32
      %mul3A_22 = arith.muli %add3A, %mul3A_21 : i32
      %mul3A_23 = arith.constant 1000 : i32
      %mul3A_24 = arith.muli %add3A_20, %mul3A_23 : i32
      %add3A_25 = arith.addi %mul3A_22, %mul3A_24 : i32
      %multiple_of3A = tpu.assume_multiple %add3A_25, 8 : i32
      %run_scoped3A_26 = arith.constant 0 : i32
      "tpu.region"() ({
        %run_scoped3A_60 = tpu.sem_alloc : memref<!tpu.dma_semaphore, #tpu.memory_space<semaphore_mem>>
        %dma_start3A_61 = arith.constant 0 : i32
        %dma_start3A_62 = tpu.memref_slice %arg7[%run_scoped3A_26, %dma_start3A_61] : memref<2x1000xi32, #tpu.memory_space<vmem>> -> memref<1x1000xi32, #tpu.memory_space<vmem>>
        %dma_start3A_63 = tpu.memref_squeeze %dma_start3A_62 : memref<1x1000xi32, #tpu.memory_space<vmem>> -> memref<1000xi32, #tpu.memory_space<vmem>>
        %dma_start3A_64 = tpu.memref_slice %arg3[%multiple_of3A] : memref<160000xi32, #tpu.memory_space<hbm>> -> memref<1000xi32, #tpu.memory_space<hbm>>
        %dma_start3A_65 = arith.constant 0 : i32
        %dma_start3A_66 = tpu.memref_slice %arg7[%run_scoped3A_26, %dma_start3A_65] : memref<2x1000xi32, #tpu.memory_space<vmem>> -> memref<1x1000xi32, #tpu.memory_space<vmem>>
        %dma_start3A_67 = tpu.memref_squeeze %dma_start3A_66 : memref<1x1000xi32, #tpu.memory_space<vmem>> -> memref<1000xi32, #tpu.memory_space<vmem>>
        %dma_start3A_68 = tpu.memref_slice %arg3[%multiple_of3A] : memref<160000xi32, #tpu.memory_space<hbm>> -> memref<1000xi32, #tpu.memory_space<hbm>>
        tpu.enqueue_dma source(%dma_start3A_68 : memref<1000xi32, #tpu.memory_space<hbm>>) target(%dma_start3A_67 : memref<1000xi32, #tpu.memory_space<vmem>>) target_semaphore(%run_scoped3A_60 : memref<!tpu.dma_semaphore, #tpu.memory_space<semaphore_mem>>)
        %dma_wait3A_69 = arith.constant 0 : i32
        %dma_wait3A_70 = tpu.memref_slice %arg7[%run_scoped3A_26, %dma_wait3A_69] : memref<2x1000xi32, #tpu.memory_space<vmem>> -> memref<1x1000xi32, #tpu.memory_space<vmem>>
        %dma_wait3A_71 = tpu.memref_squeeze %dma_wait3A_70 : memref<1x1000xi32, #tpu.memory_space<vmem>> -> memref<1000xi32, #tpu.memory_space<vmem>>
        %dma_wait3A_72 = tpu.memref_slice %arg3[%multiple_of3A] : memref<160000xi32, #tpu.memory_space<hbm>> -> memref<1000xi32, #tpu.memory_space<hbm>>
        %dma_wait3A_73 = arith.constant 0 : i32
        %dma_wait3A_74 = tpu.memref_slice %arg7[%run_scoped3A_26, %dma_wait3A_73] : memref<2x1000xi32, #tpu.memory_space<vmem>> -> memref<1x1000xi32, #tpu.memory_space<vmem>>
        %dma_wait3A_75 = tpu.memref_squeeze %dma_wait3A_74 : memref<1x1000xi32, #tpu.memory_space<vmem>> -> memref<1000xi32, #tpu.memory_space<vmem>>
        %dma_wait3A_76 = tpu.memref_slice %arg3[%multiple_of3A] : memref<160000xi32, #tpu.memory_space<hbm>> -> memref<1000xi32, #tpu.memory_space<hbm>>
        tpu.wait_dma2 semaphore(%run_scoped3A_60 : memref<!tpu.dma_semaphore, #tpu.memory_space<semaphore_mem>>) src(%dma_wait3A_76 : memref<1000xi32, #tpu.memory_space<hbm>>) dst(%dma_wait3A_75 : memref<1000xi32, #tpu.memory_space<vmem>>)
        tpu.yield
      }) : () -> ()
      %run_scoped3A_27 = arith.constant 0 : i32
      "tpu.region"() ({
        %run_scoped3A_60 = tpu.sem_alloc : memref<!tpu.dma_semaphore, #tpu.memory_space<semaphore_mem>>
        %dma_start3A_61 = arith.constant 0 : i32
        %dma_start3A_62 = tpu.memref_slice %arg8[%run_scoped3A_27, %dma_start3A_61] : memref<2x1000xi32, #tpu.memory_space<vmem>> -> memref<1x1000xi32, #tpu.memory_space<vmem>>
        %dma_start3A_63 = tpu.memref_squeeze %dma_start3A_62 : memref<1x1000xi32, #tpu.memory_space<vmem>> -> memref<1000xi32, #tpu.memory_space<vmem>>
        %dma_start3A_64 = tpu.memref_slice %arg4[%multiple_of3A] : memref<160000xi32, #tpu.memory_space<hbm>> -> memref<1000xi32, #tpu.memory_space<hbm>>
        %dma_start3A_65 = arith.constant 0 : i32
        %dma_start3A_66 = tpu.memref_slice %arg8[%run_scoped3A_27, %dma_start3A_65] : memref<2x1000xi32, #tpu.memory_space<vmem>> -> memref<1x1000xi32, #tpu.memory_space<vmem>>
        %dma_start3A_67 = tpu.memref_squeeze %dma_start3A_66 : memref<1x1000xi32, #tpu.memory_space<vmem>> -> memref<1000xi32, #tpu.memory_space<vmem>>
        %dma_start3A_68 = tpu.memref_slice %arg4[%multiple_of3A] : memref<160000xi32, #tpu.memory_space<hbm>> -> memref<1000xi32, #tpu.memory_space<hbm>>
        tpu.enqueue_dma source(%dma_start3A_68 : memref<1000xi32, #tpu.memory_space<hbm>>) target(%dma_start3A_67 : memref<1000xi32, #tpu.memory_space<vmem>>) target_semaphore(%run_scoped3A_60 : memref<!tpu.dma_semaphore, #tpu.memory_space<semaphore_mem>>)
        %dma_wait3A_69 = arith.constant 0 : i32
        %dma_wait3A_70 = tpu.memref_slice %arg8[%run_scoped3A_27, %dma_wait3A_69] : memref<2x1000xi32, #tpu.memory_space<vmem>> -> memref<1x1000xi32, #tpu.memory_space<vmem>>
        %dma_wait3A_71 = tpu.memref_squeeze %dma_wait3A_70 : memref<1x1000xi32, #tpu.memory_space<vmem>> -> memref<1000xi32, #tpu.memory_space<vmem>>
        %dma_wait3A_72 = tpu.memref_slice %arg4[%multiple_of3A] : memref<160000xi32, #tpu.memory_space<hbm>> -> memref<1000xi32, #tpu.memory_space<hbm>>
        %dma_wait3A_73 = arith.constant 0 : i32
        %dma_wait3A_74 = tpu.memref_slice %arg8[%run_scoped3A_27, %dma_wait3A_73] : memref<2x1000xi32, #tpu.memory_space<vmem>> -> memref<1x1000xi32, #tpu.memory_space<vmem>>
        %dma_wait3A_75 = tpu.memref_squeeze %dma_wait3A_74 : memref<1x1000xi32, #tpu.memory_space<vmem>> -> memref<1000xi32, #tpu.memory_space<vmem>>
        %dma_wait3A_76 = tpu.memref_slice %arg4[%multiple_of3A] : memref<160000xi32, #tpu.memory_space<hbm>> -> memref<1000xi32, #tpu.memory_space<hbm>>
        tpu.wait_dma2 semaphore(%run_scoped3A_60 : memref<!tpu.dma_semaphore, #tpu.memory_space<semaphore_mem>>) src(%dma_wait3A_76 : memref<1000xi32, #tpu.memory_space<hbm>>) dst(%dma_wait3A_75 : memref<1000xi32, #tpu.memory_space<vmem>>)
        tpu.yield
      }) : () -> ()
      %run_scoped3A_28 = arith.constant 0 : i32
      "tpu.region"() ({
        %run_scoped3A_60 = tpu.sem_alloc : memref<!tpu.dma_semaphore, #tpu.memory_space<semaphore_mem>>
        %dma_start3A_61 = arith.constant 0 : i32
        %dma_start3A_62 = tpu.memref_slice %arg9[%run_scoped3A_28, %dma_start3A_61] : memref<2x1008xf32, #tpu.memory_space<vmem>> -> memref<1x1008xf32, #tpu.memory_space<vmem>>
        %dma_start3A_63 = tpu.memref_squeeze %dma_start3A_62 : memref<1x1008xf32, #tpu.memory_space<vmem>> -> memref<1008xf32, #tpu.memory_space<vmem>>
        %dma_start3A_64 = arith.constant 0 : i32
        %dma_start3A_65 = tpu.memref_slice %dma_start3A_63[%dma_start3A_64] : memref<1008xf32, #tpu.memory_space<vmem>> -> memref<1000xf32, #tpu.memory_space<vmem>>
        %dma_start3A_66 = tpu.memref_slice %arg5[%multiple_of3A] : memref<160000xf32, #tpu.memory_space<hbm>> -> memref<1000xf32, #tpu.memory_space<hbm>>
        %dma_start3A_67 = arith.constant 0 : i32
        %dma_start3A_68 = tpu.memref_slice %arg9[%run_scoped3A_28, %dma_start3A_67] : memref<2x1008xf32, #tpu.memory_space<vmem>> -> memref<1x1008xf32, #tpu.memory_space<vmem>>
        %dma_start3A_69 = tpu.memref_squeeze %dma_start3A_68 : memref<1x1008xf32, #tpu.memory_space<vmem>> -> memref<1008xf32, #tpu.memory_space<vmem>>
        %dma_start3A_70 = arith.constant 0 : i32
        %dma_start3A_71 = tpu.memref_slice %dma_start3A_69[%dma_start3A_70] : memref<1008xf32, #tpu.memory_space<vmem>> -> memref<1000xf32, #tpu.memory_space<vmem>>
        %dma_start3A_72 = tpu.memref_slice %arg5[%multiple_of3A] : memref<160000xf32, #tpu.memory_space<hbm>> -> memref<1000xf32, #tpu.memory_space<hbm>>
        tpu.enqueue_dma source(%dma_start3A_72 : memref<1000xf32, #tpu.memory_space<hbm>>) target(%dma_start3A_71 : memref<1000xf32, #tpu.memory_space<vmem>>) target_semaphore(%run_scoped3A_60 : memref<!tpu.dma_semaphore, #tpu.memory_space<semaphore_mem>>)
        %dma_wait3A_73 = arith.constant 0 : i32
        %dma_wait3A_74 = tpu.memref_slice %arg9[%run_scoped3A_28, %dma_wait3A_73] : memref<2x1008xf32, #tpu.memory_space<vmem>> -> memref<1x1008xf32, #tpu.memory_space<vmem>>
        %dma_wait3A_75 = tpu.memref_squeeze %dma_wait3A_74 : memref<1x1008xf32, #tpu.memory_space<vmem>> -> memref<1008xf32, #tpu.memory_space<vmem>>
        %dma_wait3A_76 = arith.constant 0 : i32
        %dma_wait3A_77 = tpu.memref_slice %dma_wait3A_75[%dma_wait3A_76] : memref<1008xf32, #tpu.memory_space<vmem>> -> memref<1000xf32, #tpu.memory_space<vmem>>
        %dma_wait3A_78 = tpu.memref_slice %arg5[%multiple_of3A] : memref<160000xf32, #tpu.memory_space<hbm>> -> memref<1000xf32, #tpu.memory_space<hbm>>
        %dma_wait3A_79 = arith.constant 0 : i32
        %dma_wait3A_80 = tpu.memref_slice %arg9[%run_scoped3A_28, %dma_wait3A_79] : memref<2x1008xf32, #tpu.memory_space<vmem>> -> memref<1x1008xf32, #tpu.memory_space<vmem>>
        %dma_wait3A_81 = tpu.memref_squeeze %dma_wait3A_80 : memref<1x1008xf32, #tpu.memory_space<vmem>> -> memref<1008xf32, #tpu.memory_space<vmem>>
        %dma_wait3A_82 = arith.constant 0 : i32
        %dma_wait3A_83 = tpu.memref_slice %dma_wait3A_81[%dma_wait3A_82] : memref<1008xf32, #tpu.memory_space<vmem>> -> memref<1000xf32, #tpu.memory_space<vmem>>
        %dma_wait3A_84 = tpu.memref_slice %arg5[%multiple_of3A] : memref<160000xf32, #tpu.memory_space<hbm>> -> memref<1000xf32, #tpu.memory_space<hbm>>
        tpu.wait_dma2 semaphore(%run_scoped3A_60 : memref<!tpu.dma_semaphore, #tpu.memory_space<semaphore_mem>>) src(%dma_wait3A_84 : memref<1000xf32, #tpu.memory_space<hbm>>) dst(%dma_wait3A_83 : memref<1000xf32, #tpu.memory_space<vmem>>)
        tpu.yield
      }) : () -> ()
      %dma_start3A = arith.constant 0 : i32
      %dma_start3A_29 = arith.constant 0 : i32
      %dma_start3A_30 = arith.constant 0 : i32
      %dma_start3A_31 = arith.constant 0 : i32
      %dma_start3A_32 = tpu.memref_slice %arg10[%dma_start3A_29, %dma_start3A_30, %dma_start3A_31] : memref<2x1000x16xf32, #tpu.memory_space<vmem>> -> memref<1x1000x16xf32, #tpu.memory_space<vmem>>
      %dma_start3A_33 = tpu.memref_squeeze %dma_start3A_32 : memref<1x1000x16xf32, #tpu.memory_space<vmem>> -> memref<1000x16xf32, #tpu.memory_space<vmem>>
      %dma_start3A_34 = arith.constant 0 : i32
      %dma_start3A_35 = tpu.memref_slice %arg7[%dma_start3A, %dma_start3A_34] : memref<2x1000xi32, #tpu.memory_space<vmem>> -> memref<1x1000xi32, #tpu.memory_space<vmem>>
      %dma_start3A_36 = tpu.memref_squeeze %dma_start3A_35 : memref<1x1000xi32, #tpu.memory_space<vmem>> -> memref<1000xi32, #tpu.memory_space<vmem>>
      %dma_start3A_37 = arith.constant 0 : i32
      %dma_start3A_38 = arith.constant 0 : i32
      %dma_start3A_39 = tpu.memref_slice %arg2[%dma_start3A_37, %dma_start3A_38] : memref<80000x16xf32, #tpu.memory_space<hbm>> -> memref<80000x16xf32, #tpu.memory_space<hbm>>
      tpu.enqueue_indirect_dma source(%dma_start3A_39 : memref<80000x16xf32, #tpu.memory_space<hbm>>) target(%dma_start3A_33 : memref<1000x16xf32, #tpu.memory_space<vmem>>) offsets(%dma_start3A_36 : memref<1000xi32, #tpu.memory_space<vmem>>) semaphore(%arg12 : memref<!tpu.dma_semaphore, #tpu.memory_space<semaphore_mem>>)
      %dma_wait3A = arith.constant 0 : i32
      %dma_wait3A_40 = arith.constant 0 : i32
      %dma_wait3A_41 = arith.constant 0 : i32
      %dma_wait3A_42 = arith.constant 0 : i32
      %dma_wait3A_43 = tpu.memref_slice %arg10[%dma_wait3A_40, %dma_wait3A_41, %dma_wait3A_42] : memref<2x1000x16xf32, #tpu.memory_space<vmem>> -> memref<1x1000x16xf32, #tpu.memory_space<vmem>>
      %dma_wait3A_44 = tpu.memref_squeeze %dma_wait3A_43 : memref<1x1000x16xf32, #tpu.memory_space<vmem>> -> memref<1000x16xf32, #tpu.memory_space<vmem>>
      %dma_wait3A_45 = arith.constant 0 : i32
      %dma_wait3A_46 = tpu.memref_slice %arg7[%dma_wait3A, %dma_wait3A_45] : memref<2x1000xi32, #tpu.memory_space<vmem>> -> memref<1x1000xi32, #tpu.memory_space<vmem>>
      %dma_wait3A_47 = tpu.memref_squeeze %dma_wait3A_46 : memref<1x1000xi32, #tpu.memory_space<vmem>> -> memref<1000xi32, #tpu.memory_space<vmem>>
      %dma_wait3A_48 = arith.constant 0 : i32
      %dma_wait3A_49 = arith.constant 0 : i32
      %dma_wait3A_50 = tpu.memref_slice %arg2[%dma_wait3A_48, %dma_wait3A_49] : memref<80000x16xf32, #tpu.memory_space<hbm>> -> memref<80000x16xf32, #tpu.memory_space<hbm>>
      tpu.wait_indirect_dma semaphore(%arg12 : memref<!tpu.dma_semaphore, #tpu.memory_space<semaphore_mem>>) src(%dma_wait3A_50 : memref<80000x16xf32, #tpu.memory_space<hbm>>) dst(%dma_wait3A_44 : memref<1000x16xf32, #tpu.memory_space<vmem>>)
      %scan3A_51 = arith.constant 0 : i32
      %scan3A_52 = arith.constant 0 : i32
      %scan3A_53 = arith.constant 0 : i32
      %scan3A_54 = arith.constant 63 : i32
      %scan3A_55 = arith.addi %scan3A_53, %scan3A_54 : i32
      %scan3A_56 = arith.constant 1 : i32
      scf.for %scan3A_60 = %scan3A_53 to %scan3A_55 step %scan3A_56  : i32 {
        %mul3A_61 = arith.constant 16 : i32
        %mul3A_62 = arith.muli %scan3A_60, %mul3A_61 : i32
        %add3A_63 = arith.constant 0 : i32
        %add3A_64 = arith.addi %add3A_63, %mul3A_62 : i32
        %get3A = arith.constant 0 : i32
        %get3A_65 = tpu.memref_slice %arg9[%scan3A_51, %get3A] : memref<2x1008xf32, #tpu.memory_space<vmem>> -> memref<1x1008xf32, #tpu.memory_space<vmem>>
        %get3A_66 = tpu.memref_squeeze %get3A_65 : memref<1x1008xf32, #tpu.memory_space<vmem>> -> memref<1008xf32, #tpu.memory_space<vmem>>
        %get3A_67 = arith.index_cast %add3A_64 : i32 to index
        %get3A_68 = tpu.vector_load %get3A_66[%get3A_67] {strides = array<i32>} : memref<1008xf32, #tpu.memory_space<vmem>>, vector<16xf32>,
        %get3A_69 = vector.shape_cast %get3A_68 : vector<16xf32> to vector<16xf32>
        %slice3A = vector.extract_strided_slice %get3A_69 {offsets = [0], sizes = [1], strides = [1]} : vector<16xf32> to vector<1xf32>
        %squeeze3A = vector.extract %slice3A[0] : f32 from vector<1xf32>
        %add3A_70 = arith.constant 0 : i32
        %add3A_71 = arith.addi %add3A_64, %add3A_70 : i32
        %get3A_72 = arith.constant 0 : i32
        %get3A_73 = arith.constant 0 : i32
        %get3A_74 = tpu.memref_slice %arg10[%scan3A_52, %get3A_72, %get3A_73] : memref<2x1000x16xf32, #tpu.memory_space<vmem>> -> memref<1x1000x16xf32, #tpu.memory_space<vmem>>
        %get3A_75 = tpu.memref_squeeze %get3A_74 : memref<1x1000x16xf32, #tpu.memory_space<vmem>> -> memref<1000x16xf32, #tpu.memory_space<vmem>>
        %get3A_76 = arith.index_cast %add3A_71 : i32 to index
        %get3A_77 = arith.constant 0 : index
        %get3A_78 = tpu.vector_load %get3A_75[%get3A_76, %get3A_77] {strides = array<i32>} : memref<1000x16xf32, #tpu.memory_space<vmem>>, vector<1x16xf32>,
        %get3A_79 = vector.shape_cast %get3A_78 : vector<1x16xf32> to vector<16xf32>
        %mul3A_80 = vector.broadcast %squeeze3A : f32 to vector<16xf32>
        %mul3A_81 = arith.mulf %get3A_79, %mul3A_80 : vector<16xf32>
        %add3A_82 = arith.constant 0 : i32
        %add3A_83 = arith.addi %add3A_64, %add3A_82 : i32
        %swap3A = arith.constant 0 : i32
        %swap3A_84 = arith.constant 0 : i32
        %swap3A_85 = tpu.memref_slice %arg10[%scan3A_52, %swap3A, %swap3A_84] : memref<2x1000x16xf32, #tpu.memory_space<vmem>> -> memref<1x1000x16xf32, #tpu.memory_space<vmem>>
        %swap3A_86 = tpu.memref_squeeze %swap3A_85 : memref<1x1000x16xf32, #tpu.memory_space<vmem>> -> memref<1000x16xf32, #tpu.memory_space<vmem>>
        %swap3A_87 = arith.index_cast %add3A_83 : i32 to index
        %swap3A_88 = arith.constant 0 : index
        %swap3A_89 = tpu.vector_load %swap3A_86[%swap3A_87, %swap3A_88] {strides = array<i32>} : memref<1000x16xf32, #tpu.memory_space<vmem>>, vector<1x16xf32>,
        %swap3A_90 = vector.shape_cast %swap3A_89 : vector<1x16xf32> to vector<16xf32>
        %swap3A_91 = vector.shape_cast %mul3A_81 : vector<16xf32> to vector<1x16xf32>
        tpu.vector_store %swap3A_86[%swap3A_87, %swap3A_88], %swap3A_91 {strides = array<i32>} : memref<1000x16xf32, #tpu.memory_space<vmem>>, vector<1x16xf32>,
        %slice3A_92 = vector.extract_strided_slice %get3A_69 {offsets = [1], sizes = [1], strides = [1]} : vector<16xf32> to vector<1xf32>
        %squeeze3A_93 = vector.extract %slice3A_92[0] : f32 from vector<1xf32>
        %add3A_94 = arith.constant 1 : i32
        %add3A_95 = arith.addi %add3A_64, %add3A_94 : i32
        %get3A_96 = arith.constant 0 : i32
        %get3A_97 = arith.constant 0 : i32
        %get3A_98 = tpu.memref_slice %arg10[%scan3A_52, %get3A_96, %get3A_97] : memref<2x1000x16xf32, #tpu.memory_space<vmem>> -> memref<1x1000x16xf32, #tpu.memory_space<vmem>>
        %get3A_99 = tpu.memref_squeeze %get3A_98 : memref<1x1000x16xf32, #tpu.memory_space<vmem>> -> memref<1000x16xf32, #tpu.memory_space<vmem>>
        %get3A_100 = arith.index_cast %add3A_95 : i32 to index
        %get3A_101 = arith.constant 0 : index
        %get3A_102 = tpu.vector_load %get3A_99[%get3A_100, %get3A_101] {strides = array<i32>} : memref<1000x16xf32, #tpu.memory_space<vmem>>, vector<1x16xf32>,
        %get3A_103 = vector.shape_cast %get3A_102 : vector<1x16xf32> to vector<16xf32>
        %mul3A_104 = vector.broadcast %squeeze3A_93 : f32 to vector<16xf32>
        %mul3A_105 = arith.mulf %get3A_103, %mul3A_104 : vector<16xf32>
        %add3A_106 = arith.constant 1 : i32
        %add3A_107 = arith.addi %add3A_64, %add3A_106 : i32
        %swap3A_108 = arith.constant 0 : i32
        %swap3A_109 = arith.constant 0 : i32
        %swap3A_110 = tpu.memref_slice %arg10[%scan3A_52, %swap3A_108, %swap3A_109] : memref<2x1000x16xf32, #tpu.memory_space<vmem>> -> memref<1x1000x16xf32, #tpu.memory_space<vmem>>
        %swap3A_111 = tpu.memref_squeeze %swap3A_110 : memref<1x1000x16xf32, #tpu.memory_space<vmem>> -> memref<1000x16xf32, #tpu.memory_space<vmem>>
        %swap3A_112 = arith.index_cast %add3A_107 : i32 to index
        %swap3A_113 = arith.constant 0 : index
        %swap3A_114 = tpu.vector_load %swap3A_111[%swap3A_112, %swap3A_113] {strides = array<i32>} : memref<1000x16xf32, #tpu.memory_space<vmem>>, vector<1x16xf32>,
        %swap3A_115 = vector.shape_cast %swap3A_114 : vector<1x16xf32> to vector<16xf32>
        %swap3A_116 = vector.shape_cast %mul3A_105 : vector<16xf32> to vector<1x16xf32>
        tpu.vector_store %swap3A_111[%swap3A_112, %swap3A_113], %swap3A_116 {strides = array<i32>} : memref<1000x16xf32, #tpu.memory_space<vmem>>, vector<1x16xf32>,
        %slice3A_117 = vector.extract_strided_slice %get3A_69 {offsets = [2], sizes = [1], strides = [1]} : vector<16xf32> to vector<1xf32>
        %squeeze3A_118 = vector.extract %slice3A_117[0] : f32 from vector<1xf32>
        %add3A_119 = arith.constant 2 : i32
        %add3A_120 = arith.addi %add3A_64, %add3A_119 : i32
        %get3A_121 = arith.constant 0 : i32
        %get3A_122 = arith.constant 0 : i32
        %get3A_123 = tpu.memref_slice %arg10[%scan3A_52, %get3A_121, %get3A_122] : memref<2x1000x16xf32, #tpu.memory_space<vmem>> -> memref<1x1000x16xf32, #tpu.memory_space<vmem>>
        %get3A_124 = tpu.memref_squeeze %get3A_123 : memref<1x1000x16xf32, #tpu.memory_space<vmem>> -> memref<1000x16xf32, #tpu.memory_space<vmem>>
        %get3A_125 = arith.index_cast %add3A_120 : i32 to index
        %get3A_126 = arith.constant 0 : index
        %get3A_127 = tpu.vector_load %get3A_124[%get3A_125, %get3A_126] {strides = array<i32>} : memref<1000x16xf32, #tpu.memory_space<vmem>>, vector<1x16xf32>,
        %get3A_128 = vector.shape_cast %get3A_127 : vector<1x16xf32> to vector<16xf32>
        %mul3A_129 = vector.broadcast %squeeze3A_118 : f32 to vector<16xf32>
        %mul3A_130 = arith.mulf %get3A_128, %mul3A_129 : vector<16xf32>
        %add3A_131 = arith.constant 2 : i32
        %add3A_132 = arith.addi %add3A_64, %add3A_131 : i32
        %swap3A_133 = arith.constant 0 : i32
        %swap3A_134 = arith.constant 0 : i32
        %swap3A_135 = tpu.memref_slice %arg10[%scan3A_52, %swap3A_133, %swap3A_134] : memref<2x1000x16xf32, #tpu.memory_space<vmem>> -> memref<1x1000x16xf32, #tpu.memory_space<vmem>>
        %swap3A_136 = tpu.memref_squeeze %swap3A_135 : memref<1x1000x16xf32, #tpu.memory_space<vmem>> -> memref<1000x16xf32, #tpu.memory_space<vmem>>
        %swap3A_137 = arith.index_cast %add3A_132 : i32 to index
        %swap3A_138 = arith.constant 0 : index
        %swap3A_139 = tpu.vector_load %swap3A_136[%swap3A_137, %swap3A_138] {strides = array<i32>} : memref<1000x16xf32, #tpu.memory_space<vmem>>, vector<1x16xf32>,
        %swap3A_140 = vector.shape_cast %swap3A_139 : vector<1x16xf32> to vector<16xf32>
        %swap3A_141 = vector.shape_cast %mul3A_130 : vector<16xf32> to vector<1x16xf32>
        tpu.vector_store %swap3A_136[%swap3A_137, %swap3A_138], %swap3A_141 {strides = array<i32>} : memref<1000x16xf32, #tpu.memory_space<vmem>>, vector<1x16xf32>,
        %slice3A_142 = vector.extract_strided_slice %get3A_69 {offsets = [3], sizes = [1], strides = [1]} : vector<16xf32> to vector<1xf32>
        %squeeze3A_143 = vector.extract %slice3A_142[0] : f32 from vector<1xf32>
        %add3A_144 = arith.constant 3 : i32
        %add3A_145 = arith.addi %add3A_64, %add3A_144 : i32
        %get3A_146 = arith.constant 0 : i32
        %get3A_147 = arith.constant 0 : i32
        %get3A_148 = tpu.memref_slice %arg10[%scan3A_52, %get3A_146, %get3A_147] : memref<2x1000x16xf32, #tpu.memory_space<vmem>> -> memref<1x1000x16xf32, #tpu.memory_space<vmem>>
        %get3A_149 = tpu.memref_squeeze %get3A_148 : memref<1x1000x16xf32, #tpu.memory_space<vmem>> -> memref<1000x16xf32, #tpu.memory_space<vmem>>
        %get3A_150 = arith.index_cast %add3A_145 : i32 to index
        %get3A_151 = arith.constant 0 : index
        %get3A_152 = tpu.vector_load %get3A_149[%get3A_150, %get3A_151] {strides = array<i32>} : memref<1000x16xf32, #tpu.memory_space<vmem>>, vector<1x16xf32>,
        %get3A_153 = vector.shape_cast %get3A_152 : vector<1x16xf32> to vector<16xf32>
        %mul3A_154 = vector.broadcast %squeeze3A_143 : f32 to vector<16xf32>
        %mul3A_155 = arith.mulf %get3A_153, %mul3A_154 : vector<16xf32>
        %add3A_156 = arith.constant 3 : i32
        %add3A_157 = arith.addi %add3A_64, %add3A_156 : i32
        %swap3A_158 = arith.constant 0 : i32
        %swap3A_159 = arith.constant 0 : i32
        %swap3A_160 = tpu.memref_slice %arg10[%scan3A_52, %swap3A_158, %swap3A_159] : memref<2x1000x16xf32, #tpu.memory_space<vmem>> -> memref<1x1000x16xf32, #tpu.memory_space<vmem>>
        %swap3A_161 = tpu.memref_squeeze %swap3A_160 : memref<1x1000x16xf32, #tpu.memory_space<vmem>> -> memref<1000x16xf32, #tpu.memory_space<vmem>>
        %swap3A_162 = arith.index_cast %add3A_157 : i32 to index
        %swap3A_163 = arith.constant 0 : index
        %swap3A_164 = tpu.vector_load %swap3A_161[%swap3A_162, %swap3A_163] {strides = array<i32>} : memref<1000x16xf32, #tpu.memory_space<vmem>>, vector<1x16xf32>,
        %swap3A_165 = vector.shape_cast %swap3A_164 : vector<1x16xf32> to vector<16xf32>
        %swap3A_166 = vector.shape_cast %mul3A_155 : vector<16xf32> to vector<1x16xf32>
        tpu.vector_store %swap3A_161[%swap3A_162, %swap3A_163], %swap3A_166 {strides = array<i32>} : memref<1000x16xf32, #tpu.memory_space<vmem>>, vector<1x16xf32>,
        %slice3A_167 = vector.extract_strided_slice %get3A_69 {offsets = [4], sizes = [1], strides = [1]} : vector<16xf32> to vector<1xf32>
        %squeeze3A_168 = vector.extract %slice3A_167[0] : f32 from vector<1xf32>
        %add3A_169 = arith.constant 4 : i32
        %add3A_170 = arith.addi %add3A_64, %add3A_169 : i32
        %get3A_171 = arith.constant 0 : i32
        %get3A_172 = arith.constant 0 : i32
        %get3A_173 = tpu.memref_slice %arg10[%scan3A_52, %get3A_171, %get3A_172] : memref<2x1000x16xf32, #tpu.memory_space<vmem>> -> memref<1x1000x16xf32, #tpu.memory_space<vmem>>
        %get3A_174 = tpu.memref_squeeze %get3A_173 : memref<1x1000x16xf32, #tpu.memory_space<vmem>> -> memref<1000x16xf32, #tpu.memory_space<vmem>>
        %get3A_175 = arith.index_cast %add3A_170 : i32 to index
        %get3A_176 = arith.constant 0 : index
        %get3A_177 = tpu.vector_load %get3A_174[%get3A_175, %get3A_176] {strides = array<i32>} : memref<1000x16xf32, #tpu.memory_space<vmem>>, vector<1x16xf32>,
        %get3A_178 = vector.shape_cast %get3A_177 : vector<1x16xf32> to vector<16xf32>
        %mul3A_179 = vector.broadcast %squeeze3A_168 : f32 to vector<16xf32>
        %mul3A_180 = arith.mulf %get3A_178, %mul3A_179 : vector<16xf32>
        %add3A_181 = arith.constant 4 : i32
        %add3A_182 = arith.addi %add3A_64, %add3A_181 : i32
        %swap3A_183 = arith.constant 0 : i32
        %swap3A_184 = arith.constant 0 : i32
        %swap3A_185 = tpu.memref_slice %arg10[%scan3A_52, %swap3A_183, %swap3A_184] : memref<2x1000x16xf32, #tpu.memory_space<vmem>> -> memref<1x1000x16xf32, #tpu.memory_space<vmem>>
        %swap3A_186 = tpu.memref_squeeze %swap3A_185 : memref<1x1000x16xf32, #tpu.memory_space<vmem>> -> memref<1000x16xf32, #tpu.memory_space<vmem>>
        %swap3A_187 = arith.index_cast %add3A_182 : i32 to index
        %swap3A_188 = arith.constant 0 : index
        %swap3A_189 = tpu.vector_load %swap3A_186[%swap3A_187, %swap3A_188] {strides = array<i32>} : memref<1000x16xf32, #tpu.memory_space<vmem>>, vector<1x16xf32>,
        %swap3A_190 = vector.shape_cast %swap3A_189 : vector<1x16xf32> to vector<16xf32>
        %swap3A_191 = vector.shape_cast %mul3A_180 : vector<16xf32> to vector<1x16xf32>
        tpu.vector_store %swap3A_186[%swap3A_187, %swap3A_188], %swap3A_191 {strides = array<i32>} : memref<1000x16xf32, #tpu.memory_space<vmem>>, vector<1x16xf32>,
        %slice3A_192 = vector.extract_strided_slice %get3A_69 {offsets = [5], sizes = [1], strides = [1]} : vector<16xf32> to vector<1xf32>
        %squeeze3A_193 = vector.extract %slice3A_192[0] : f32 from vector<1xf32>
        %add3A_194 = arith.constant 5 : i32
        %add3A_195 = arith.addi %add3A_64, %add3A_194 : i32
        %get3A_196 = arith.constant 0 : i32
        %get3A_197 = arith.constant 0 : i32
        %get3A_198 = tpu.memref_slice %arg10[%scan3A_52, %get3A_196, %get3A_197] : memref<2x1000x16xf32, #tpu.memory_space<vmem>> -> memref<1x1000x16xf32, #tpu.memory_space<vmem>>
        %get3A_199 = tpu.memref_squeeze %get3A_198 : memref<1x1000x16xf32, #tpu.memory_space<vmem>> -> memref<1000x16xf32, #tpu.memory_space<vmem>>
        %get3A_200 = arith.index_cast %add3A_195 : i32 to index
        %get3A_201 = arith.constant 0 : index
        %get3A_202 = tpu.vector_load %get3A_199[%get3A_200, %get3A_201] {strides = array<i32>} : memref<1000x16xf32, #tpu.memory_space<vmem>>, vector<1x16xf32>,
        %get3A_203 = vector.shape_cast %get3A_202 : vector<1x16xf32> to vector<16xf32>
        %mul3A_204 = vector.broadcast %squeeze3A_193 : f32 to vector<16xf32>
        %mul3A_205 = arith.mulf %get3A_203, %mul3A_204 : vector<16xf32>
        %add3A_206 = arith.constant 5 : i32
        %add3A_207 = arith.addi %add3A_64, %add3A_206 : i32
        %swap3A_208 = arith.constant 0 : i32
        %swap3A_209 = arith.constant 0 : i32
        %swap3A_210 = tpu.memref_slice %arg10[%scan3A_52, %swap3A_208, %swap3A_209] : memref<2x1000x16xf32, #tpu.memory_space<vmem>> -> memref<1x1000x16xf32, #tpu.memory_space<vmem>>
        %swap3A_211 = tpu.memref_squeeze %swap3A_210 : memref<1x1000x16xf32, #tpu.memory_space<vmem>> -> memref<1000x16xf32, #tpu.memory_space<vmem>>
        %swap3A_212 = arith.index_cast %add3A_207 : i32 to index
        %swap3A_213 = arith.constant 0 : index
        %swap3A_214 = tpu.vector_load %swap3A_211[%swap3A_212, %swap3A_213] {strides = array<i32>} : memref<1000x16xf32, #tpu.memory_space<vmem>>, vector<1x16xf32>,
        %swap3A_215 = vector.shape_cast %swap3A_214 : vector<1x16xf32> to vector<16xf32>
        %swap3A_216 = vector.shape_cast %mul3A_205 : vector<16xf32> to vector<1x16xf32>
        tpu.vector_store %swap3A_211[%swap3A_212, %swap3A_213], %swap3A_216 {strides = array<i32>} : memref<1000x16xf32, #tpu.memory_space<vmem>>, vector<1x16xf32>,
        %slice3A_217 = vector.extract_strided_slice %get3A_69 {offsets = [6], sizes = [1], strides = [1]} : vector<16xf32> to vector<1xf32>
        %squeeze3A_218 = vector.extract %slice3A_217[0] : f32 from vector<1xf32>
        %add3A_219 = arith.constant 6 : i32
        %add3A_220 = arith.addi %add3A_64, %add3A_219 : i32
        %get3A_221 = arith.constant 0 : i32
        %get3A_222 = arith.constant 0 : i32
        %get3A_223 = tpu.memref_slice %arg10[%scan3A_52, %get3A_221, %get3A_222] : memref<2x1000x16xf32, #tpu.memory_space<vmem>> -> memref<1x1000x16xf32, #tpu.memory_space<vmem>>
        %get3A_224 = tpu.memref_squeeze %get3A_223 : memref<1x1000x16xf32, #tpu.memory_space<vmem>> -> memref<1000x16xf32, #tpu.memory_space<vmem>>
        %get3A_225 = arith.index_cast %add3A_220 : i32 to index
        %get3A_226 = arith.constant 0 : index
        %get3A_227 = tpu.vector_load %get3A_224[%get3A_225, %get3A_226] {strides = array<i32>} : memref<1000x16xf32, #tpu.memory_space<vmem>>, vector<1x16xf32>,
        %get3A_228 = vector.shape_cast %get3A_227 : vector<1x16xf32> to vector<16xf32>
        %mul3A_229 = vector.broadcast %squeeze3A_218 : f32 to vector<16xf32>
        %mul3A_230 = arith.mulf %get3A_228, %mul3A_229 : vector<16xf32>
        %add3A_231 = arith.constant 6 : i32
        %add3A_232 = arith.addi %add3A_64, %add3A_231 : i32
        %swap3A_233 = arith.constant 0 : i32
        %swap3A_234 = arith.constant 0 : i32
        %swap3A_235 = tpu.memref_slice %arg10[%scan3A_52, %swap3A_233, %swap3A_234] : memref<2x1000x16xf32, #tpu.memory_space<vmem>> -> memref<1x1000x16xf32, #tpu.memory_space<vmem>>
        %swap3A_236 = tpu.memref_squeeze %swap3A_235 : memref<1x1000x16xf32, #tpu.memory_space<vmem>> -> memref<1000x16xf32, #tpu.memory_space<vmem>>
        %swap3A_237 = arith.index_cast %add3A_232 : i32 to index
        %swap3A_238 = arith.constant 0 : index
        %swap3A_239 = tpu.vector_load %swap3A_236[%swap3A_237, %swap3A_238] {strides = array<i32>} : memref<1000x16xf32, #tpu.memory_space<vmem>>, vector<1x16xf32>,
        %swap3A_240 = vector.shape_cast %swap3A_239 : vector<1x16xf32> to vector<16xf32>
        %swap3A_241 = vector.shape_cast %mul3A_230 : vector<16xf32> to vector<1x16xf32>
        tpu.vector_store %swap3A_236[%swap3A_237, %swap3A_238], %swap3A_241 {strides = array<i32>} : memref<1000x16xf32, #tpu.memory_space<vmem>>, vector<1x16xf32>,
        %slice3A_242 = vector.extract_strided_slice %get3A_69 {offsets = [7], sizes = [1], strides = [1]} : vector<16xf32> to vector<1xf32>
        %squeeze3A_243 = vector.extract %slice3A_242[0] : f32 from vector<1xf32>
        %add3A_244 = arith.constant 7 : i32
        %add3A_245 = arith.addi %add3A_64, %add3A_244 : i32
        %get3A_246 = arith.constant 0 : i32
        %get3A_247 = arith.constant 0 : i32
        %get3A_248 = tpu.memref_slice %arg10[%scan3A_52, %get3A_246, %get3A_247] : memref<2x1000x16xf32, #tpu.memory_space<vmem>> -> memref<1x1000x16xf32, #tpu.memory_space<vmem>>
        %get3A_249 = tpu.memref_squeeze %get3A_248 : memref<1x1000x16xf32, #tpu.memory_space<vmem>> -> memref<1000x16xf32, #tpu.memory_space<vmem>>
        %get3A_250 = arith.index_cast %add3A_245 : i32 to index
        %get3A_251 = arith.constant 0 : index
        %get3A_252 = tpu.vector_load %get3A_249[%get3A_250, %get3A_251] {strides = array<i32>} : memref<1000x16xf32, #tpu.memory_space<vmem>>, vector<1x16xf32>,
        %get3A_253 = vector.shape_cast %get3A_252 : vector<1x16xf32> to vector<16xf32>
        %mul3A_254 = vector.broadcast %squeeze3A_243 : f32 to vector<16xf32>
        %mul3A_255 = arith.mulf %get3A_253, %mul3A_254 : vector<16xf32>
        %add3A_256 = arith.constant 7 : i32
        %add3A_257 = arith.addi %add3A_64, %add3A_256 : i32
        %swap3A_258 = arith.constant 0 : i32
        %swap3A_259 = arith.constant 0 : i32
        %swap3A_260 = tpu.memref_slice %arg10[%scan3A_52, %swap3A_258, %swap3A_259] : memref<2x1000x16xf32, #tpu.memory_space<vmem>> -> memref<1x1000x16xf32, #tpu.memory_space<vmem>>
        %swap3A_261 = tpu.memref_squeeze %swap3A_260 : memref<1x1000x16xf32, #tpu.memory_space<vmem>> -> memref<1000x16xf32, #tpu.memory_space<vmem>>
        %swap3A_262 = arith.index_cast %add3A_257 : i32 to index
        %swap3A_263 = arith.constant 0 : index
        %swap3A_264 = tpu.vector_load %swap3A_261[%swap3A_262, %swap3A_263] {strides = array<i32>} : memref<1000x16xf32, #tpu.memory_space<vmem>>, vector<1x16xf32>,
        %swap3A_265 = vector.shape_cast %swap3A_264 : vector<1x16xf32> to vector<16xf32>
        %swap3A_266 = vector.shape_cast %mul3A_255 : vector<16xf32> to vector<1x16xf32>
        tpu.vector_store %swap3A_261[%swap3A_262, %swap3A_263], %swap3A_266 {strides = array<i32>} : memref<1000x16xf32, #tpu.memory_space<vmem>>, vector<1x16xf32>,
        %slice3A_267 = vector.extract_strided_slice %get3A_69 {offsets = [8], sizes = [1], strides = [1]} : vector<16xf32> to vector<1xf32>
        %squeeze3A_268 = vector.extract %slice3A_267[0] : f32 from vector<1xf32>
        %add3A_269 = arith.constant 8 : i32
        %add3A_270 = arith.addi %add3A_64, %add3A_269 : i32
        %get3A_271 = arith.constant 0 : i32
        %get3A_272 = arith.constant 0 : i32
        %get3A_273 = tpu.memref_slice %arg10[%scan3A_52, %get3A_271, %get3A_272] : memref<2x1000x16xf32, #tpu.memory_space<vmem>> -> memref<1x1000x16xf32, #tpu.memory_space<vmem>>
        %get3A_274 = tpu.memref_squeeze %get3A_273 : memref<1x1000x16xf32, #tpu.memory_space<vmem>> -> memref<1000x16xf32, #tpu.memory_space<vmem>>
        %get3A_275 = arith.index_cast %add3A_270 : i32 to index
        %get3A_276 = arith.constant 0 : index
        %get3A_277 = tpu.vector_load %get3A_274[%get3A_275, %get3A_276] {strides = array<i32>} : memref<1000x16xf32, #tpu.memory_space<vmem>>, vector<1x16xf32>,
        %get3A_278 = vector.shape_cast %get3A_277 : vector<1x16xf32> to vector<16xf32>
        %mul3A_279 = vector.broadcast %squeeze3A_268 : f32 to vector<16xf32>
        %mul3A_280 = arith.mulf %get3A_278, %mul3A_279 : vector<16xf32>
        %add3A_281 = arith.constant 8 : i32
        %add3A_282 = arith.addi %add3A_64, %add3A_281 : i32
        %swap3A_283 = arith.constant 0 : i32
        %swap3A_284 = arith.constant 0 : i32
        %swap3A_285 = tpu.memref_slice %arg10[%scan3A_52, %swap3A_283, %swap3A_284] : memref<2x1000x16xf32, #tpu.memory_space<vmem>> -> memref<1x1000x16xf32, #tpu.memory_space<vmem>>
        %swap3A_286 = tpu.memref_squeeze %swap3A_285 : memref<1x1000x16xf32, #tpu.memory_space<vmem>> -> memref<1000x16xf32, #tpu.memory_space<vmem>>
        %swap3A_287 = arith.index_cast %add3A_282 : i32 to index
        %swap3A_288 = arith.constant 0 : index
        %swap3A_289 = tpu.vector_load %swap3A_286[%swap3A_287, %swap3A_288] {strides = array<i32>} : memref<1000x16xf32, #tpu.memory_space<vmem>>, vector<1x16xf32>,
        %swap3A_290 = vector.shape_cast %swap3A_289 : vector<1x16xf32> to vector<16xf32>
        %swap3A_291 = vector.shape_cast %mul3A_280 : vector<16xf32> to vector<1x16xf32>
        tpu.vector_store %swap3A_286[%swap3A_287, %swap3A_288], %swap3A_291 {strides = array<i32>} : memref<1000x16xf32, #tpu.memory_space<vmem>>, vector<1x16xf32>,
        %slice3A_292 = vector.extract_strided_slice %get3A_69 {offsets = [9], sizes = [1], strides = [1]} : vector<16xf32> to vector<1xf32>
        %squeeze3A_293 = vector.extract %slice3A_292[0] : f32 from vector<1xf32>
        %add3A_294 = arith.constant 9 : i32
        %add3A_295 = arith.addi %add3A_64, %add3A_294 : i32
        %get3A_296 = arith.constant 0 : i32
        %get3A_297 = arith.constant 0 : i32
        %get3A_298 = tpu.memref_slice %arg10[%scan3A_52, %get3A_296, %get3A_297] : memref<2x1000x16xf32, #tpu.memory_space<vmem>> -> memref<1x1000x16xf32, #tpu.memory_space<vmem>>
        %get3A_299 = tpu.memref_squeeze %get3A_298 : memref<1x1000x16xf32, #tpu.memory_space<vmem>> -> memref<1000x16xf32, #tpu.memory_space<vmem>>
        %get3A_300 = arith.index_cast %add3A_295 : i32 to index
        %get3A_301 = arith.constant 0 : index
        %get3A_302 = tpu.vector_load %get3A_299[%get3A_300, %get3A_301] {strides = array<i32>} : memref<1000x16xf32, #tpu.memory_space<vmem>>, vector<1x16xf32>,
        %get3A_303 = vector.shape_cast %get3A_302 : vector<1x16xf32> to vector<16xf32>
        %mul3A_304 = vector.broadcast %squeeze3A_293 : f32 to vector<16xf32>
        %mul3A_305 = arith.mulf %get3A_303, %mul3A_304 : vector<16xf32>
        %add3A_306 = arith.constant 9 : i32
        %add3A_307 = arith.addi %add3A_64, %add3A_306 : i32
        %swap3A_308 = arith.constant 0 : i32
        %swap3A_309 = arith.constant 0 : i32
        %swap3A_310 = tpu.memref_slice %arg10[%scan3A_52, %swap3A_308, %swap3A_309] : memref<2x1000x16xf32, #tpu.memory_space<vmem>> -> memref<1x1000x16xf32, #tpu.memory_space<vmem>>
        %swap3A_311 = tpu.memref_squeeze %swap3A_310 : memref<1x1000x16xf32, #tpu.memory_space<vmem>> -> memref<1000x16xf32, #tpu.memory_space<vmem>>
        %swap3A_312 = arith.index_cast %add3A_307 : i32 to index
        %swap3A_313 = arith.constant 0 : index
        %swap3A_314 = tpu.vector_load %swap3A_311[%swap3A_312, %swap3A_313] {strides = array<i32>} : memref<1000x16xf32, #tpu.memory_space<vmem>>, vector<1x16xf32>,
        %swap3A_315 = vector.shape_cast %swap3A_314 : vector<1x16xf32> to vector<16xf32>
        %swap3A_316 = vector.shape_cast %mul3A_305 : vector<16xf32> to vector<1x16xf32>
        tpu.vector_store %swap3A_311[%swap3A_312, %swap3A_313], %swap3A_316 {strides = array<i32>} : memref<1000x16xf32, #tpu.memory_space<vmem>>, vector<1x16xf32>,
        %slice3A_317 = vector.extract_strided_slice %get3A_69 {offsets = [10], sizes = [1], strides = [1]} : vector<16xf32> to vector<1xf32>
        %squeeze3A_318 = vector.extract %slice3A_317[0] : f32 from vector<1xf32>
        %add3A_319 = arith.constant 10 : i32
        %add3A_320 = arith.addi %add3A_64, %add3A_319 : i32
        %get3A_321 = arith.constant 0 : i32
        %get3A_322 = arith.constant 0 : i32
        %get3A_323 = tpu.memref_slice %arg10[%scan3A_52, %get3A_321, %get3A_322] : memref<2x1000x16xf32, #tpu.memory_space<vmem>> -> memref<1x1000x16xf32, #tpu.memory_space<vmem>>
        %get3A_324 = tpu.memref_squeeze %get3A_323 : memref<1x1000x16xf32, #tpu.memory_space<vmem>> -> memref<1000x16xf32, #tpu.memory_space<vmem>>
        %get3A_325 = arith.index_cast %add3A_320 : i32 to index
        %get3A_326 = arith.constant 0 : index
        %get3A_327 = tpu.vector_load %get3A_324[%get3A_325, %get3A_326] {strides = array<i32>} : memref<1000x16xf32, #tpu.memory_space<vmem>>, vector<1x16xf32>,
        %get3A_328 = vector.shape_cast %get3A_327 : vector<1x16xf32> to vector<16xf32>
        %mul3A_329 = vector.broadcast %squeeze3A_318 : f32 to vector<16xf32>
        %mul3A_330 = arith.mulf %get3A_328, %mul3A_329 : vector<16xf32>
        %add3A_331 = arith.constant 10 : i32
        %add3A_332 = arith.addi %add3A_64, %add3A_331 : i32
        %swap3A_333 = arith.constant 0 : i32
        %swap3A_334 = arith.constant 0 : i32
        %swap3A_335 = tpu.memref_slice %arg10[%scan3A_52, %swap3A_333, %swap3A_334] : memref<2x1000x16xf32, #tpu.memory_space<vmem>> -> memref<1x1000x16xf32, #tpu.memory_space<vmem>>
        %swap3A_336 = tpu.memref_squeeze %swap3A_335 : memref<1x1000x16xf32, #tpu.memory_space<vmem>> -> memref<1000x16xf32, #tpu.memory_space<vmem>>
        %swap3A_337 = arith.index_cast %add3A_332 : i32 to index
        %swap3A_338 = arith.constant 0 : index
        %swap3A_339 = tpu.vector_load %swap3A_336[%swap3A_337, %swap3A_338] {strides = array<i32>} : memref<1000x16xf32, #tpu.memory_space<vmem>>, vector<1x16xf32>,
        %swap3A_340 = vector.shape_cast %swap3A_339 : vector<1x16xf32> to vector<16xf32>
        %swap3A_341 = vector.shape_cast %mul3A_330 : vector<16xf32> to vector<1x16xf32>
        tpu.vector_store %swap3A_336[%swap3A_337, %swap3A_338], %swap3A_341 {strides = array<i32>} : memref<1000x16xf32, #tpu.memory_space<vmem>>, vector<1x16xf32>,
        %slice3A_342 = vector.extract_strided_slice %get3A_69 {offsets = [11], sizes = [1], strides = [1]} : vector<16xf32> to vector<1xf32>
        %squeeze3A_343 = vector.extract %slice3A_342[0] : f32 from vector<1xf32>
        %add3A_344 = arith.constant 11 : i32
        %add3A_345 = arith.addi %add3A_64, %add3A_344 : i32
        %get3A_346 = arith.constant 0 : i32
        %get3A_347 = arith.constant 0 : i32
        %get3A_348 = tpu.memref_slice %arg10[%scan3A_52, %get3A_346, %get3A_347] : memref<2x1000x16xf32, #tpu.memory_space<vmem>> -> memref<1x1000x16xf32, #tpu.memory_space<vmem>>
        %get3A_349 = tpu.memref_squeeze %get3A_348 : memref<1x1000x16xf32, #tpu.memory_space<vmem>> -> memref<1000x16xf32, #tpu.memory_space<vmem>>
        %get3A_350 = arith.index_cast %add3A_345 : i32 to index
        %get3A_351 = arith.constant 0 : index
        %get3A_352 = tpu.vector_load %get3A_349[%get3A_350, %get3A_351] {strides = array<i32>} : memref<1000x16xf32, #tpu.memory_space<vmem>>, vector<1x16xf32>,
        %get3A_353 = vector.shape_cast %get3A_352 : vector<1x16xf32> to vector<16xf32>
        %mul3A_354 = vector.broadcast %squeeze3A_343 : f32 to vector<16xf32>
        %mul3A_355 = arith.mulf %get3A_353, %mul3A_354 : vector<16xf32>
        %add3A_356 = arith.constant 11 : i32
        %add3A_357 = arith.addi %add3A_64, %add3A_356 : i32
        %swap3A_358 = arith.constant 0 : i32
        %swap3A_359 = arith.constant 0 : i32
        %swap3A_360 = tpu.memref_slice %arg10[%scan3A_52, %swap3A_358, %swap3A_359] : memref<2x1000x16xf32, #tpu.memory_space<vmem>> -> memref<1x1000x16xf32, #tpu.memory_space<vmem>>
        %swap3A_361 = tpu.memref_squeeze %swap3A_360 : memref<1x1000x16xf32, #tpu.memory_space<vmem>> -> memref<1000x16xf32, #tpu.memory_space<vmem>>
        %swap3A_362 = arith.index_cast %add3A_357 : i32 to index
        %swap3A_363 = arith.constant 0 : index
        %swap3A_364 = tpu.vector_load %swap3A_361[%swap3A_362, %swap3A_363] {strides = array<i32>} : memref<1000x16xf32, #tpu.memory_space<vmem>>, vector<1x16xf32>,
        %swap3A_365 = vector.shape_cast %swap3A_364 : vector<1x16xf32> to vector<16xf32>
        %swap3A_366 = vector.shape_cast %mul3A_355 : vector<16xf32> to vector<1x16xf32>
        tpu.vector_store %swap3A_361[%swap3A_362, %swap3A_363], %swap3A_366 {strides = array<i32>} : memref<1000x16xf32, #tpu.memory_space<vmem>>, vector<1x16xf32>,
        %slice3A_367 = vector.extract_strided_slice %get3A_69 {offsets = [12], sizes = [1], strides = [1]} : vector<16xf32> to vector<1xf32>
        %squeeze3A_368 = vector.extract %slice3A_367[0] : f32 from vector<1xf32>
        %add3A_369 = arith.constant 12 : i32
        %add3A_370 = arith.addi %add3A_64, %add3A_369 : i32
        %get3A_371 = arith.constant 0 : i32
        %get3A_372 = arith.constant 0 : i32
        %get3A_373 = tpu.memref_slice %arg10[%scan3A_52, %get3A_371, %get3A_372] : memref<2x1000x16xf32, #tpu.memory_space<vmem>> -> memref<1x1000x16xf32, #tpu.memory_space<vmem>>
        %get3A_374 = tpu.memref_squeeze %get3A_373 : memref<1x1000x16xf32, #tpu.memory_space<vmem>> -> memref<1000x16xf32, #tpu.memory_space<vmem>>
        %get3A_375 = arith.index_cast %add3A_370 : i32 to index
        %get3A_376 = arith.constant 0 : index
        %get3A_377 = tpu.vector_load %get3A_374[%get3A_375, %get3A_376] {strides = array<i32>} : memref<1000x16xf32, #tpu.memory_space<vmem>>, vector<1x16xf32>,
        %get3A_378 = vector.shape_cast %get3A_377 : vector<1x16xf32> to vector<16xf32>
        %mul3A_379 = vector.broadcast %squeeze3A_368 : f32 to vector<16xf32>
        %mul3A_380 = arith.mulf %get3A_378, %mul3A_379 : vector<16xf32>
        %add3A_381 = arith.constant 12 : i32
        %add3A_382 = arith.addi %add3A_64, %add3A_381 : i32
        %swap3A_383 = arith.constant 0 : i32
        %swap3A_384 = arith.constant 0 : i32
        %swap3A_385 = tpu.memref_slice %arg10[%scan3A_52, %swap3A_383, %swap3A_384] : memref<2x1000x16xf32, #tpu.memory_space<vmem>> -> memref<1x1000x16xf32, #tpu.memory_space<vmem>>
        %swap3A_386 = tpu.memref_squeeze %swap3A_385 : memref<1x1000x16xf32, #tpu.memory_space<vmem>> -> memref<1000x16xf32, #tpu.memory_space<vmem>>
        %swap3A_387 = arith.index_cast %add3A_382 : i32 to index
        %swap3A_388 = arith.constant 0 : index
        %swap3A_389 = tpu.vector_load %swap3A_386[%swap3A_387, %swap3A_388] {strides = array<i32>} : memref<1000x16xf32, #tpu.memory_space<vmem>>, vector<1x16xf32>,
        %swap3A_390 = vector.shape_cast %swap3A_389 : vector<1x16xf32> to vector<16xf32>
        %swap3A_391 = vector.shape_cast %mul3A_380 : vector<16xf32> to vector<1x16xf32>
        tpu.vector_store %swap3A_386[%swap3A_387, %swap3A_388], %swap3A_391 {strides = array<i32>} : memref<1000x16xf32, #tpu.memory_space<vmem>>, vector<1x16xf32>,
        %slice3A_392 = vector.extract_strided_slice %get3A_69 {offsets = [13], sizes = [1], strides = [1]} : vector<16xf32> to vector<1xf32>
        %squeeze3A_393 = vector.extract %slice3A_392[0] : f32 from vector<1xf32>
        %add3A_394 = arith.constant 13 : i32
        %add3A_395 = arith.addi %add3A_64, %add3A_394 : i32
        %get3A_396 = arith.constant 0 : i32
        %get3A_397 = arith.constant 0 : i32
        %get3A_398 = tpu.memref_slice %arg10[%scan3A_52, %get3A_396, %get3A_397] : memref<2x1000x16xf32, #tpu.memory_space<vmem>> -> memref<1x1000x16xf32, #tpu.memory_space<vmem>>
        %get3A_399 = tpu.memref_squeeze %get3A_398 : memref<1x1000x16xf32, #tpu.memory_space<vmem>> -> memref<1000x16xf32, #tpu.memory_space<vmem>>
        %get3A_400 = arith.index_cast %add3A_395 : i32 to index
        %get3A_401 = arith.constant 0 : index
        %get3A_402 = tpu.vector_load %get3A_399[%get3A_400, %get3A_401] {strides = array<i32>} : memref<1000x16xf32, #tpu.memory_space<vmem>>, vector<1x16xf32>,
        %get3A_403 = vector.shape_cast %get3A_402 : vector<1x16xf32> to vector<16xf32>
        %mul3A_404 = vector.broadcast %squeeze3A_393 : f32 to vector<16xf32>
        %mul3A_405 = arith.mulf %get3A_403, %mul3A_404 : vector<16xf32>
        %add3A_406 = arith.constant 13 : i32
        %add3A_407 = arith.addi %add3A_64, %add3A_406 : i32
        %swap3A_408 = arith.constant 0 : i32
        %swap3A_409 = arith.constant 0 : i32
        %swap3A_410 = tpu.memref_slice %arg10[%scan3A_52, %swap3A_408, %swap3A_409] : memref<2x1000x16xf32, #tpu.memory_space<vmem>> -> memref<1x1000x16xf32, #tpu.memory_space<vmem>>
        %swap3A_411 = tpu.memref_squeeze %swap3A_410 : memref<1x1000x16xf32, #tpu.memory_space<vmem>> -> memref<1000x16xf32, #tpu.memory_space<vmem>>
        %swap3A_412 = arith.index_cast %add3A_407 : i32 to index
        %swap3A_413 = arith.constant 0 : index
        %swap3A_414 = tpu.vector_load %swap3A_411[%swap3A_412, %swap3A_413] {strides = array<i32>} : memref<1000x16xf32, #tpu.memory_space<vmem>>, vector<1x16xf32>,
        %swap3A_415 = vector.shape_cast %swap3A_414 : vector<1x16xf32> to vector<16xf32>
        %swap3A_416 = vector.shape_cast %mul3A_405 : vector<16xf32> to vector<1x16xf32>
        tpu.vector_store %swap3A_411[%swap3A_412, %swap3A_413], %swap3A_416 {strides = array<i32>} : memref<1000x16xf32, #tpu.memory_space<vmem>>, vector<1x16xf32>,
        %slice3A_417 = vector.extract_strided_slice %get3A_69 {offsets = [14], sizes = [1], strides = [1]} : vector<16xf32> to vector<1xf32>
        %squeeze3A_418 = vector.extract %slice3A_417[0] : f32 from vector<1xf32>
        %add3A_419 = arith.constant 14 : i32
        %add3A_420 = arith.addi %add3A_64, %add3A_419 : i32
        %get3A_421 = arith.constant 0 : i32
        %get3A_422 = arith.constant 0 : i32
        %get3A_423 = tpu.memref_slice %arg10[%scan3A_52, %get3A_421, %get3A_422] : memref<2x1000x16xf32, #tpu.memory_space<vmem>> -> memref<1x1000x16xf32, #tpu.memory_space<vmem>>
        %get3A_424 = tpu.memref_squeeze %get3A_423 : memref<1x1000x16xf32, #tpu.memory_space<vmem>> -> memref<1000x16xf32, #tpu.memory_space<vmem>>
        %get3A_425 = arith.index_cast %add3A_420 : i32 to index
        %get3A_426 = arith.constant 0 : index
        %get3A_427 = tpu.vector_load %get3A_424[%get3A_425, %get3A_426] {strides = array<i32>} : memref<1000x16xf32, #tpu.memory_space<vmem>>, vector<1x16xf32>,
        %get3A_428 = vector.shape_cast %get3A_427 : vector<1x16xf32> to vector<16xf32>
        %mul3A_429 = vector.broadcast %squeeze3A_418 : f32 to vector<16xf32>
        %mul3A_430 = arith.mulf %get3A_428, %mul3A_429 : vector<16xf32>
        %add3A_431 = arith.constant 14 : i32
        %add3A_432 = arith.addi %add3A_64, %add3A_431 : i32
        %swap3A_433 = arith.constant 0 : i32
        %swap3A_434 = arith.constant 0 : i32
        %swap3A_435 = tpu.memref_slice %arg10[%scan3A_52, %swap3A_433, %swap3A_434] : memref<2x1000x16xf32, #tpu.memory_space<vmem>> -> memref<1x1000x16xf32, #tpu.memory_space<vmem>>
        %swap3A_436 = tpu.memref_squeeze %swap3A_435 : memref<1x1000x16xf32, #tpu.memory_space<vmem>> -> memref<1000x16xf32, #tpu.memory_space<vmem>>
        %swap3A_437 = arith.index_cast %add3A_432 : i32 to index
        %swap3A_438 = arith.constant 0 : index
        %swap3A_439 = tpu.vector_load %swap3A_436[%swap3A_437, %swap3A_438] {strides = array<i32>} : memref<1000x16xf32, #tpu.memory_space<vmem>>, vector<1x16xf32>,
        %swap3A_440 = vector.shape_cast %swap3A_439 : vector<1x16xf32> to vector<16xf32>
        %swap3A_441 = vector.shape_cast %mul3A_430 : vector<16xf32> to vector<1x16xf32>
        tpu.vector_store %swap3A_436[%swap3A_437, %swap3A_438], %swap3A_441 {strides = array<i32>} : memref<1000x16xf32, #tpu.memory_space<vmem>>, vector<1x16xf32>,
        %slice3A_442 = vector.extract_strided_slice %get3A_69 {offsets = [15], sizes = [1], strides = [1]} : vector<16xf32> to vector<1xf32>
        %squeeze3A_443 = vector.extract %slice3A_442[0] : f32 from vector<1xf32>
        %add3A_444 = arith.constant 15 : i32
        %add3A_445 = arith.addi %add3A_64, %add3A_444 : i32
        %get3A_446 = arith.constant 0 : i32
        %get3A_447 = arith.constant 0 : i32
        %get3A_448 = tpu.memref_slice %arg10[%scan3A_52, %get3A_446, %get3A_447] : memref<2x1000x16xf32, #tpu.memory_space<vmem>> -> memref<1x1000x16xf32, #tpu.memory_space<vmem>>
        %get3A_449 = tpu.memref_squeeze %get3A_448 : memref<1x1000x16xf32, #tpu.memory_space<vmem>> -> memref<1000x16xf32, #tpu.memory_space<vmem>>
        %get3A_450 = arith.index_cast %add3A_445 : i32 to index
        %get3A_451 = arith.constant 0 : index
        %get3A_452 = tpu.vector_load %get3A_449[%get3A_450, %get3A_451] {strides = array<i32>} : memref<1000x16xf32, #tpu.memory_space<vmem>>, vector<1x16xf32>,
        %get3A_453 = vector.shape_cast %get3A_452 : vector<1x16xf32> to vector<16xf32>
        %mul3A_454 = vector.broadcast %squeeze3A_443 : f32 to vector<16xf32>
        %mul3A_455 = arith.mulf %get3A_453, %mul3A_454 : vector<16xf32>
        %add3A_456 = arith.constant 15 : i32
        %add3A_457 = arith.addi %add3A_64, %add3A_456 : i32
        %swap3A_458 = arith.constant 0 : i32
        %swap3A_459 = arith.constant 0 : i32
        %swap3A_460 = tpu.memref_slice %arg10[%scan3A_52, %swap3A_458, %swap3A_459] : memref<2x1000x16xf32, #tpu.memory_space<vmem>> -> memref<1x1000x16xf32, #tpu.memory_space<vmem>>
        %swap3A_461 = tpu.memref_squeeze %swap3A_460 : memref<1x1000x16xf32, #tpu.memory_space<vmem>> -> memref<1000x16xf32, #tpu.memory_space<vmem>>
        %swap3A_462 = arith.index_cast %add3A_457 : i32 to index
        %swap3A_463 = arith.constant 0 : index
        %swap3A_464 = tpu.vector_load %swap3A_461[%swap3A_462, %swap3A_463] {strides = array<i32>} : memref<1000x16xf32, #tpu.memory_space<vmem>>, vector<1x16xf32>,
        %swap3A_465 = vector.shape_cast %swap3A_464 : vector<1x16xf32> to vector<16xf32>
        %swap3A_466 = vector.shape_cast %mul3A_455 : vector<16xf32> to vector<1x16xf32>
        tpu.vector_store %swap3A_461[%swap3A_462, %swap3A_463], %swap3A_466 {strides = array<i32>} : memref<1000x16xf32, #tpu.memory_space<vmem>>, vector<1x16xf32>,
      }
      %scan3A_57 = arith.constant 63 : i32
      %run_scoped3A_58 = arith.constant 0 : i32
      %run_scoped3A_59 = arith.constant 0 : i32
      "tpu.region"() ({
        %run_scoped3A_60 = tpu.sem_alloc : memref<!tpu.dma_semaphore, #tpu.memory_space<semaphore_mem>>
        %dma_start3A_61 = arith.constant 0 : i32
        %dma_start3A_62 = arith.constant 0 : i32
        %dma_start3A_63 = tpu.memref_slice %arg10[%run_scoped3A_58, %dma_start3A_61, %dma_start3A_62] : memref<2x1000x16xf32, #tpu.memory_space<vmem>> -> memref<1x1000x16xf32, #tpu.memory_space<vmem>>
        %dma_start3A_64 = tpu.memref_squeeze %dma_start3A_63 : memref<1x1000x16xf32, #tpu.memory_space<vmem>> -> memref<1000x16xf32, #tpu.memory_space<vmem>>
        %dma_start3A_65 = arith.constant 0 : i32
        %dma_start3A_66 = tpu.memref_slice %arg8[%run_scoped3A_59, %dma_start3A_65] : memref<2x1000xi32, #tpu.memory_space<vmem>> -> memref<1x1000xi32, #tpu.memory_space<vmem>>
        %dma_start3A_67 = tpu.memref_squeeze %dma_start3A_66 : memref<1x1000xi32, #tpu.memory_space<vmem>> -> memref<1000xi32, #tpu.memory_space<vmem>>
        %dma_start3A_68 = arith.constant 0 : i32
        %dma_start3A_69 = arith.constant 0 : i32
        %dma_start3A_70 = tpu.memref_slice %arg11[%dma_start3A_68, %dma_start3A_69] : memref<10000x16xf32, #tpu.memory_space<vmem_shared>> -> memref<10000x16xf32, #tpu.memory_space<vmem_shared>>
        tpu.enqueue_indirect_dma source(%dma_start3A_64 : memref<1000x16xf32, #tpu.memory_space<vmem>>) target(%dma_start3A_70 : memref<10000x16xf32, #tpu.memory_space<vmem_shared>>) offsets(%dma_start3A_67 : memref<1000xi32, #tpu.memory_space<vmem>>) semaphore(%run_scoped3A_60 : memref<!tpu.dma_semaphore, #tpu.memory_space<semaphore_mem>>) {add = true}
        %dma_wait3A_71 = arith.constant 0 : i32
        %dma_wait3A_72 = arith.constant 0 : i32
        %dma_wait3A_73 = tpu.memref_slice %arg10[%run_scoped3A_58, %dma_wait3A_71, %dma_wait3A_72] : memref<2x1000x16xf32, #tpu.memory_space<vmem>> -> memref<1x1000x16xf32, #tpu.memory_space<vmem>>
        %dma_wait3A_74 = tpu.memref_squeeze %dma_wait3A_73 : memref<1x1000x16xf32, #tpu.memory_space<vmem>> -> memref<1000x16xf32, #tpu.memory_space<vmem>>
        %dma_wait3A_75 = arith.constant 0 : i32
        %dma_wait3A_76 = tpu.memref_slice %arg8[%run_scoped3A_59, %dma_wait3A_75] : memref<2x1000xi32, #tpu.memory_space<vmem>> -> memref<1x1000xi32, #tpu.memory_space<vmem>>
        %dma_wait3A_77 = tpu.memref_squeeze %dma_wait3A_76 : memref<1x1000xi32, #tpu.memory_space<vmem>> -> memref<1000xi32, #tpu.memory_space<vmem>>
        %dma_wait3A_78 = arith.constant 0 : i32
        %dma_wait3A_79 = arith.constant 0 : i32
        %dma_wait3A_80 = tpu.memref_slice %arg11[%dma_wait3A_78, %dma_wait3A_79] : memref<10000x16xf32, #tpu.memory_space<vmem_shared>> -> memref<10000x16xf32, #tpu.memory_space<vmem_shared>>
        tpu.wait_indirect_dma semaphore(%run_scoped3A_60 : memref<!tpu.dma_semaphore, #tpu.memory_space<semaphore_mem>>) src(%dma_wait3A_74 : memref<1000x16xf32, #tpu.memory_space<vmem>>) dst(%dma_wait3A_80 : memref<10000x16xf32, #tpu.memory_space<vmem_shared>>)
        tpu.yield
      }) : () -> ()
    }
    %scan3A_12 = arith.constant 5 : i32
    %barrier3A_13 = arith.constant 0 : index
    tpu.barrier barrier_id(%barrier3A_13)
    %lt3A = arith.constant 10 : i32
    %lt3A_14 = arith.cmpi slt, %arg1, %lt3A : i32
    %convert_element_type3A = arith.extui %lt3A_14 : i1 to i32
    %cond3A = arith.constant 0 : i32
    %cond3A_15 = arith.cmpi ne, %convert_element_type3A, %cond3A : i32
    scf.if %cond3A_15 {
      %mul3A_16 = arith.constant 1000 : i32
      %mul3A_17 = arith.muli %arg1, %mul3A_16 : i32
      %run_scoped3A_18 = arith.constant 0 : i32
      "tpu.region"() ({
        %run_scoped3A_25 = tpu.sem_alloc : memref<!tpu.dma_semaphore, #tpu.memory_space<semaphore_mem>>
        %dma_start3A = arith.constant 0 : i32
        %dma_start3A_26 = arith.constant 0 : i32
        %dma_start3A_27 = tpu.memref_slice %arg10[%run_scoped3A_18, %dma_start3A, %dma_start3A_26] : memref<2x1000x16xf32, #tpu.memory_space<vmem>> -> memref<1x1000x16xf32, #tpu.memory_space<vmem>>
        %dma_start3A_28 = tpu.memref_squeeze %dma_start3A_27 : memref<1x1000x16xf32, #tpu.memory_space<vmem>> -> memref<1000x16xf32, #tpu.memory_space<vmem>>
        %dma_start3A_29 = arith.constant 0 : i32
        %dma_start3A_30 = tpu.memref_slice %arg11[%mul3A_17, %dma_start3A_29] : memref<10000x16xf32, #tpu.memory_space<vmem_shared>> -> memref<1000x16xf32, #tpu.memory_space<vmem_shared>>
        %dma_start3A_31 = arith.constant 0 : i32
        %dma_start3A_32 = arith.constant 0 : i32
        %dma_start3A_33 = tpu.memref_slice %arg10[%run_scoped3A_18, %dma_start3A_31, %dma_start3A_32] : memref<2x1000x16xf32, #tpu.memory_space<vmem>> -> memref<1x1000x16xf32, #tpu.memory_space<vmem>>
        %dma_start3A_34 = tpu.memref_squeeze %dma_start3A_33 : memref<1x1000x16xf32, #tpu.memory_space<vmem>> -> memref<1000x16xf32, #tpu.memory_space<vmem>>
        %dma_start3A_35 = arith.constant 0 : i32
        %dma_start3A_36 = tpu.memref_slice %arg11[%mul3A_17, %dma_start3A_35] : memref<10000x16xf32, #tpu.memory_space<vmem_shared>> -> memref<1000x16xf32, #tpu.memory_space<vmem_shared>>
        tpu.enqueue_dma source(%dma_start3A_36 : memref<1000x16xf32, #tpu.memory_space<vmem_shared>>) target(%dma_start3A_34 : memref<1000x16xf32, #tpu.memory_space<vmem>>) target_semaphore(%run_scoped3A_25 : memref<!tpu.dma_semaphore, #tpu.memory_space<semaphore_mem>>)
        %dma_wait3A = arith.constant 0 : i32
        %dma_wait3A_37 = arith.constant 0 : i32
        %dma_wait3A_38 = tpu.memref_slice %arg10[%run_scoped3A_18, %dma_wait3A, %dma_wait3A_37] : memref<2x1000x16xf32, #tpu.memory_space<vmem>> -> memref<1x1000x16xf32, #tpu.memory_space<vmem>>
        %dma_wait3A_39 = tpu.memref_squeeze %dma_wait3A_38 : memref<1x1000x16xf32, #tpu.memory_space<vmem>> -> memref<1000x16xf32, #tpu.memory_space<vmem>>
        %dma_wait3A_40 = arith.constant 0 : i32
        %dma_wait3A_41 = tpu.memref_slice %arg11[%mul3A_17, %dma_wait3A_40] : memref<10000x16xf32, #tpu.memory_space<vmem_shared>> -> memref<1000x16xf32, #tpu.memory_space<vmem_shared>>
        %dma_wait3A_42 = arith.constant 0 : i32
        %dma_wait3A_43 = arith.constant 0 : i32
        %dma_wait3A_44 = tpu.memref_slice %arg10[%run_scoped3A_18, %dma_wait3A_42, %dma_wait3A_43] : memref<2x1000x16xf32, #tpu.memory_space<vmem>> -> memref<1x1000x16xf32, #tpu.memory_space<vmem>>
        %dma_wait3A_45 = tpu.memref_squeeze %dma_wait3A_44 : memref<1x1000x16xf32, #tpu.memory_space<vmem>> -> memref<1000x16xf32, #tpu.memory_space<vmem>>
        %dma_wait3A_46 = arith.constant 0 : i32
        %dma_wait3A_47 = tpu.memref_slice %arg11[%mul3A_17, %dma_wait3A_46] : memref<10000x16xf32, #tpu.memory_space<vmem_shared>> -> memref<1000x16xf32, #tpu.memory_space<vmem_shared>>
        tpu.wait_dma2 semaphore(%run_scoped3A_25 : memref<!tpu.dma_semaphore, #tpu.memory_space<semaphore_mem>>) src(%dma_wait3A_47 : memref<1000x16xf32, #tpu.memory_space<vmem_shared>>) dst(%dma_wait3A_45 : memref<1000x16xf32, #tpu.memory_space<vmem>>)
        tpu.yield
      }) : () -> ()
      %mul3A_19 = arith.constant 10000 : i32
      %mul3A_20 = arith.muli %arg0, %mul3A_19 : i32
      %mul3A_21 = arith.constant 1000 : i32
      %mul3A_22 = arith.muli %arg1, %mul3A_21 : i32
      %add3A_23 = arith.addi %mul3A_20, %mul3A_22 : i32
      %run_scoped3A_24 = arith.constant 0 : i32
      "tpu.region"() ({
        %run_scoped3A_25 = tpu.sem_alloc : memref<!tpu.dma_semaphore, #tpu.memory_space<semaphore_mem>>
        %dma_start3A = arith.constant 0 : i32
        %dma_start3A_26 = arith.constant 0 : i32
        %dma_start3A_27 = tpu.memref_slice %arg10[%run_scoped3A_24, %dma_start3A, %dma_start3A_26] : memref<2x1000x16xf32, #tpu.memory_space<vmem>> -> memref<1x1000x16xf32, #tpu.memory_space<vmem>>
        %dma_start3A_28 = tpu.memref_squeeze %dma_start3A_27 : memref<1x1000x16xf32, #tpu.memory_space<vmem>> -> memref<1000x16xf32, #tpu.memory_space<vmem>>
        %dma_start3A_29 = arith.constant 0 : i32
        %dma_start3A_30 = tpu.memref_slice %arg6[%add3A_23, %dma_start3A_29] : memref<20000x16xf32, #tpu.memory_space<hbm>> -> memref<1000x16xf32, #tpu.memory_space<hbm>>
        %dma_start3A_31 = arith.constant 0 : i32
        %dma_start3A_32 = tpu.memref_slice %arg6[%add3A_23, %dma_start3A_31] : memref<20000x16xf32, #tpu.memory_space<hbm>> -> memref<1000x16xf32, #tpu.memory_space<hbm>>
        %dma_start3A_33 = arith.constant 0 : i32
        %dma_start3A_34 = arith.constant 0 : i32
        %dma_start3A_35 = tpu.memref_slice %arg10[%run_scoped3A_24, %dma_start3A_33, %dma_start3A_34] : memref<2x1000x16xf32, #tpu.memory_space<vmem>> -> memref<1x1000x16xf32, #tpu.memory_space<vmem>>
        %dma_start3A_36 = tpu.memref_squeeze %dma_start3A_35 : memref<1x1000x16xf32, #tpu.memory_space<vmem>> -> memref<1000x16xf32, #tpu.memory_space<vmem>>
        tpu.enqueue_dma source(%dma_start3A_36 : memref<1000x16xf32, #tpu.memory_space<vmem>>) target(%dma_start3A_32 : memref<1000x16xf32, #tpu.memory_space<hbm>>) target_semaphore(%run_scoped3A_25 : memref<!tpu.dma_semaphore, #tpu.memory_space<semaphore_mem>>)
        %dma_wait3A = arith.constant 0 : i32
        %dma_wait3A_37 = arith.constant 0 : i32
        %dma_wait3A_38 = tpu.memref_slice %arg10[%run_scoped3A_24, %dma_wait3A, %dma_wait3A_37] : memref<2x1000x16xf32, #tpu.memory_space<vmem>> -> memref<1x1000x16xf32, #tpu.memory_space<vmem>>
        %dma_wait3A_39 = tpu.memref_squeeze %dma_wait3A_38 : memref<1x1000x16xf32, #tpu.memory_space<vmem>> -> memref<1000x16xf32, #tpu.memory_space<vmem>>
        %dma_wait3A_40 = arith.constant 0 : i32
        %dma_wait3A_41 = tpu.memref_slice %arg6[%add3A_23, %dma_wait3A_40] : memref<20000x16xf32, #tpu.memory_space<hbm>> -> memref<1000x16xf32, #tpu.memory_space<hbm>>
        %dma_wait3A_42 = arith.constant 0 : i32
        %dma_wait3A_43 = tpu.memref_slice %arg6[%add3A_23, %dma_wait3A_42] : memref<20000x16xf32, #tpu.memory_space<hbm>> -> memref<1000x16xf32, #tpu.memory_space<hbm>>
        %dma_wait3A_44 = arith.constant 0 : i32
        %dma_wait3A_45 = arith.constant 0 : i32
        %dma_wait3A_46 = tpu.memref_slice %arg10[%run_scoped3A_24, %dma_wait3A_44, %dma_wait3A_45] : memref<2x1000x16xf32, #tpu.memory_space<vmem>> -> memref<1x1000x16xf32, #tpu.memory_space<vmem>>
        %dma_wait3A_47 = tpu.memref_squeeze %dma_wait3A_46 : memref<1x1000x16xf32, #tpu.memory_space<vmem>> -> memref<1000x16xf32, #tpu.memory_space<vmem>>
        tpu.wait_dma2 semaphore(%run_scoped3A_25 : memref<!tpu.dma_semaphore, #tpu.memory_space<semaphore_mem>>) src(%dma_wait3A_47 : memref<1000x16xf32, #tpu.memory_space<vmem>>) dst(%dma_wait3A_43 : memref<1000x16xf32, #tpu.memory_space<hbm>>)
        tpu.yield
      }) : () -> ()
    } else {
    }
    return
  }
}

#map = affine_map<(d0, d1) -> (0)>
module attributes {stable_mosaic.version = 14 : i64} {
  func.func @_sc_count(%arg0: i32, %arg1: i32, %arg2: memref<160000xi32, #tpu.memory_space<hbm>>, %arg3: memref<160000xf32, #tpu.memory_space<hbm>>, %arg4: memref<1x1000xi32, #tpu.memory_space<vmem>>, %arg5: memref<1008xf32, #tpu.memory_space<vmem>>, %arg6: memref<5008xf32, #tpu.memory_space<vmem>>, %arg7: memref<80000xf32, #tpu.memory_space<vmem_shared>>, %arg8: memref<!tpu.dma_semaphore, #tpu.memory_space<semaphore_mem>>) attributes {dimension_semantics = [#tpu.dimension_semantics<core_parallel>, #tpu.dimension_semantics<subcore_parallel>], iteration_bounds = array<i64: 2, 16>, scalar_prefetch = 0 : i64, scratch_operands = 5 : i64, tpu.core_type = #tpu.core_type<sc_vector_subcore>, window_params = [{transform_indices = #map}, {transform_indices = #map}]} {
    %mul3A = arith.constant 2 : i32
    %mul3A_0 = arith.muli %arg1, %mul3A : i32
    %add3A = arith.addi %mul3A_0, %arg0 : i32
    %broadcast_in_dim3A = arith.constant 0.000000e+00 : f32
    %broadcast_in_dim3A_1 = vector.broadcast %broadcast_in_dim3A : f32 to vector<16xf32>
    %scan3A = arith.constant 0 : i32
    %scan3A_2 = arith.constant 313 : i32
    %scan3A_3 = arith.addi %scan3A, %scan3A_2 : i32
    %scan3A_4 = arith.constant 1 : i32
    scf.for %scan3A_28 = %scan3A to %scan3A_3 step %scan3A_4  : i32 {
      %mul3A_29 = arith.constant 16 : i32
      %mul3A_30 = arith.muli %scan3A_28, %mul3A_29 : i32
      %add3A_31 = arith.constant 0 : i32
      %add3A_32 = arith.addi %add3A_31, %mul3A_30 : i32
      %swap3A = arith.index_cast %add3A_32 : i32 to index
      %swap3A_33 = tpu.vector_load %arg6[%swap3A] {strides = array<i32>} : memref<5008xf32, #tpu.memory_space<vmem>>, vector<16xf32>,
      %swap3A_34 = vector.shape_cast %swap3A_33 : vector<16xf32> to vector<16xf32>
      %swap3A_35 = vector.shape_cast %broadcast_in_dim3A_1 : vector<16xf32> to vector<16xf32>
      tpu.vector_store %arg6[%swap3A], %swap3A_35 {strides = array<i32>} : memref<5008xf32, #tpu.memory_space<vmem>>, vector<16xf32>,
    }
    %scan3A_5 = arith.constant 313 : i32
    %broadcast_in_dim3A_6 = arith.constant 1.000000e+00 : f32
    %broadcast_in_dim3A_7 = vector.broadcast %broadcast_in_dim3A_6 : f32 to vector<16xf32>
    %scan3A_8 = arith.constant 0 : i32
    %scan3A_9 = arith.constant 63 : i32
    %scan3A_10 = arith.addi %scan3A_8, %scan3A_9 : i32
    %scan3A_11 = arith.constant 1 : i32
    scf.for %scan3A_28 = %scan3A_8 to %scan3A_10 step %scan3A_11  : i32 {
      %mul3A_29 = arith.constant 16 : i32
      %mul3A_30 = arith.muli %scan3A_28, %mul3A_29 : i32
      %add3A_31 = arith.constant 0 : i32
      %add3A_32 = arith.addi %add3A_31, %mul3A_30 : i32
      %swap3A = arith.index_cast %add3A_32 : i32 to index
      %swap3A_33 = tpu.vector_load %arg5[%swap3A] {strides = array<i32>} : memref<1008xf32, #tpu.memory_space<vmem>>, vector<16xf32>,
      %swap3A_34 = vector.shape_cast %swap3A_33 : vector<16xf32> to vector<16xf32>
      %swap3A_35 = vector.shape_cast %broadcast_in_dim3A_7 : vector<16xf32> to vector<16xf32>
      tpu.vector_store %arg5[%swap3A], %swap3A_35 {strides = array<i32>} : memref<1008xf32, #tpu.memory_space<vmem>>, vector<16xf32>,
    }
    %scan3A_12 = arith.constant 63 : i32
    %mul3A_13 = arith.constant 5000 : i32
    %mul3A_14 = arith.muli %arg1, %mul3A_13 : i32
    "tpu.region"() ({
      %run_scoped3A = tpu.sem_alloc : memref<!tpu.dma_semaphore, #tpu.memory_space<semaphore_mem>>
      %dma_start3A = arith.constant 0 : i32
      %dma_start3A_28 = tpu.memref_slice %arg6[%dma_start3A] : memref<5008xf32, #tpu.memory_space<vmem>> -> memref<5000xf32, #tpu.memory_space<vmem>>
      %dma_start3A_29 = tpu.memref_slice %arg7[%mul3A_14] : memref<80000xf32, #tpu.memory_space<vmem_shared>> -> memref<5000xf32, #tpu.memory_space<vmem_shared>>
      %dma_start3A_30 = tpu.memref_slice %arg7[%mul3A_14] : memref<80000xf32, #tpu.memory_space<vmem_shared>> -> memref<5000xf32, #tpu.memory_space<vmem_shared>>
      %dma_start3A_31 = arith.constant 0 : i32
      %dma_start3A_32 = tpu.memref_slice %arg6[%dma_start3A_31] : memref<5008xf32, #tpu.memory_space<vmem>> -> memref<5000xf32, #tpu.memory_space<vmem>>
      tpu.enqueue_dma source(%dma_start3A_32 : memref<5000xf32, #tpu.memory_space<vmem>>) target(%dma_start3A_30 : memref<5000xf32, #tpu.memory_space<vmem_shared>>) target_semaphore(%run_scoped3A : memref<!tpu.dma_semaphore, #tpu.memory_space<semaphore_mem>>)
      %dma_wait3A = arith.constant 0 : i32
      %dma_wait3A_33 = tpu.memref_slice %arg6[%dma_wait3A] : memref<5008xf32, #tpu.memory_space<vmem>> -> memref<5000xf32, #tpu.memory_space<vmem>>
      %dma_wait3A_34 = tpu.memref_slice %arg7[%mul3A_14] : memref<80000xf32, #tpu.memory_space<vmem_shared>> -> memref<5000xf32, #tpu.memory_space<vmem_shared>>
      %dma_wait3A_35 = tpu.memref_slice %arg7[%mul3A_14] : memref<80000xf32, #tpu.memory_space<vmem_shared>> -> memref<5000xf32, #tpu.memory_space<vmem_shared>>
      %dma_wait3A_36 = arith.constant 0 : i32
      %dma_wait3A_37 = tpu.memref_slice %arg6[%dma_wait3A_36] : memref<5008xf32, #tpu.memory_space<vmem>> -> memref<5000xf32, #tpu.memory_space<vmem>>
      tpu.wait_dma2 semaphore(%run_scoped3A : memref<!tpu.dma_semaphore, #tpu.memory_space<semaphore_mem>>) src(%dma_wait3A_37 : memref<5000xf32, #tpu.memory_space<vmem>>) dst(%dma_wait3A_35 : memref<5000xf32, #tpu.memory_space<vmem_shared>>)
      tpu.yield
    }) : () -> ()
    %barrier3A = arith.constant 0 : index
    tpu.barrier barrier_id(%barrier3A)
    %scan3A_15 = arith.constant 0 : i32
    %scan3A_16 = arith.constant 5 : i32
    %scan3A_17 = arith.addi %scan3A_15, %scan3A_16 : i32
    %scan3A_18 = arith.constant 1 : i32
    scf.for %scan3A_28 = %scan3A_15 to %scan3A_17 step %scan3A_18  : i32 {
      %mul3A_29 = arith.constant 1 : i32
      %mul3A_30 = arith.muli %scan3A_28, %mul3A_29 : i32
      %add3A_31 = arith.constant 0 : i32
      %add3A_32 = arith.addi %add3A_31, %mul3A_30 : i32
      %mul3A_33 = arith.constant 5000 : i32
      %mul3A_34 = arith.muli %add3A, %mul3A_33 : i32
      %mul3A_35 = arith.constant 1000 : i32
      %mul3A_36 = arith.muli %add3A_32, %mul3A_35 : i32
      %add3A_37 = arith.addi %mul3A_34, %mul3A_36 : i32
      %multiple_of3A = tpu.assume_multiple %add3A_37, 8 : i32
      %run_scoped3A = arith.constant 0 : i32
      "tpu.region"() ({
        %run_scoped3A_39 = tpu.sem_alloc : memref<!tpu.dma_semaphore, #tpu.memory_space<semaphore_mem>>
        %dma_start3A = arith.constant 0 : i32
        %dma_start3A_40 = tpu.memref_slice %arg4[%run_scoped3A, %dma_start3A] : memref<1x1000xi32, #tpu.memory_space<vmem>> -> memref<1x1000xi32, #tpu.memory_space<vmem>>
        %dma_start3A_41 = tpu.memref_squeeze %dma_start3A_40 : memref<1x1000xi32, #tpu.memory_space<vmem>> -> memref<1000xi32, #tpu.memory_space<vmem>>
        %dma_start3A_42 = tpu.memref_slice %arg2[%multiple_of3A] : memref<160000xi32, #tpu.memory_space<hbm>> -> memref<1000xi32, #tpu.memory_space<hbm>>
        %dma_start3A_43 = arith.constant 0 : i32
        %dma_start3A_44 = tpu.memref_slice %arg4[%run_scoped3A, %dma_start3A_43] : memref<1x1000xi32, #tpu.memory_space<vmem>> -> memref<1x1000xi32, #tpu.memory_space<vmem>>
        %dma_start3A_45 = tpu.memref_squeeze %dma_start3A_44 : memref<1x1000xi32, #tpu.memory_space<vmem>> -> memref<1000xi32, #tpu.memory_space<vmem>>
        %dma_start3A_46 = tpu.memref_slice %arg2[%multiple_of3A] : memref<160000xi32, #tpu.memory_space<hbm>> -> memref<1000xi32, #tpu.memory_space<hbm>>
        tpu.enqueue_dma source(%dma_start3A_46 : memref<1000xi32, #tpu.memory_space<hbm>>) target(%dma_start3A_45 : memref<1000xi32, #tpu.memory_space<vmem>>) target_semaphore(%run_scoped3A_39 : memref<!tpu.dma_semaphore, #tpu.memory_space<semaphore_mem>>)
        %dma_wait3A = arith.constant 0 : i32
        %dma_wait3A_47 = tpu.memref_slice %arg4[%run_scoped3A, %dma_wait3A] : memref<1x1000xi32, #tpu.memory_space<vmem>> -> memref<1x1000xi32, #tpu.memory_space<vmem>>
        %dma_wait3A_48 = tpu.memref_squeeze %dma_wait3A_47 : memref<1x1000xi32, #tpu.memory_space<vmem>> -> memref<1000xi32, #tpu.memory_space<vmem>>
        %dma_wait3A_49 = tpu.memref_slice %arg2[%multiple_of3A] : memref<160000xi32, #tpu.memory_space<hbm>> -> memref<1000xi32, #tpu.memory_space<hbm>>
        %dma_wait3A_50 = arith.constant 0 : i32
        %dma_wait3A_51 = tpu.memref_slice %arg4[%run_scoped3A, %dma_wait3A_50] : memref<1x1000xi32, #tpu.memory_space<vmem>> -> memref<1x1000xi32, #tpu.memory_space<vmem>>
        %dma_wait3A_52 = tpu.memref_squeeze %dma_wait3A_51 : memref<1x1000xi32, #tpu.memory_space<vmem>> -> memref<1000xi32, #tpu.memory_space<vmem>>
        %dma_wait3A_53 = tpu.memref_slice %arg2[%multiple_of3A] : memref<160000xi32, #tpu.memory_space<hbm>> -> memref<1000xi32, #tpu.memory_space<hbm>>
        tpu.wait_dma2 semaphore(%run_scoped3A_39 : memref<!tpu.dma_semaphore, #tpu.memory_space<semaphore_mem>>) src(%dma_wait3A_53 : memref<1000xi32, #tpu.memory_space<hbm>>) dst(%dma_wait3A_52 : memref<1000xi32, #tpu.memory_space<vmem>>)
        tpu.yield
      }) : () -> ()
      %run_scoped3A_38 = arith.constant 0 : i32
      "tpu.region"() ({
        %run_scoped3A_39 = tpu.sem_alloc : memref<!tpu.dma_semaphore, #tpu.memory_space<semaphore_mem>>
        %dma_start3A = arith.constant 0 : i32
        %dma_start3A_40 = tpu.memref_slice %arg5[%dma_start3A] : memref<1008xf32, #tpu.memory_space<vmem>> -> memref<1000xf32, #tpu.memory_space<vmem>>
        %dma_start3A_41 = arith.constant 0 : i32
        %dma_start3A_42 = tpu.memref_slice %arg4[%run_scoped3A_38, %dma_start3A_41] : memref<1x1000xi32, #tpu.memory_space<vmem>> -> memref<1x1000xi32, #tpu.memory_space<vmem>>
        %dma_start3A_43 = tpu.memref_squeeze %dma_start3A_42 : memref<1x1000xi32, #tpu.memory_space<vmem>> -> memref<1000xi32, #tpu.memory_space<vmem>>
        %dma_start3A_44 = arith.constant 0 : i32
        %dma_start3A_45 = tpu.memref_slice %arg7[%dma_start3A_44] : memref<80000xf32, #tpu.memory_space<vmem_shared>> -> memref<80000xf32, #tpu.memory_space<vmem_shared>>
        tpu.enqueue_indirect_dma source(%dma_start3A_40 : memref<1000xf32, #tpu.memory_space<vmem>>) target(%dma_start3A_45 : memref<80000xf32, #tpu.memory_space<vmem_shared>>) offsets(%dma_start3A_43 : memref<1000xi32, #tpu.memory_space<vmem>>) semaphore(%run_scoped3A_39 : memref<!tpu.dma_semaphore, #tpu.memory_space<semaphore_mem>>) {add = true}
        %dma_wait3A = arith.constant 0 : i32
        %dma_wait3A_46 = tpu.memref_slice %arg5[%dma_wait3A] : memref<1008xf32, #tpu.memory_space<vmem>> -> memref<1000xf32, #tpu.memory_space<vmem>>
        %dma_wait3A_47 = arith.constant 0 : i32
        %dma_wait3A_48 = tpu.memref_slice %arg4[%run_scoped3A_38, %dma_wait3A_47] : memref<1x1000xi32, #tpu.memory_space<vmem>> -> memref<1x1000xi32, #tpu.memory_space<vmem>>
        %dma_wait3A_49 = tpu.memref_squeeze %dma_wait3A_48 : memref<1x1000xi32, #tpu.memory_space<vmem>> -> memref<1000xi32, #tpu.memory_space<vmem>>
        %dma_wait3A_50 = arith.constant 0 : i32
        %dma_wait3A_51 = tpu.memref_slice %arg7[%dma_wait3A_50] : memref<80000xf32, #tpu.memory_space<vmem_shared>> -> memref<80000xf32, #tpu.memory_space<vmem_shared>>
        tpu.wait_indirect_dma semaphore(%run_scoped3A_39 : memref<!tpu.dma_semaphore, #tpu.memory_space<semaphore_mem>>) src(%dma_wait3A_46 : memref<1000xf32, #tpu.memory_space<vmem>>) dst(%dma_wait3A_51 : memref<80000xf32, #tpu.memory_space<vmem_shared>>)
        tpu.yield
      }) : () -> ()
    }
    %scan3A_19 = arith.constant 5 : i32
    %barrier3A_20 = arith.constant 0 : index
    tpu.barrier barrier_id(%barrier3A_20)
    %mul3A_21 = arith.constant 5000 : i32
    %mul3A_22 = arith.muli %arg1, %mul3A_21 : i32
    "tpu.region"() ({
      %run_scoped3A = tpu.sem_alloc : memref<!tpu.dma_semaphore, #tpu.memory_space<semaphore_mem>>
      %dma_start3A = arith.constant 0 : i32
      %dma_start3A_28 = tpu.memref_slice %arg6[%dma_start3A] : memref<5008xf32, #tpu.memory_space<vmem>> -> memref<5000xf32, #tpu.memory_space<vmem>>
      %dma_start3A_29 = tpu.memref_slice %arg7[%mul3A_22] : memref<80000xf32, #tpu.memory_space<vmem_shared>> -> memref<5000xf32, #tpu.memory_space<vmem_shared>>
      %dma_start3A_30 = arith.constant 0 : i32
      %dma_start3A_31 = tpu.memref_slice %arg6[%dma_start3A_30] : memref<5008xf32, #tpu.memory_space<vmem>> -> memref<5000xf32, #tpu.memory_space<vmem>>
      %dma_start3A_32 = tpu.memref_slice %arg7[%mul3A_22] : memref<80000xf32, #tpu.memory_space<vmem_shared>> -> memref<5000xf32, #tpu.memory_space<vmem_shared>>
      tpu.enqueue_dma source(%dma_start3A_32 : memref<5000xf32, #tpu.memory_space<vmem_shared>>) target(%dma_start3A_31 : memref<5000xf32, #tpu.memory_space<vmem>>) target_semaphore(%run_scoped3A : memref<!tpu.dma_semaphore, #tpu.memory_space<semaphore_mem>>)
      %dma_wait3A = arith.constant 0 : i32
      %dma_wait3A_33 = tpu.memref_slice %arg6[%dma_wait3A] : memref<5008xf32, #tpu.memory_space<vmem>> -> memref<5000xf32, #tpu.memory_space<vmem>>
      %dma_wait3A_34 = tpu.memref_slice %arg7[%mul3A_22] : memref<80000xf32, #tpu.memory_space<vmem_shared>> -> memref<5000xf32, #tpu.memory_space<vmem_shared>>
      %dma_wait3A_35 = arith.constant 0 : i32
      %dma_wait3A_36 = tpu.memref_slice %arg6[%dma_wait3A_35] : memref<5008xf32, #tpu.memory_space<vmem>> -> memref<5000xf32, #tpu.memory_space<vmem>>
      %dma_wait3A_37 = tpu.memref_slice %arg7[%mul3A_22] : memref<80000xf32, #tpu.memory_space<vmem_shared>> -> memref<5000xf32, #tpu.memory_space<vmem_shared>>
      tpu.wait_dma2 semaphore(%run_scoped3A : memref<!tpu.dma_semaphore, #tpu.memory_space<semaphore_mem>>) src(%dma_wait3A_37 : memref<5000xf32, #tpu.memory_space<vmem_shared>>) dst(%dma_wait3A_36 : memref<5000xf32, #tpu.memory_space<vmem>>)
      tpu.yield
    }) : () -> ()
    %mul3A_23 = arith.constant 80000 : i32
    %mul3A_24 = arith.muli %arg0, %mul3A_23 : i32
    %mul3A_25 = arith.constant 5000 : i32
    %mul3A_26 = arith.muli %arg1, %mul3A_25 : i32
    %add3A_27 = arith.addi %mul3A_24, %mul3A_26 : i32
    "tpu.region"() ({
      %run_scoped3A = tpu.sem_alloc : memref<!tpu.dma_semaphore, #tpu.memory_space<semaphore_mem>>
      %dma_start3A = arith.constant 0 : i32
      %dma_start3A_28 = tpu.memref_slice %arg6[%dma_start3A] : memref<5008xf32, #tpu.memory_space<vmem>> -> memref<5000xf32, #tpu.memory_space<vmem>>
      %dma_start3A_29 = tpu.memref_slice %arg3[%add3A_27] : memref<160000xf32, #tpu.memory_space<hbm>> -> memref<5000xf32, #tpu.memory_space<hbm>>
      %dma_start3A_30 = tpu.memref_slice %arg3[%add3A_27] : memref<160000xf32, #tpu.memory_space<hbm>> -> memref<5000xf32, #tpu.memory_space<hbm>>
      %dma_start3A_31 = arith.constant 0 : i32
      %dma_start3A_32 = tpu.memref_slice %arg6[%dma_start3A_31] : memref<5008xf32, #tpu.memory_space<vmem>> -> memref<5000xf32, #tpu.memory_space<vmem>>
      tpu.enqueue_dma source(%dma_start3A_32 : memref<5000xf32, #tpu.memory_space<vmem>>) target(%dma_start3A_30 : memref<5000xf32, #tpu.memory_space<hbm>>) target_semaphore(%run_scoped3A : memref<!tpu.dma_semaphore, #tpu.memory_space<semaphore_mem>>)
      %dma_wait3A = arith.constant 0 : i32
      %dma_wait3A_33 = tpu.memref_slice %arg6[%dma_wait3A] : memref<5008xf32, #tpu.memory_space<vmem>> -> memref<5000xf32, #tpu.memory_space<vmem>>
      %dma_wait3A_34 = tpu.memref_slice %arg3[%add3A_27] : memref<160000xf32, #tpu.memory_space<hbm>> -> memref<5000xf32, #tpu.memory_space<hbm>>
      %dma_wait3A_35 = tpu.memref_slice %arg3[%add3A_27] : memref<160000xf32, #tpu.memory_space<hbm>> -> memref<5000xf32, #tpu.memory_space<hbm>>
      %dma_wait3A_36 = arith.constant 0 : i32
      %dma_wait3A_37 = tpu.memref_slice %arg6[%dma_wait3A_36] : memref<5008xf32, #tpu.memory_space<vmem>> -> memref<5000xf32, #tpu.memory_space<vmem>>
      tpu.wait_dma2 semaphore(%run_scoped3A : memref<!tpu.dma_semaphore, #tpu.memory_space<semaphore_mem>>) src(%dma_wait3A_37 : memref<5000xf32, #tpu.memory_space<vmem>>) dst(%dma_wait3A_35 : memref<5000xf32, #tpu.memory_space<hbm>>)
      tpu.yield
    }) : () -> ()
    return
  }
}

#map = affine_map<(d0, d1) -> (0, 0)>
#map1 = affine_map<(d0, d1) -> (0)>
module attributes {stable_mosaic.version = 14 : i64} {
  func.func @_sc_agg1(%arg0: i32, %arg1: i32, %arg2: memref<80000x32xf32, #tpu.memory_space<hbm>>, %arg3: memref<160000xi32, #tpu.memory_space<hbm>>, %arg4: memref<160000xi32, #tpu.memory_space<hbm>>, %arg5: memref<160000xi32, #tpu.memory_space<hbm>>, %arg6: memref<80000xf32, #tpu.memory_space<hbm>>, %arg7: memref<20000x32xf32, #tpu.memory_space<hbm>>, %arg8: memref<160000xf32, #tpu.memory_space<hbm>>, %arg9: memref<2x1000xi32, #tpu.memory_space<vmem>>, %arg10: memref<2x1000xi32, #tpu.memory_space<vmem>>, %arg11: memref<2x1000xi32, #tpu.memory_space<vmem>>, %arg12: memref<2x1000x32xf32, #tpu.memory_space<vmem>>, %arg13: memref<2x1008xf32, #tpu.memory_space<vmem>>, %arg14: memref<1008xf32, #tpu.memory_space<vmem>>, %arg15: memref<10000x32xf32, #tpu.memory_space<vmem_shared>>, %arg16: memref<!tpu.dma_semaphore, #tpu.memory_space<semaphore_mem>>, %arg17: memref<!tpu.dma_semaphore, #tpu.memory_space<semaphore_mem>>, %arg18: memref<!tpu.dma_semaphore, #tpu.memory_space<semaphore_mem>>, %arg19: memref<!tpu.dma_semaphore, #tpu.memory_space<semaphore_mem>>, %arg20: memref<!tpu.dma_semaphore, #tpu.memory_space<semaphore_mem>>, %arg21: memref<!tpu.dma_semaphore, #tpu.memory_space<semaphore_mem>>) attributes {dimension_semantics = [#tpu.dimension_semantics<core_parallel>, #tpu.dimension_semantics<subcore_parallel>], iteration_bounds = array<i64: 2, 16>, scalar_prefetch = 0 : i64, scratch_operands = 13 : i64, tpu.core_type = #tpu.core_type<sc_vector_subcore>, window_params = [{transform_indices = #map}, {transform_indices = #map1}, {transform_indices = #map1}, {transform_indices = #map1}, {transform_indices = #map1}, {transform_indices = #map}, {transform_indices = #map1}]} {
    %mul3A = arith.constant 2 : i32
    %mul3A_0 = arith.muli %arg1, %mul3A : i32
    %add3A = arith.addi %mul3A_0, %arg0 : i32
    %scan3A = arith.constant 0 : i32
    %scan3A_1 = arith.constant 0 : i32
    %scan3A_2 = arith.constant 625 : i32
    %scan3A_3 = arith.addi %scan3A_1, %scan3A_2 : i32
    %scan3A_4 = arith.constant 1 : i32
    scf.for %scan3A_16 = %scan3A_1 to %scan3A_3 step %scan3A_4  : i32 {
      %mul3A_17 = arith.constant 1 : i32
      %mul3A_18 = arith.muli %scan3A_16, %mul3A_17 : i32
      %add3A_19 = arith.constant 0 : i32
      %add3A_20 = arith.addi %add3A_19, %mul3A_18 : i32
      %broadcast_in_dim3A = arith.constant 0.000000e+00 : f32
      %broadcast_in_dim3A_21 = vector.broadcast %broadcast_in_dim3A : f32 to vector<16xf32>
      %swap3A = arith.constant 0 : i32
      %swap3A_22 = arith.constant 0 : i32
      %swap3A_23 = tpu.memref_slice %arg12[%scan3A, %swap3A, %swap3A_22] : memref<2x1000x32xf32, #tpu.memory_space<vmem>> -> memref<1x1000x32xf32, #tpu.memory_space<vmem>>
      %swap3A_24 = tpu.memref_squeeze %swap3A_23 : memref<1x1000x32xf32, #tpu.memory_space<vmem>> -> memref<1000x32xf32, #tpu.memory_space<vmem>>
      %swap3A_25 = arith.index_cast %add3A_20 : i32 to index
      %swap3A_26 = arith.constant 0 : index
      %swap3A_27 = tpu.vector_load %swap3A_24[%swap3A_25, %swap3A_26] {strides = array<i32>} : memref<1000x32xf32, #tpu.memory_space<vmem>>, vector<1x16xf32>,
      %swap3A_28 = vector.shape_cast %swap3A_27 : vector<1x16xf32> to vector<16xf32>
      %swap3A_29 = vector.shape_cast %broadcast_in_dim3A_21 : vector<16xf32> to vector<1x16xf32>
      tpu.vector_store %swap3A_24[%swap3A_25, %swap3A_26], %swap3A_29 {strides = array<i32>} : memref<1000x32xf32, #tpu.memory_space<vmem>>, vector<1x16xf32>,
      %broadcast_in_dim3A_30 = arith.constant 0.000000e+00 : f32
      %broadcast_in_dim3A_31 = vector.broadcast %broadcast_in_dim3A_30 : f32 to vector<16xf32>
      %swap3A_32 = arith.constant 0 : i32
      %swap3A_33 = arith.constant 0 : i32
      %swap3A_34 = tpu.memref_slice %arg12[%scan3A, %swap3A_32, %swap3A_33] : memref<2x1000x32xf32, #tpu.memory_space<vmem>> -> memref<1x1000x32xf32, #tpu.memory_space<vmem>>
      %swap3A_35 = tpu.memref_squeeze %swap3A_34 : memref<1x1000x32xf32, #tpu.memory_space<vmem>> -> memref<1000x32xf32, #tpu.memory_space<vmem>>
      %swap3A_36 = arith.index_cast %add3A_20 : i32 to index
      %swap3A_37 = arith.constant 16 : index
      %swap3A_38 = tpu.vector_load %swap3A_35[%swap3A_36, %swap3A_37] {strides = array<i32>} : memref<1000x32xf32, #tpu.memory_space<vmem>>, vector<1x16xf32>,
      %swap3A_39 = vector.shape_cast %swap3A_38 : vector<1x16xf32> to vector<16xf32>
      %swap3A_40 = vector.shape_cast %broadcast_in_dim3A_31 : vector<16xf32> to vector<1x16xf32>
      tpu.vector_store %swap3A_35[%swap3A_36, %swap3A_37], %swap3A_40 {strides = array<i32>} : memref<1000x32xf32, #tpu.memory_space<vmem>>, vector<1x16xf32>,
    }
    %scan3A_5 = arith.constant 625 : i32
    %mul3A_6 = arith.constant 625 : i32
    %mul3A_7 = arith.muli %arg1, %mul3A_6 : i32
    %run_scoped3A = arith.constant 0 : i32
    "tpu.region"() ({
      %run_scoped3A_16 = tpu.sem_alloc : memref<!tpu.dma_semaphore, #tpu.memory_space<semaphore_mem>>
      %dma_start3A = arith.constant 0 : i32
      %dma_start3A_17 = arith.constant 0 : i32
      %dma_start3A_18 = tpu.memref_slice %arg12[%run_scoped3A, %dma_start3A, %dma_start3A_17] : memref<2x1000x32xf32, #tpu.memory_space<vmem>> -> memref<1x1000x32xf32, #tpu.memory_space<vmem>>
      %dma_start3A_19 = tpu.memref_squeeze %dma_start3A_18 : memref<1x1000x32xf32, #tpu.memory_space<vmem>> -> memref<1000x32xf32, #tpu.memory_space<vmem>>
      %dma_start3A_20 = arith.constant 0 : i32
      %dma_start3A_21 = arith.constant 0 : i32
      %dma_start3A_22 = tpu.memref_slice %dma_start3A_19[%dma_start3A_20, %dma_start3A_21] : memref<1000x32xf32, #tpu.memory_space<vmem>> -> memref<625x32xf32, #tpu.memory_space<vmem>>
      %dma_start3A_23 = arith.constant 0 : i32
      %dma_start3A_24 = tpu.memref_slice %arg15[%mul3A_7, %dma_start3A_23] : memref<10000x32xf32, #tpu.memory_space<vmem_shared>> -> memref<625x32xf32, #tpu.memory_space<vmem_shared>>
      %dma_start3A_25 = arith.constant 0 : i32
      %dma_start3A_26 = tpu.memref_slice %arg15[%mul3A_7, %dma_start3A_25] : memref<10000x32xf32, #tpu.memory_space<vmem_shared>> -> memref<625x32xf32, #tpu.memory_space<vmem_shared>>
      %dma_start3A_27 = arith.constant 0 : i32
      %dma_start3A_28 = arith.constant 0 : i32
      %dma_start3A_29 = tpu.memref_slice %arg12[%run_scoped3A, %dma_start3A_27, %dma_start3A_28] : memref<2x1000x32xf32, #tpu.memory_space<vmem>> -> memref<1x1000x32xf32, #tpu.memory_space<vmem>>
      %dma_start3A_30 = tpu.memref_squeeze %dma_start3A_29 : memref<1x1000x32xf32, #tpu.memory_space<vmem>> -> memref<1000x32xf32, #tpu.memory_space<vmem>>
      %dma_start3A_31 = arith.constant 0 : i32
      %dma_start3A_32 = arith.constant 0 : i32
      %dma_start3A_33 = tpu.memref_slice %dma_start3A_30[%dma_start3A_31, %dma_start3A_32] : memref<1000x32xf32, #tpu.memory_space<vmem>> -> memref<625x32xf32, #tpu.memory_space<vmem>>
      tpu.enqueue_dma source(%dma_start3A_33 : memref<625x32xf32, #tpu.memory_space<vmem>>) target(%dma_start3A_26 : memref<625x32xf32, #tpu.memory_space<vmem_shared>>) target_semaphore(%run_scoped3A_16 : memref<!tpu.dma_semaphore, #tpu.memory_space<semaphore_mem>>)
      %dma_wait3A = arith.constant 0 : i32
      %dma_wait3A_34 = arith.constant 0 : i32
      %dma_wait3A_35 = tpu.memref_slice %arg12[%run_scoped3A, %dma_wait3A, %dma_wait3A_34] : memref<2x1000x32xf32, #tpu.memory_space<vmem>> -> memref<1x1000x32xf32, #tpu.memory_space<vmem>>
      %dma_wait3A_36 = tpu.memref_squeeze %dma_wait3A_35 : memref<1x1000x32xf32, #tpu.memory_space<vmem>> -> memref<1000x32xf32, #tpu.memory_space<vmem>>
      %dma_wait3A_37 = arith.constant 0 : i32
      %dma_wait3A_38 = arith.constant 0 : i32
      %dma_wait3A_39 = tpu.memref_slice %dma_wait3A_36[%dma_wait3A_37, %dma_wait3A_38] : memref<1000x32xf32, #tpu.memory_space<vmem>> -> memref<625x32xf32, #tpu.memory_space<vmem>>
      %dma_wait3A_40 = arith.constant 0 : i32
      %dma_wait3A_41 = tpu.memref_slice %arg15[%mul3A_7, %dma_wait3A_40] : memref<10000x32xf32, #tpu.memory_space<vmem_shared>> -> memref<625x32xf32, #tpu.memory_space<vmem_shared>>
      %dma_wait3A_42 = arith.constant 0 : i32
      %dma_wait3A_43 = tpu.memref_slice %arg15[%mul3A_7, %dma_wait3A_42] : memref<10000x32xf32, #tpu.memory_space<vmem_shared>> -> memref<625x32xf32, #tpu.memory_space<vmem_shared>>
      %dma_wait3A_44 = arith.constant 0 : i32
      %dma_wait3A_45 = arith.constant 0 : i32
      %dma_wait3A_46 = tpu.memref_slice %arg12[%run_scoped3A, %dma_wait3A_44, %dma_wait3A_45] : memref<2x1000x32xf32, #tpu.memory_space<vmem>> -> memref<1x1000x32xf32, #tpu.memory_space<vmem>>
      %dma_wait3A_47 = tpu.memref_squeeze %dma_wait3A_46 : memref<1x1000x32xf32, #tpu.memory_space<vmem>> -> memref<1000x32xf32, #tpu.memory_space<vmem>>
      %dma_wait3A_48 = arith.constant 0 : i32
      %dma_wait3A_49 = arith.constant 0 : i32
      %dma_wait3A_50 = tpu.memref_slice %dma_wait3A_47[%dma_wait3A_48, %dma_wait3A_49] : memref<1000x32xf32, #tpu.memory_space<vmem>> -> memref<625x32xf32, #tpu.memory_space<vmem>>
      tpu.wait_dma2 semaphore(%run_scoped3A_16 : memref<!tpu.dma_semaphore, #tpu.memory_space<semaphore_mem>>) src(%dma_wait3A_50 : memref<625x32xf32, #tpu.memory_space<vmem>>) dst(%dma_wait3A_43 : memref<625x32xf32, #tpu.memory_space<vmem_shared>>)
      tpu.yield
    }) : () -> ()
    %barrier3A = arith.constant 0 : index
    tpu.barrier barrier_id(%barrier3A)
    %scan3A_8 = arith.constant 0 : i32
    %scan3A_9 = arith.constant 5 : i32
    %scan3A_10 = arith.addi %scan3A_8, %scan3A_9 : i32
    %scan3A_11 = arith.constant 1 : i32
    scf.for %scan3A_16 = %scan3A_8 to %scan3A_10 step %scan3A_11  : i32 {
      %mul3A_17 = arith.constant 1 : i32
      %mul3A_18 = arith.muli %scan3A_16, %mul3A_17 : i32
      %add3A_19 = arith.constant 0 : i32
      %add3A_20 = arith.addi %add3A_19, %mul3A_18 : i32
      %mul3A_21 = arith.constant 5000 : i32
      %mul3A_22 = arith.muli %add3A, %mul3A_21 : i32
      %mul3A_23 = arith.constant 1000 : i32
      %mul3A_24 = arith.muli %add3A_20, %mul3A_23 : i32
      %add3A_25 = arith.addi %mul3A_22, %mul3A_24 : i32
      %multiple_of3A = tpu.assume_multiple %add3A_25, 8 : i32
      %run_scoped3A_26 = arith.constant 0 : i32
      "tpu.region"() ({
        %run_scoped3A_88 = tpu.sem_alloc : memref<!tpu.dma_semaphore, #tpu.memory_space<semaphore_mem>>
        %dma_start3A_89 = arith.constant 0 : i32
        %dma_start3A_90 = tpu.memref_slice %arg9[%run_scoped3A_26, %dma_start3A_89] : memref<2x1000xi32, #tpu.memory_space<vmem>> -> memref<1x1000xi32, #tpu.memory_space<vmem>>
        %dma_start3A_91 = tpu.memref_squeeze %dma_start3A_90 : memref<1x1000xi32, #tpu.memory_space<vmem>> -> memref<1000xi32, #tpu.memory_space<vmem>>
        %dma_start3A_92 = tpu.memref_slice %arg3[%multiple_of3A] : memref<160000xi32, #tpu.memory_space<hbm>> -> memref<1000xi32, #tpu.memory_space<hbm>>
        %dma_start3A_93 = arith.constant 0 : i32
        %dma_start3A_94 = tpu.memref_slice %arg9[%run_scoped3A_26, %dma_start3A_93] : memref<2x1000xi32, #tpu.memory_space<vmem>> -> memref<1x1000xi32, #tpu.memory_space<vmem>>
        %dma_start3A_95 = tpu.memref_squeeze %dma_start3A_94 : memref<1x1000xi32, #tpu.memory_space<vmem>> -> memref<1000xi32, #tpu.memory_space<vmem>>
        %dma_start3A_96 = tpu.memref_slice %arg3[%multiple_of3A] : memref<160000xi32, #tpu.memory_space<hbm>> -> memref<1000xi32, #tpu.memory_space<hbm>>
        tpu.enqueue_dma source(%dma_start3A_96 : memref<1000xi32, #tpu.memory_space<hbm>>) target(%dma_start3A_95 : memref<1000xi32, #tpu.memory_space<vmem>>) target_semaphore(%run_scoped3A_88 : memref<!tpu.dma_semaphore, #tpu.memory_space<semaphore_mem>>)
        %dma_wait3A_97 = arith.constant 0 : i32
        %dma_wait3A_98 = tpu.memref_slice %arg9[%run_scoped3A_26, %dma_wait3A_97] : memref<2x1000xi32, #tpu.memory_space<vmem>> -> memref<1x1000xi32, #tpu.memory_space<vmem>>
        %dma_wait3A_99 = tpu.memref_squeeze %dma_wait3A_98 : memref<1x1000xi32, #tpu.memory_space<vmem>> -> memref<1000xi32, #tpu.memory_space<vmem>>
        %dma_wait3A_100 = tpu.memref_slice %arg3[%multiple_of3A] : memref<160000xi32, #tpu.memory_space<hbm>> -> memref<1000xi32, #tpu.memory_space<hbm>>
        %dma_wait3A_101 = arith.constant 0 : i32
        %dma_wait3A_102 = tpu.memref_slice %arg9[%run_scoped3A_26, %dma_wait3A_101] : memref<2x1000xi32, #tpu.memory_space<vmem>> -> memref<1x1000xi32, #tpu.memory_space<vmem>>
        %dma_wait3A_103 = tpu.memref_squeeze %dma_wait3A_102 : memref<1x1000xi32, #tpu.memory_space<vmem>> -> memref<1000xi32, #tpu.memory_space<vmem>>
        %dma_wait3A_104 = tpu.memref_slice %arg3[%multiple_of3A] : memref<160000xi32, #tpu.memory_space<hbm>> -> memref<1000xi32, #tpu.memory_space<hbm>>
        tpu.wait_dma2 semaphore(%run_scoped3A_88 : memref<!tpu.dma_semaphore, #tpu.memory_space<semaphore_mem>>) src(%dma_wait3A_104 : memref<1000xi32, #tpu.memory_space<hbm>>) dst(%dma_wait3A_103 : memref<1000xi32, #tpu.memory_space<vmem>>)
        tpu.yield
      }) : () -> ()
      %run_scoped3A_27 = arith.constant 0 : i32
      "tpu.region"() ({
        %run_scoped3A_88 = tpu.sem_alloc : memref<!tpu.dma_semaphore, #tpu.memory_space<semaphore_mem>>
        %dma_start3A_89 = arith.constant 0 : i32
        %dma_start3A_90 = tpu.memref_slice %arg10[%run_scoped3A_27, %dma_start3A_89] : memref<2x1000xi32, #tpu.memory_space<vmem>> -> memref<1x1000xi32, #tpu.memory_space<vmem>>
        %dma_start3A_91 = tpu.memref_squeeze %dma_start3A_90 : memref<1x1000xi32, #tpu.memory_space<vmem>> -> memref<1000xi32, #tpu.memory_space<vmem>>
        %dma_start3A_92 = tpu.memref_slice %arg4[%multiple_of3A] : memref<160000xi32, #tpu.memory_space<hbm>> -> memref<1000xi32, #tpu.memory_space<hbm>>
        %dma_start3A_93 = arith.constant 0 : i32
        %dma_start3A_94 = tpu.memref_slice %arg10[%run_scoped3A_27, %dma_start3A_93] : memref<2x1000xi32, #tpu.memory_space<vmem>> -> memref<1x1000xi32, #tpu.memory_space<vmem>>
        %dma_start3A_95 = tpu.memref_squeeze %dma_start3A_94 : memref<1x1000xi32, #tpu.memory_space<vmem>> -> memref<1000xi32, #tpu.memory_space<vmem>>
        %dma_start3A_96 = tpu.memref_slice %arg4[%multiple_of3A] : memref<160000xi32, #tpu.memory_space<hbm>> -> memref<1000xi32, #tpu.memory_space<hbm>>
        tpu.enqueue_dma source(%dma_start3A_96 : memref<1000xi32, #tpu.memory_space<hbm>>) target(%dma_start3A_95 : memref<1000xi32, #tpu.memory_space<vmem>>) target_semaphore(%run_scoped3A_88 : memref<!tpu.dma_semaphore, #tpu.memory_space<semaphore_mem>>)
        %dma_wait3A_97 = arith.constant 0 : i32
        %dma_wait3A_98 = tpu.memref_slice %arg10[%run_scoped3A_27, %dma_wait3A_97] : memref<2x1000xi32, #tpu.memory_space<vmem>> -> memref<1x1000xi32, #tpu.memory_space<vmem>>
        %dma_wait3A_99 = tpu.memref_squeeze %dma_wait3A_98 : memref<1x1000xi32, #tpu.memory_space<vmem>> -> memref<1000xi32, #tpu.memory_space<vmem>>
        %dma_wait3A_100 = tpu.memref_slice %arg4[%multiple_of3A] : memref<160000xi32, #tpu.memory_space<hbm>> -> memref<1000xi32, #tpu.memory_space<hbm>>
        %dma_wait3A_101 = arith.constant 0 : i32
        %dma_wait3A_102 = tpu.memref_slice %arg10[%run_scoped3A_27, %dma_wait3A_101] : memref<2x1000xi32, #tpu.memory_space<vmem>> -> memref<1x1000xi32, #tpu.memory_space<vmem>>
        %dma_wait3A_103 = tpu.memref_squeeze %dma_wait3A_102 : memref<1x1000xi32, #tpu.memory_space<vmem>> -> memref<1000xi32, #tpu.memory_space<vmem>>
        %dma_wait3A_104 = tpu.memref_slice %arg4[%multiple_of3A] : memref<160000xi32, #tpu.memory_space<hbm>> -> memref<1000xi32, #tpu.memory_space<hbm>>
        tpu.wait_dma2 semaphore(%run_scoped3A_88 : memref<!tpu.dma_semaphore, #tpu.memory_space<semaphore_mem>>) src(%dma_wait3A_104 : memref<1000xi32, #tpu.memory_space<hbm>>) dst(%dma_wait3A_103 : memref<1000xi32, #tpu.memory_space<vmem>>)
        tpu.yield
      }) : () -> ()
      %run_scoped3A_28 = arith.constant 0 : i32
      "tpu.region"() ({
        %run_scoped3A_88 = tpu.sem_alloc : memref<!tpu.dma_semaphore, #tpu.memory_space<semaphore_mem>>
        %dma_start3A_89 = arith.constant 0 : i32
        %dma_start3A_90 = tpu.memref_slice %arg11[%run_scoped3A_28, %dma_start3A_89] : memref<2x1000xi32, #tpu.memory_space<vmem>> -> memref<1x1000xi32, #tpu.memory_space<vmem>>
        %dma_start3A_91 = tpu.memref_squeeze %dma_start3A_90 : memref<1x1000xi32, #tpu.memory_space<vmem>> -> memref<1000xi32, #tpu.memory_space<vmem>>
        %dma_start3A_92 = tpu.memref_slice %arg5[%multiple_of3A] : memref<160000xi32, #tpu.memory_space<hbm>> -> memref<1000xi32, #tpu.memory_space<hbm>>
        %dma_start3A_93 = arith.constant 0 : i32
        %dma_start3A_94 = tpu.memref_slice %arg11[%run_scoped3A_28, %dma_start3A_93] : memref<2x1000xi32, #tpu.memory_space<vmem>> -> memref<1x1000xi32, #tpu.memory_space<vmem>>
        %dma_start3A_95 = tpu.memref_squeeze %dma_start3A_94 : memref<1x1000xi32, #tpu.memory_space<vmem>> -> memref<1000xi32, #tpu.memory_space<vmem>>
        %dma_start3A_96 = tpu.memref_slice %arg5[%multiple_of3A] : memref<160000xi32, #tpu.memory_space<hbm>> -> memref<1000xi32, #tpu.memory_space<hbm>>
        tpu.enqueue_dma source(%dma_start3A_96 : memref<1000xi32, #tpu.memory_space<hbm>>) target(%dma_start3A_95 : memref<1000xi32, #tpu.memory_space<vmem>>) target_semaphore(%run_scoped3A_88 : memref<!tpu.dma_semaphore, #tpu.memory_space<semaphore_mem>>)
        %dma_wait3A_97 = arith.constant 0 : i32
        %dma_wait3A_98 = tpu.memref_slice %arg11[%run_scoped3A_28, %dma_wait3A_97] : memref<2x1000xi32, #tpu.memory_space<vmem>> -> memref<1x1000xi32, #tpu.memory_space<vmem>>
        %dma_wait3A_99 = tpu.memref_squeeze %dma_wait3A_98 : memref<1x1000xi32, #tpu.memory_space<vmem>> -> memref<1000xi32, #tpu.memory_space<vmem>>
        %dma_wait3A_100 = tpu.memref_slice %arg5[%multiple_of3A] : memref<160000xi32, #tpu.memory_space<hbm>> -> memref<1000xi32, #tpu.memory_space<hbm>>
        %dma_wait3A_101 = arith.constant 0 : i32
        %dma_wait3A_102 = tpu.memref_slice %arg11[%run_scoped3A_28, %dma_wait3A_101] : memref<2x1000xi32, #tpu.memory_space<vmem>> -> memref<1x1000xi32, #tpu.memory_space<vmem>>
        %dma_wait3A_103 = tpu.memref_squeeze %dma_wait3A_102 : memref<1x1000xi32, #tpu.memory_space<vmem>> -> memref<1000xi32, #tpu.memory_space<vmem>>
        %dma_wait3A_104 = tpu.memref_slice %arg5[%multiple_of3A] : memref<160000xi32, #tpu.memory_space<hbm>> -> memref<1000xi32, #tpu.memory_space<hbm>>
        tpu.wait_dma2 semaphore(%run_scoped3A_88 : memref<!tpu.dma_semaphore, #tpu.memory_space<semaphore_mem>>) src(%dma_wait3A_104 : memref<1000xi32, #tpu.memory_space<hbm>>) dst(%dma_wait3A_103 : memref<1000xi32, #tpu.memory_space<vmem>>)
        tpu.yield
      }) : () -> ()
      %dma_start3A = arith.constant 0 : i32
      %dma_start3A_29 = arith.constant 0 : i32
      %dma_start3A_30 = arith.constant 0 : i32
      %dma_start3A_31 = arith.constant 0 : i32
      %dma_start3A_32 = tpu.memref_slice %arg12[%dma_start3A_29, %dma_start3A_30, %dma_start3A_31] : memref<2x1000x32xf32, #tpu.memory_space<vmem>> -> memref<1x1000x32xf32, #tpu.memory_space<vmem>>
      %dma_start3A_33 = tpu.memref_squeeze %dma_start3A_32 : memref<1x1000x32xf32, #tpu.memory_space<vmem>> -> memref<1000x32xf32, #tpu.memory_space<vmem>>
      %dma_start3A_34 = arith.constant 0 : i32
      %dma_start3A_35 = tpu.memref_slice %arg9[%dma_start3A, %dma_start3A_34] : memref<2x1000xi32, #tpu.memory_space<vmem>> -> memref<1x1000xi32, #tpu.memory_space<vmem>>
      %dma_start3A_36 = tpu.memref_squeeze %dma_start3A_35 : memref<1x1000xi32, #tpu.memory_space<vmem>> -> memref<1000xi32, #tpu.memory_space<vmem>>
      %dma_start3A_37 = arith.constant 0 : i32
      %dma_start3A_38 = arith.constant 0 : i32
      %dma_start3A_39 = tpu.memref_slice %arg2[%dma_start3A_37, %dma_start3A_38] : memref<80000x32xf32, #tpu.memory_space<hbm>> -> memref<80000x32xf32, #tpu.memory_space<hbm>>
      tpu.enqueue_indirect_dma source(%dma_start3A_39 : memref<80000x32xf32, #tpu.memory_space<hbm>>) target(%dma_start3A_33 : memref<1000x32xf32, #tpu.memory_space<vmem>>) offsets(%dma_start3A_36 : memref<1000xi32, #tpu.memory_space<vmem>>) semaphore(%arg16 : memref<!tpu.dma_semaphore, #tpu.memory_space<semaphore_mem>>)
      %dma_start3A_40 = arith.constant 0 : i32
      %dma_start3A_41 = arith.constant 0 : i32
      %dma_start3A_42 = arith.constant 0 : i32
      %dma_start3A_43 = tpu.memref_slice %arg13[%dma_start3A_41, %dma_start3A_42] : memref<2x1008xf32, #tpu.memory_space<vmem>> -> memref<1x1008xf32, #tpu.memory_space<vmem>>
      %dma_start3A_44 = tpu.memref_squeeze %dma_start3A_43 : memref<1x1008xf32, #tpu.memory_space<vmem>> -> memref<1008xf32, #tpu.memory_space<vmem>>
      %dma_start3A_45 = arith.constant 0 : i32
      %dma_start3A_46 = tpu.memref_slice %dma_start3A_44[%dma_start3A_45] : memref<1008xf32, #tpu.memory_space<vmem>> -> memref<1000xf32, #tpu.memory_space<vmem>>
      %dma_start3A_47 = arith.constant 0 : i32
      %dma_start3A_48 = tpu.memref_slice %arg11[%dma_start3A_40, %dma_start3A_47] : memref<2x1000xi32, #tpu.memory_space<vmem>> -> memref<1x1000xi32, #tpu.memory_space<vmem>>
      %dma_start3A_49 = tpu.memref_squeeze %dma_start3A_48 : memref<1x1000xi32, #tpu.memory_space<vmem>> -> memref<1000xi32, #tpu.memory_space<vmem>>
      %dma_start3A_50 = arith.constant 0 : i32
      %dma_start3A_51 = tpu.memref_slice %arg6[%dma_start3A_50] : memref<80000xf32, #tpu.memory_space<hbm>> -> memref<80000xf32, #tpu.memory_space<hbm>>
      tpu.enqueue_indirect_dma source(%dma_start3A_51 : memref<80000xf32, #tpu.memory_space<hbm>>) target(%dma_start3A_46 : memref<1000xf32, #tpu.memory_space<vmem>>) offsets(%dma_start3A_49 : memref<1000xi32, #tpu.memory_space<vmem>>) semaphore(%arg18 : memref<!tpu.dma_semaphore, #tpu.memory_space<semaphore_mem>>)
      %dma_wait3A = arith.constant 0 : i32
      %dma_wait3A_52 = arith.constant 0 : i32
      %dma_wait3A_53 = arith.constant 0 : i32
      %dma_wait3A_54 = tpu.memref_slice %arg13[%dma_wait3A_52, %dma_wait3A_53] : memref<2x1008xf32, #tpu.memory_space<vmem>> -> memref<1x1008xf32, #tpu.memory_space<vmem>>
      %dma_wait3A_55 = tpu.memref_squeeze %dma_wait3A_54 : memref<1x1008xf32, #tpu.memory_space<vmem>> -> memref<1008xf32, #tpu.memory_space<vmem>>
      %dma_wait3A_56 = arith.constant 0 : i32
      %dma_wait3A_57 = tpu.memref_slice %dma_wait3A_55[%dma_wait3A_56] : memref<1008xf32, #tpu.memory_space<vmem>> -> memref<1000xf32, #tpu.memory_space<vmem>>
      %dma_wait3A_58 = arith.constant 0 : i32
      %dma_wait3A_59 = tpu.memref_slice %arg11[%dma_wait3A, %dma_wait3A_58] : memref<2x1000xi32, #tpu.memory_space<vmem>> -> memref<1x1000xi32, #tpu.memory_space<vmem>>
      %dma_wait3A_60 = tpu.memref_squeeze %dma_wait3A_59 : memref<1x1000xi32, #tpu.memory_space<vmem>> -> memref<1000xi32, #tpu.memory_space<vmem>>
      %dma_wait3A_61 = arith.constant 0 : i32
      %dma_wait3A_62 = tpu.memref_slice %arg6[%dma_wait3A_61] : memref<80000xf32, #tpu.memory_space<hbm>> -> memref<80000xf32, #tpu.memory_space<hbm>>
      tpu.wait_indirect_dma semaphore(%arg18 : memref<!tpu.dma_semaphore, #tpu.memory_space<semaphore_mem>>) src(%dma_wait3A_62 : memref<80000xf32, #tpu.memory_space<hbm>>) dst(%dma_wait3A_57 : memref<1000xf32, #tpu.memory_space<vmem>>)
      %scan3A_63 = arith.constant 0 : i32
      %scan3A_64 = arith.constant 63 : i32
      %scan3A_65 = arith.addi %scan3A_63, %scan3A_64 : i32
      %scan3A_66 = arith.constant 1 : i32
      scf.for %scan3A_88 = %scan3A_63 to %scan3A_65 step %scan3A_66  : i32 {
        %mul3A_89 = arith.constant 16 : i32
        %mul3A_90 = arith.muli %scan3A_88, %mul3A_89 : i32
        %add3A_91 = arith.constant 0 : i32
        %add3A_92 = arith.addi %add3A_91, %mul3A_90 : i32
        %get3A = arith.constant 0 : i32
        %get3A_93 = arith.index_cast %get3A : i32 to index
        %get3A_94 = arith.index_cast %add3A_92 : i32 to index
        %get3A_95 = tpu.vector_load %arg13[%get3A_93, %get3A_94] {strides = array<i32>} : memref<2x1008xf32, #tpu.memory_space<vmem>>, vector<1x16xf32>,
        %get3A_96 = vector.shape_cast %get3A_95 : vector<1x16xf32> to vector<16xf32>
        %div3A = arith.constant 1.000000e+00 : f32
        %div3A_97 = vector.broadcast %div3A : f32 to vector<16xf32>
        %div3A_98 = arith.divf %div3A_97, %get3A_96 : vector<16xf32>
        %swap3A = arith.index_cast %add3A_92 : i32 to index
        %swap3A_99 = tpu.vector_load %arg14[%swap3A] {strides = array<i32>} : memref<1008xf32, #tpu.memory_space<vmem>>, vector<16xf32>,
        %swap3A_100 = vector.shape_cast %swap3A_99 : vector<16xf32> to vector<16xf32>
        %swap3A_101 = vector.shape_cast %div3A_98 : vector<16xf32> to vector<16xf32>
        tpu.vector_store %arg14[%swap3A], %swap3A_101 {strides = array<i32>} : memref<1008xf32, #tpu.memory_space<vmem>>, vector<16xf32>,
      }
      %scan3A_67 = arith.constant 63 : i32
      "tpu.region"() ({
        %run_scoped3A_88 = tpu.sem_alloc : memref<!tpu.dma_semaphore, #tpu.memory_space<semaphore_mem>>
        %dma_start3A_89 = arith.constant 0 : i32
        %dma_start3A_90 = tpu.memref_slice %arg14[%dma_start3A_89] : memref<1008xf32, #tpu.memory_space<vmem>> -> memref<1000xf32, #tpu.memory_space<vmem>>
        %dma_start3A_91 = tpu.memref_slice %arg8[%multiple_of3A] : memref<160000xf32, #tpu.memory_space<hbm>> -> memref<1000xf32, #tpu.memory_space<hbm>>
        %dma_start3A_92 = tpu.memref_slice %arg8[%multiple_of3A] : memref<160000xf32, #tpu.memory_space<hbm>> -> memref<1000xf32, #tpu.memory_space<hbm>>
        %dma_start3A_93 = arith.constant 0 : i32
        %dma_start3A_94 = tpu.memref_slice %arg14[%dma_start3A_93] : memref<1008xf32, #tpu.memory_space<vmem>> -> memref<1000xf32, #tpu.memory_space<vmem>>
        tpu.enqueue_dma source(%dma_start3A_94 : memref<1000xf32, #tpu.memory_space<vmem>>) target(%dma_start3A_92 : memref<1000xf32, #tpu.memory_space<hbm>>) target_semaphore(%run_scoped3A_88 : memref<!tpu.dma_semaphore, #tpu.memory_space<semaphore_mem>>)
        %dma_wait3A_95 = arith.constant 0 : i32
        %dma_wait3A_96 = tpu.memref_slice %arg14[%dma_wait3A_95] : memref<1008xf32, #tpu.memory_space<vmem>> -> memref<1000xf32, #tpu.memory_space<vmem>>
        %dma_wait3A_97 = tpu.memref_slice %arg8[%multiple_of3A] : memref<160000xf32, #tpu.memory_space<hbm>> -> memref<1000xf32, #tpu.memory_space<hbm>>
        %dma_wait3A_98 = tpu.memref_slice %arg8[%multiple_of3A] : memref<160000xf32, #tpu.memory_space<hbm>> -> memref<1000xf32, #tpu.memory_space<hbm>>
        %dma_wait3A_99 = arith.constant 0 : i32
        %dma_wait3A_100 = tpu.memref_slice %arg14[%dma_wait3A_99] : memref<1008xf32, #tpu.memory_space<vmem>> -> memref<1000xf32, #tpu.memory_space<vmem>>
        tpu.wait_dma2 semaphore(%run_scoped3A_88 : memref<!tpu.dma_semaphore, #tpu.memory_space<semaphore_mem>>) src(%dma_wait3A_100 : memref<1000xf32, #tpu.memory_space<vmem>>) dst(%dma_wait3A_98 : memref<1000xf32, #tpu.memory_space<hbm>>)
        tpu.yield
      }) : () -> ()
      %dma_wait3A_68 = arith.constant 0 : i32
      %dma_wait3A_69 = arith.constant 0 : i32
      %dma_wait3A_70 = arith.constant 0 : i32
      %dma_wait3A_71 = arith.constant 0 : i32
      %dma_wait3A_72 = tpu.memref_slice %arg12[%dma_wait3A_69, %dma_wait3A_70, %dma_wait3A_71] : memref<2x1000x32xf32, #tpu.memory_space<vmem>> -> memref<1x1000x32xf32, #tpu.memory_space<vmem>>
      %dma_wait3A_73 = tpu.memref_squeeze %dma_wait3A_72 : memref<1x1000x32xf32, #tpu.memory_space<vmem>> -> memref<1000x32xf32, #tpu.memory_space<vmem>>
      %dma_wait3A_74 = arith.constant 0 : i32
      %dma_wait3A_75 = tpu.memref_slice %arg9[%dma_wait3A_68, %dma_wait3A_74] : memref<2x1000xi32, #tpu.memory_space<vmem>> -> memref<1x1000xi32, #tpu.memory_space<vmem>>
      %dma_wait3A_76 = tpu.memref_squeeze %dma_wait3A_75 : memref<1x1000xi32, #tpu.memory_space<vmem>> -> memref<1000xi32, #tpu.memory_space<vmem>>
      %dma_wait3A_77 = arith.constant 0 : i32
      %dma_wait3A_78 = arith.constant 0 : i32
      %dma_wait3A_79 = tpu.memref_slice %arg2[%dma_wait3A_77, %dma_wait3A_78] : memref<80000x32xf32, #tpu.memory_space<hbm>> -> memref<80000x32xf32, #tpu.memory_space<hbm>>
      tpu.wait_indirect_dma semaphore(%arg16 : memref<!tpu.dma_semaphore, #tpu.memory_space<semaphore_mem>>) src(%dma_wait3A_79 : memref<80000x32xf32, #tpu.memory_space<hbm>>) dst(%dma_wait3A_73 : memref<1000x32xf32, #tpu.memory_space<vmem>>)
      %scan3A_80 = arith.constant 0 : i32
      %scan3A_81 = arith.constant 0 : i32
      %scan3A_82 = arith.constant 63 : i32
      %scan3A_83 = arith.addi %scan3A_81, %scan3A_82 : i32
      %scan3A_84 = arith.constant 1 : i32
      scf.for %scan3A_88 = %scan3A_81 to %scan3A_83 step %scan3A_84  : i32 {
        %mul3A_89 = arith.constant 16 : i32
        %mul3A_90 = arith.muli %scan3A_88, %mul3A_89 : i32
        %add3A_91 = arith.constant 0 : i32
        %add3A_92 = arith.addi %add3A_91, %mul3A_90 : i32
        %get3A = arith.index_cast %add3A_92 : i32 to index
        %get3A_93 = tpu.vector_load %arg14[%get3A] {strides = array<i32>} : memref<1008xf32, #tpu.memory_space<vmem>>, vector<16xf32>,
        %get3A_94 = vector.shape_cast %get3A_93 : vector<16xf32> to vector<16xf32>
        %slice3A = vector.extract_strided_slice %get3A_94 {offsets = [0], sizes = [1], strides = [1]} : vector<16xf32> to vector<1xf32>
        %squeeze3A = vector.extract %slice3A[0] : f32 from vector<1xf32>
        %add3A_95 = arith.constant 0 : i32
        %add3A_96 = arith.addi %add3A_92, %add3A_95 : i32
        %get3A_97 = arith.constant 0 : i32
        %get3A_98 = arith.constant 0 : i32
        %get3A_99 = tpu.memref_slice %arg12[%scan3A_80, %get3A_97, %get3A_98] : memref<2x1000x32xf32, #tpu.memory_space<vmem>> -> memref<1x1000x32xf32, #tpu.memory_space<vmem>>
        %get3A_100 = tpu.memref_squeeze %get3A_99 : memref<1x1000x32xf32, #tpu.memory_space<vmem>> -> memref<1000x32xf32, #tpu.memory_space<vmem>>
        %get3A_101 = arith.index_cast %add3A_96 : i32 to index
        %get3A_102 = arith.constant 0 : index
        %get3A_103 = tpu.vector_load %get3A_100[%get3A_101, %get3A_102] {strides = array<i32>} : memref<1000x32xf32, #tpu.memory_space<vmem>>, vector<1x16xf32>,
        %get3A_104 = vector.shape_cast %get3A_103 : vector<1x16xf32> to vector<16xf32>
        %mul3A_105 = vector.broadcast %squeeze3A : f32 to vector<16xf32>
        %mul3A_106 = arith.mulf %get3A_104, %mul3A_105 : vector<16xf32>
        %add3A_107 = arith.constant 0 : i32
        %add3A_108 = arith.addi %add3A_92, %add3A_107 : i32
        %swap3A = arith.constant 0 : i32
        %swap3A_109 = arith.constant 0 : i32
        %swap3A_110 = tpu.memref_slice %arg12[%scan3A_80, %swap3A, %swap3A_109] : memref<2x1000x32xf32, #tpu.memory_space<vmem>> -> memref<1x1000x32xf32, #tpu.memory_space<vmem>>
        %swap3A_111 = tpu.memref_squeeze %swap3A_110 : memref<1x1000x32xf32, #tpu.memory_space<vmem>> -> memref<1000x32xf32, #tpu.memory_space<vmem>>
        %swap3A_112 = arith.index_cast %add3A_108 : i32 to index
        %swap3A_113 = arith.constant 0 : index
        %swap3A_114 = tpu.vector_load %swap3A_111[%swap3A_112, %swap3A_113] {strides = array<i32>} : memref<1000x32xf32, #tpu.memory_space<vmem>>, vector<1x16xf32>,
        %swap3A_115 = vector.shape_cast %swap3A_114 : vector<1x16xf32> to vector<16xf32>
        %swap3A_116 = vector.shape_cast %mul3A_106 : vector<16xf32> to vector<1x16xf32>
        tpu.vector_store %swap3A_111[%swap3A_112, %swap3A_113], %swap3A_116 {strides = array<i32>} : memref<1000x32xf32, #tpu.memory_space<vmem>>, vector<1x16xf32>,
        %add3A_117 = arith.constant 0 : i32
        %add3A_118 = arith.addi %add3A_92, %add3A_117 : i32
        %get3A_119 = arith.constant 0 : i32
        %get3A_120 = arith.constant 0 : i32
        %get3A_121 = tpu.memref_slice %arg12[%scan3A_80, %get3A_119, %get3A_120] : memref<2x1000x32xf32, #tpu.memory_space<vmem>> -> memref<1x1000x32xf32, #tpu.memory_space<vmem>>
        %get3A_122 = tpu.memref_squeeze %get3A_121 : memref<1x1000x32xf32, #tpu.memory_space<vmem>> -> memref<1000x32xf32, #tpu.memory_space<vmem>>
        %get3A_123 = arith.index_cast %add3A_118 : i32 to index
        %get3A_124 = arith.constant 16 : index
        %get3A_125 = tpu.vector_load %get3A_122[%get3A_123, %get3A_124] {strides = array<i32>} : memref<1000x32xf32, #tpu.memory_space<vmem>>, vector<1x16xf32>,
        %get3A_126 = vector.shape_cast %get3A_125 : vector<1x16xf32> to vector<16xf32>
        %mul3A_127 = vector.broadcast %squeeze3A : f32 to vector<16xf32>
        %mul3A_128 = arith.mulf %get3A_126, %mul3A_127 : vector<16xf32>
        %add3A_129 = arith.constant 0 : i32
        %add3A_130 = arith.addi %add3A_92, %add3A_129 : i32
        %swap3A_131 = arith.constant 0 : i32
        %swap3A_132 = arith.constant 0 : i32
        %swap3A_133 = tpu.memref_slice %arg12[%scan3A_80, %swap3A_131, %swap3A_132] : memref<2x1000x32xf32, #tpu.memory_space<vmem>> -> memref<1x1000x32xf32, #tpu.memory_space<vmem>>
        %swap3A_134 = tpu.memref_squeeze %swap3A_133 : memref<1x1000x32xf32, #tpu.memory_space<vmem>> -> memref<1000x32xf32, #tpu.memory_space<vmem>>
        %swap3A_135 = arith.index_cast %add3A_130 : i32 to index
        %swap3A_136 = arith.constant 16 : index
        %swap3A_137 = tpu.vector_load %swap3A_134[%swap3A_135, %swap3A_136] {strides = array<i32>} : memref<1000x32xf32, #tpu.memory_space<vmem>>, vector<1x16xf32>,
        %swap3A_138 = vector.shape_cast %swap3A_137 : vector<1x16xf32> to vector<16xf32>
        %swap3A_139 = vector.shape_cast %mul3A_128 : vector<16xf32> to vector<1x16xf32>
        tpu.vector_store %swap3A_134[%swap3A_135, %swap3A_136], %swap3A_139 {strides = array<i32>} : memref<1000x32xf32, #tpu.memory_space<vmem>>, vector<1x16xf32>,
        %slice3A_140 = vector.extract_strided_slice %get3A_94 {offsets = [1], sizes = [1], strides = [1]} : vector<16xf32> to vector<1xf32>
        %squeeze3A_141 = vector.extract %slice3A_140[0] : f32 from vector<1xf32>
        %add3A_142 = arith.constant 1 : i32
        %add3A_143 = arith.addi %add3A_92, %add3A_142 : i32
        %get3A_144 = arith.constant 0 : i32
        %get3A_145 = arith.constant 0 : i32
        %get3A_146 = tpu.memref_slice %arg12[%scan3A_80, %get3A_144, %get3A_145] : memref<2x1000x32xf32, #tpu.memory_space<vmem>> -> memref<1x1000x32xf32, #tpu.memory_space<vmem>>
        %get3A_147 = tpu.memref_squeeze %get3A_146 : memref<1x1000x32xf32, #tpu.memory_space<vmem>> -> memref<1000x32xf32, #tpu.memory_space<vmem>>
        %get3A_148 = arith.index_cast %add3A_143 : i32 to index
        %get3A_149 = arith.constant 0 : index
        %get3A_150 = tpu.vector_load %get3A_147[%get3A_148, %get3A_149] {strides = array<i32>} : memref<1000x32xf32, #tpu.memory_space<vmem>>, vector<1x16xf32>,
        %get3A_151 = vector.shape_cast %get3A_150 : vector<1x16xf32> to vector<16xf32>
        %mul3A_152 = vector.broadcast %squeeze3A_141 : f32 to vector<16xf32>
        %mul3A_153 = arith.mulf %get3A_151, %mul3A_152 : vector<16xf32>
        %add3A_154 = arith.constant 1 : i32
        %add3A_155 = arith.addi %add3A_92, %add3A_154 : i32
        %swap3A_156 = arith.constant 0 : i32
        %swap3A_157 = arith.constant 0 : i32
        %swap3A_158 = tpu.memref_slice %arg12[%scan3A_80, %swap3A_156, %swap3A_157] : memref<2x1000x32xf32, #tpu.memory_space<vmem>> -> memref<1x1000x32xf32, #tpu.memory_space<vmem>>
        %swap3A_159 = tpu.memref_squeeze %swap3A_158 : memref<1x1000x32xf32, #tpu.memory_space<vmem>> -> memref<1000x32xf32, #tpu.memory_space<vmem>>
        %swap3A_160 = arith.index_cast %add3A_155 : i32 to index
        %swap3A_161 = arith.constant 0 : index
        %swap3A_162 = tpu.vector_load %swap3A_159[%swap3A_160, %swap3A_161] {strides = array<i32>} : memref<1000x32xf32, #tpu.memory_space<vmem>>, vector<1x16xf32>,
        %swap3A_163 = vector.shape_cast %swap3A_162 : vector<1x16xf32> to vector<16xf32>
        %swap3A_164 = vector.shape_cast %mul3A_153 : vector<16xf32> to vector<1x16xf32>
        tpu.vector_store %swap3A_159[%swap3A_160, %swap3A_161], %swap3A_164 {strides = array<i32>} : memref<1000x32xf32, #tpu.memory_space<vmem>>, vector<1x16xf32>,
        %add3A_165 = arith.constant 1 : i32
        %add3A_166 = arith.addi %add3A_92, %add3A_165 : i32
        %get3A_167 = arith.constant 0 : i32
        %get3A_168 = arith.constant 0 : i32
        %get3A_169 = tpu.memref_slice %arg12[%scan3A_80, %get3A_167, %get3A_168] : memref<2x1000x32xf32, #tpu.memory_space<vmem>> -> memref<1x1000x32xf32, #tpu.memory_space<vmem>>
        %get3A_170 = tpu.memref_squeeze %get3A_169 : memref<1x1000x32xf32, #tpu.memory_space<vmem>> -> memref<1000x32xf32, #tpu.memory_space<vmem>>
        %get3A_171 = arith.index_cast %add3A_166 : i32 to index
        %get3A_172 = arith.constant 16 : index
        %get3A_173 = tpu.vector_load %get3A_170[%get3A_171, %get3A_172] {strides = array<i32>} : memref<1000x32xf32, #tpu.memory_space<vmem>>, vector<1x16xf32>,
        %get3A_174 = vector.shape_cast %get3A_173 : vector<1x16xf32> to vector<16xf32>
        %mul3A_175 = vector.broadcast %squeeze3A_141 : f32 to vector<16xf32>
        %mul3A_176 = arith.mulf %get3A_174, %mul3A_175 : vector<16xf32>
        %add3A_177 = arith.constant 1 : i32
        %add3A_178 = arith.addi %add3A_92, %add3A_177 : i32
        %swap3A_179 = arith.constant 0 : i32
        %swap3A_180 = arith.constant 0 : i32
        %swap3A_181 = tpu.memref_slice %arg12[%scan3A_80, %swap3A_179, %swap3A_180] : memref<2x1000x32xf32, #tpu.memory_space<vmem>> -> memref<1x1000x32xf32, #tpu.memory_space<vmem>>
        %swap3A_182 = tpu.memref_squeeze %swap3A_181 : memref<1x1000x32xf32, #tpu.memory_space<vmem>> -> memref<1000x32xf32, #tpu.memory_space<vmem>>
        %swap3A_183 = arith.index_cast %add3A_178 : i32 to index
        %swap3A_184 = arith.constant 16 : index
        %swap3A_185 = tpu.vector_load %swap3A_182[%swap3A_183, %swap3A_184] {strides = array<i32>} : memref<1000x32xf32, #tpu.memory_space<vmem>>, vector<1x16xf32>,
        %swap3A_186 = vector.shape_cast %swap3A_185 : vector<1x16xf32> to vector<16xf32>
        %swap3A_187 = vector.shape_cast %mul3A_176 : vector<16xf32> to vector<1x16xf32>
        tpu.vector_store %swap3A_182[%swap3A_183, %swap3A_184], %swap3A_187 {strides = array<i32>} : memref<1000x32xf32, #tpu.memory_space<vmem>>, vector<1x16xf32>,
        %slice3A_188 = vector.extract_strided_slice %get3A_94 {offsets = [2], sizes = [1], strides = [1]} : vector<16xf32> to vector<1xf32>
        %squeeze3A_189 = vector.extract %slice3A_188[0] : f32 from vector<1xf32>
        %add3A_190 = arith.constant 2 : i32
        %add3A_191 = arith.addi %add3A_92, %add3A_190 : i32
        %get3A_192 = arith.constant 0 : i32
        %get3A_193 = arith.constant 0 : i32
        %get3A_194 = tpu.memref_slice %arg12[%scan3A_80, %get3A_192, %get3A_193] : memref<2x1000x32xf32, #tpu.memory_space<vmem>> -> memref<1x1000x32xf32, #tpu.memory_space<vmem>>
        %get3A_195 = tpu.memref_squeeze %get3A_194 : memref<1x1000x32xf32, #tpu.memory_space<vmem>> -> memref<1000x32xf32, #tpu.memory_space<vmem>>
        %get3A_196 = arith.index_cast %add3A_191 : i32 to index
        %get3A_197 = arith.constant 0 : index
        %get3A_198 = tpu.vector_load %get3A_195[%get3A_196, %get3A_197] {strides = array<i32>} : memref<1000x32xf32, #tpu.memory_space<vmem>>, vector<1x16xf32>,
        %get3A_199 = vector.shape_cast %get3A_198 : vector<1x16xf32> to vector<16xf32>
        %mul3A_200 = vector.broadcast %squeeze3A_189 : f32 to vector<16xf32>
        %mul3A_201 = arith.mulf %get3A_199, %mul3A_200 : vector<16xf32>
        %add3A_202 = arith.constant 2 : i32
        %add3A_203 = arith.addi %add3A_92, %add3A_202 : i32
        %swap3A_204 = arith.constant 0 : i32
        %swap3A_205 = arith.constant 0 : i32
        %swap3A_206 = tpu.memref_slice %arg12[%scan3A_80, %swap3A_204, %swap3A_205] : memref<2x1000x32xf32, #tpu.memory_space<vmem>> -> memref<1x1000x32xf32, #tpu.memory_space<vmem>>
        %swap3A_207 = tpu.memref_squeeze %swap3A_206 : memref<1x1000x32xf32, #tpu.memory_space<vmem>> -> memref<1000x32xf32, #tpu.memory_space<vmem>>
        %swap3A_208 = arith.index_cast %add3A_203 : i32 to index
        %swap3A_209 = arith.constant 0 : index
        %swap3A_210 = tpu.vector_load %swap3A_207[%swap3A_208, %swap3A_209] {strides = array<i32>} : memref<1000x32xf32, #tpu.memory_space<vmem>>, vector<1x16xf32>,
        %swap3A_211 = vector.shape_cast %swap3A_210 : vector<1x16xf32> to vector<16xf32>
        %swap3A_212 = vector.shape_cast %mul3A_201 : vector<16xf32> to vector<1x16xf32>
        tpu.vector_store %swap3A_207[%swap3A_208, %swap3A_209], %swap3A_212 {strides = array<i32>} : memref<1000x32xf32, #tpu.memory_space<vmem>>, vector<1x16xf32>,
        %add3A_213 = arith.constant 2 : i32
        %add3A_214 = arith.addi %add3A_92, %add3A_213 : i32
        %get3A_215 = arith.constant 0 : i32
        %get3A_216 = arith.constant 0 : i32
        %get3A_217 = tpu.memref_slice %arg12[%scan3A_80, %get3A_215, %get3A_216] : memref<2x1000x32xf32, #tpu.memory_space<vmem>> -> memref<1x1000x32xf32, #tpu.memory_space<vmem>>
        %get3A_218 = tpu.memref_squeeze %get3A_217 : memref<1x1000x32xf32, #tpu.memory_space<vmem>> -> memref<1000x32xf32, #tpu.memory_space<vmem>>
        %get3A_219 = arith.index_cast %add3A_214 : i32 to index
        %get3A_220 = arith.constant 16 : index
        %get3A_221 = tpu.vector_load %get3A_218[%get3A_219, %get3A_220] {strides = array<i32>} : memref<1000x32xf32, #tpu.memory_space<vmem>>, vector<1x16xf32>,
        %get3A_222 = vector.shape_cast %get3A_221 : vector<1x16xf32> to vector<16xf32>
        %mul3A_223 = vector.broadcast %squeeze3A_189 : f32 to vector<16xf32>
        %mul3A_224 = arith.mulf %get3A_222, %mul3A_223 : vector<16xf32>
        %add3A_225 = arith.constant 2 : i32
        %add3A_226 = arith.addi %add3A_92, %add3A_225 : i32
        %swap3A_227 = arith.constant 0 : i32
        %swap3A_228 = arith.constant 0 : i32
        %swap3A_229 = tpu.memref_slice %arg12[%scan3A_80, %swap3A_227, %swap3A_228] : memref<2x1000x32xf32, #tpu.memory_space<vmem>> -> memref<1x1000x32xf32, #tpu.memory_space<vmem>>
        %swap3A_230 = tpu.memref_squeeze %swap3A_229 : memref<1x1000x32xf32, #tpu.memory_space<vmem>> -> memref<1000x32xf32, #tpu.memory_space<vmem>>
        %swap3A_231 = arith.index_cast %add3A_226 : i32 to index
        %swap3A_232 = arith.constant 16 : index
        %swap3A_233 = tpu.vector_load %swap3A_230[%swap3A_231, %swap3A_232] {strides = array<i32>} : memref<1000x32xf32, #tpu.memory_space<vmem>>, vector<1x16xf32>,
        %swap3A_234 = vector.shape_cast %swap3A_233 : vector<1x16xf32> to vector<16xf32>
        %swap3A_235 = vector.shape_cast %mul3A_224 : vector<16xf32> to vector<1x16xf32>
        tpu.vector_store %swap3A_230[%swap3A_231, %swap3A_232], %swap3A_235 {strides = array<i32>} : memref<1000x32xf32, #tpu.memory_space<vmem>>, vector<1x16xf32>,
        %slice3A_236 = vector.extract_strided_slice %get3A_94 {offsets = [3], sizes = [1], strides = [1]} : vector<16xf32> to vector<1xf32>
        %squeeze3A_237 = vector.extract %slice3A_236[0] : f32 from vector<1xf32>
        %add3A_238 = arith.constant 3 : i32
        %add3A_239 = arith.addi %add3A_92, %add3A_238 : i32
        %get3A_240 = arith.constant 0 : i32
        %get3A_241 = arith.constant 0 : i32
        %get3A_242 = tpu.memref_slice %arg12[%scan3A_80, %get3A_240, %get3A_241] : memref<2x1000x32xf32, #tpu.memory_space<vmem>> -> memref<1x1000x32xf32, #tpu.memory_space<vmem>>
        %get3A_243 = tpu.memref_squeeze %get3A_242 : memref<1x1000x32xf32, #tpu.memory_space<vmem>> -> memref<1000x32xf32, #tpu.memory_space<vmem>>
        %get3A_244 = arith.index_cast %add3A_239 : i32 to index
        %get3A_245 = arith.constant 0 : index
        %get3A_246 = tpu.vector_load %get3A_243[%get3A_244, %get3A_245] {strides = array<i32>} : memref<1000x32xf32, #tpu.memory_space<vmem>>, vector<1x16xf32>,
        %get3A_247 = vector.shape_cast %get3A_246 : vector<1x16xf32> to vector<16xf32>
        %mul3A_248 = vector.broadcast %squeeze3A_237 : f32 to vector<16xf32>
        %mul3A_249 = arith.mulf %get3A_247, %mul3A_248 : vector<16xf32>
        %add3A_250 = arith.constant 3 : i32
        %add3A_251 = arith.addi %add3A_92, %add3A_250 : i32
        %swap3A_252 = arith.constant 0 : i32
        %swap3A_253 = arith.constant 0 : i32
        %swap3A_254 = tpu.memref_slice %arg12[%scan3A_80, %swap3A_252, %swap3A_253] : memref<2x1000x32xf32, #tpu.memory_space<vmem>> -> memref<1x1000x32xf32, #tpu.memory_space<vmem>>
        %swap3A_255 = tpu.memref_squeeze %swap3A_254 : memref<1x1000x32xf32, #tpu.memory_space<vmem>> -> memref<1000x32xf32, #tpu.memory_space<vmem>>
        %swap3A_256 = arith.index_cast %add3A_251 : i32 to index
        %swap3A_257 = arith.constant 0 : index
        %swap3A_258 = tpu.vector_load %swap3A_255[%swap3A_256, %swap3A_257] {strides = array<i32>} : memref<1000x32xf32, #tpu.memory_space<vmem>>, vector<1x16xf32>,
        %swap3A_259 = vector.shape_cast %swap3A_258 : vector<1x16xf32> to vector<16xf32>
        %swap3A_260 = vector.shape_cast %mul3A_249 : vector<16xf32> to vector<1x16xf32>
        tpu.vector_store %swap3A_255[%swap3A_256, %swap3A_257], %swap3A_260 {strides = array<i32>} : memref<1000x32xf32, #tpu.memory_space<vmem>>, vector<1x16xf32>,
        %add3A_261 = arith.constant 3 : i32
        %add3A_262 = arith.addi %add3A_92, %add3A_261 : i32
        %get3A_263 = arith.constant 0 : i32
        %get3A_264 = arith.constant 0 : i32
        %get3A_265 = tpu.memref_slice %arg12[%scan3A_80, %get3A_263, %get3A_264] : memref<2x1000x32xf32, #tpu.memory_space<vmem>> -> memref<1x1000x32xf32, #tpu.memory_space<vmem>>
        %get3A_266 = tpu.memref_squeeze %get3A_265 : memref<1x1000x32xf32, #tpu.memory_space<vmem>> -> memref<1000x32xf32, #tpu.memory_space<vmem>>
        %get3A_267 = arith.index_cast %add3A_262 : i32 to index
        %get3A_268 = arith.constant 16 : index
        %get3A_269 = tpu.vector_load %get3A_266[%get3A_267, %get3A_268] {strides = array<i32>} : memref<1000x32xf32, #tpu.memory_space<vmem>>, vector<1x16xf32>,
        %get3A_270 = vector.shape_cast %get3A_269 : vector<1x16xf32> to vector<16xf32>
        %mul3A_271 = vector.broadcast %squeeze3A_237 : f32 to vector<16xf32>
        %mul3A_272 = arith.mulf %get3A_270, %mul3A_271 : vector<16xf32>
        %add3A_273 = arith.constant 3 : i32
        %add3A_274 = arith.addi %add3A_92, %add3A_273 : i32
        %swap3A_275 = arith.constant 0 : i32
        %swap3A_276 = arith.constant 0 : i32
        %swap3A_277 = tpu.memref_slice %arg12[%scan3A_80, %swap3A_275, %swap3A_276] : memref<2x1000x32xf32, #tpu.memory_space<vmem>> -> memref<1x1000x32xf32, #tpu.memory_space<vmem>>
        %swap3A_278 = tpu.memref_squeeze %swap3A_277 : memref<1x1000x32xf32, #tpu.memory_space<vmem>> -> memref<1000x32xf32, #tpu.memory_space<vmem>>
        %swap3A_279 = arith.index_cast %add3A_274 : i32 to index
        %swap3A_280 = arith.constant 16 : index
        %swap3A_281 = tpu.vector_load %swap3A_278[%swap3A_279, %swap3A_280] {strides = array<i32>} : memref<1000x32xf32, #tpu.memory_space<vmem>>, vector<1x16xf32>,
        %swap3A_282 = vector.shape_cast %swap3A_281 : vector<1x16xf32> to vector<16xf32>
        %swap3A_283 = vector.shape_cast %mul3A_272 : vector<16xf32> to vector<1x16xf32>
        tpu.vector_store %swap3A_278[%swap3A_279, %swap3A_280], %swap3A_283 {strides = array<i32>} : memref<1000x32xf32, #tpu.memory_space<vmem>>, vector<1x16xf32>,
        %slice3A_284 = vector.extract_strided_slice %get3A_94 {offsets = [4], sizes = [1], strides = [1]} : vector<16xf32> to vector<1xf32>
        %squeeze3A_285 = vector.extract %slice3A_284[0] : f32 from vector<1xf32>
        %add3A_286 = arith.constant 4 : i32
        %add3A_287 = arith.addi %add3A_92, %add3A_286 : i32
        %get3A_288 = arith.constant 0 : i32
        %get3A_289 = arith.constant 0 : i32
        %get3A_290 = tpu.memref_slice %arg12[%scan3A_80, %get3A_288, %get3A_289] : memref<2x1000x32xf32, #tpu.memory_space<vmem>> -> memref<1x1000x32xf32, #tpu.memory_space<vmem>>
        %get3A_291 = tpu.memref_squeeze %get3A_290 : memref<1x1000x32xf32, #tpu.memory_space<vmem>> -> memref<1000x32xf32, #tpu.memory_space<vmem>>
        %get3A_292 = arith.index_cast %add3A_287 : i32 to index
        %get3A_293 = arith.constant 0 : index
        %get3A_294 = tpu.vector_load %get3A_291[%get3A_292, %get3A_293] {strides = array<i32>} : memref<1000x32xf32, #tpu.memory_space<vmem>>, vector<1x16xf32>,
        %get3A_295 = vector.shape_cast %get3A_294 : vector<1x16xf32> to vector<16xf32>
        %mul3A_296 = vector.broadcast %squeeze3A_285 : f32 to vector<16xf32>
        %mul3A_297 = arith.mulf %get3A_295, %mul3A_296 : vector<16xf32>
        %add3A_298 = arith.constant 4 : i32
        %add3A_299 = arith.addi %add3A_92, %add3A_298 : i32
        %swap3A_300 = arith.constant 0 : i32
        %swap3A_301 = arith.constant 0 : i32
        %swap3A_302 = tpu.memref_slice %arg12[%scan3A_80, %swap3A_300, %swap3A_301] : memref<2x1000x32xf32, #tpu.memory_space<vmem>> -> memref<1x1000x32xf32, #tpu.memory_space<vmem>>
        %swap3A_303 = tpu.memref_squeeze %swap3A_302 : memref<1x1000x32xf32, #tpu.memory_space<vmem>> -> memref<1000x32xf32, #tpu.memory_space<vmem>>
        %swap3A_304 = arith.index_cast %add3A_299 : i32 to index
        %swap3A_305 = arith.constant 0 : index
        %swap3A_306 = tpu.vector_load %swap3A_303[%swap3A_304, %swap3A_305] {strides = array<i32>} : memref<1000x32xf32, #tpu.memory_space<vmem>>, vector<1x16xf32>,
        %swap3A_307 = vector.shape_cast %swap3A_306 : vector<1x16xf32> to vector<16xf32>
        %swap3A_308 = vector.shape_cast %mul3A_297 : vector<16xf32> to vector<1x16xf32>
        tpu.vector_store %swap3A_303[%swap3A_304, %swap3A_305], %swap3A_308 {strides = array<i32>} : memref<1000x32xf32, #tpu.memory_space<vmem>>, vector<1x16xf32>,
        %add3A_309 = arith.constant 4 : i32
        %add3A_310 = arith.addi %add3A_92, %add3A_309 : i32
        %get3A_311 = arith.constant 0 : i32
        %get3A_312 = arith.constant 0 : i32
        %get3A_313 = tpu.memref_slice %arg12[%scan3A_80, %get3A_311, %get3A_312] : memref<2x1000x32xf32, #tpu.memory_space<vmem>> -> memref<1x1000x32xf32, #tpu.memory_space<vmem>>
        %get3A_314 = tpu.memref_squeeze %get3A_313 : memref<1x1000x32xf32, #tpu.memory_space<vmem>> -> memref<1000x32xf32, #tpu.memory_space<vmem>>
        %get3A_315 = arith.index_cast %add3A_310 : i32 to index
        %get3A_316 = arith.constant 16 : index
        %get3A_317 = tpu.vector_load %get3A_314[%get3A_315, %get3A_316] {strides = array<i32>} : memref<1000x32xf32, #tpu.memory_space<vmem>>, vector<1x16xf32>,
        %get3A_318 = vector.shape_cast %get3A_317 : vector<1x16xf32> to vector<16xf32>
        %mul3A_319 = vector.broadcast %squeeze3A_285 : f32 to vector<16xf32>
        %mul3A_320 = arith.mulf %get3A_318, %mul3A_319 : vector<16xf32>
        %add3A_321 = arith.constant 4 : i32
        %add3A_322 = arith.addi %add3A_92, %add3A_321 : i32
        %swap3A_323 = arith.constant 0 : i32
        %swap3A_324 = arith.constant 0 : i32
        %swap3A_325 = tpu.memref_slice %arg12[%scan3A_80, %swap3A_323, %swap3A_324] : memref<2x1000x32xf32, #tpu.memory_space<vmem>> -> memref<1x1000x32xf32, #tpu.memory_space<vmem>>
        %swap3A_326 = tpu.memref_squeeze %swap3A_325 : memref<1x1000x32xf32, #tpu.memory_space<vmem>> -> memref<1000x32xf32, #tpu.memory_space<vmem>>
        %swap3A_327 = arith.index_cast %add3A_322 : i32 to index
        %swap3A_328 = arith.constant 16 : index
        %swap3A_329 = tpu.vector_load %swap3A_326[%swap3A_327, %swap3A_328] {strides = array<i32>} : memref<1000x32xf32, #tpu.memory_space<vmem>>, vector<1x16xf32>,
        %swap3A_330 = vector.shape_cast %swap3A_329 : vector<1x16xf32> to vector<16xf32>
        %swap3A_331 = vector.shape_cast %mul3A_320 : vector<16xf32> to vector<1x16xf32>
        tpu.vector_store %swap3A_326[%swap3A_327, %swap3A_328], %swap3A_331 {strides = array<i32>} : memref<1000x32xf32, #tpu.memory_space<vmem>>, vector<1x16xf32>,
        %slice3A_332 = vector.extract_strided_slice %get3A_94 {offsets = [5], sizes = [1], strides = [1]} : vector<16xf32> to vector<1xf32>
        %squeeze3A_333 = vector.extract %slice3A_332[0] : f32 from vector<1xf32>
        %add3A_334 = arith.constant 5 : i32
        %add3A_335 = arith.addi %add3A_92, %add3A_334 : i32
        %get3A_336 = arith.constant 0 : i32
        %get3A_337 = arith.constant 0 : i32
        %get3A_338 = tpu.memref_slice %arg12[%scan3A_80, %get3A_336, %get3A_337] : memref<2x1000x32xf32, #tpu.memory_space<vmem>> -> memref<1x1000x32xf32, #tpu.memory_space<vmem>>
        %get3A_339 = tpu.memref_squeeze %get3A_338 : memref<1x1000x32xf32, #tpu.memory_space<vmem>> -> memref<1000x32xf32, #tpu.memory_space<vmem>>
        %get3A_340 = arith.index_cast %add3A_335 : i32 to index
        %get3A_341 = arith.constant 0 : index
        %get3A_342 = tpu.vector_load %get3A_339[%get3A_340, %get3A_341] {strides = array<i32>} : memref<1000x32xf32, #tpu.memory_space<vmem>>, vector<1x16xf32>,
        %get3A_343 = vector.shape_cast %get3A_342 : vector<1x16xf32> to vector<16xf32>
        %mul3A_344 = vector.broadcast %squeeze3A_333 : f32 to vector<16xf32>
        %mul3A_345 = arith.mulf %get3A_343, %mul3A_344 : vector<16xf32>
        %add3A_346 = arith.constant 5 : i32
        %add3A_347 = arith.addi %add3A_92, %add3A_346 : i32
        %swap3A_348 = arith.constant 0 : i32
        %swap3A_349 = arith.constant 0 : i32
        %swap3A_350 = tpu.memref_slice %arg12[%scan3A_80, %swap3A_348, %swap3A_349] : memref<2x1000x32xf32, #tpu.memory_space<vmem>> -> memref<1x1000x32xf32, #tpu.memory_space<vmem>>
        %swap3A_351 = tpu.memref_squeeze %swap3A_350 : memref<1x1000x32xf32, #tpu.memory_space<vmem>> -> memref<1000x32xf32, #tpu.memory_space<vmem>>
        %swap3A_352 = arith.index_cast %add3A_347 : i32 to index
        %swap3A_353 = arith.constant 0 : index
        %swap3A_354 = tpu.vector_load %swap3A_351[%swap3A_352, %swap3A_353] {strides = array<i32>} : memref<1000x32xf32, #tpu.memory_space<vmem>>, vector<1x16xf32>,
        %swap3A_355 = vector.shape_cast %swap3A_354 : vector<1x16xf32> to vector<16xf32>
        %swap3A_356 = vector.shape_cast %mul3A_345 : vector<16xf32> to vector<1x16xf32>
        tpu.vector_store %swap3A_351[%swap3A_352, %swap3A_353], %swap3A_356 {strides = array<i32>} : memref<1000x32xf32, #tpu.memory_space<vmem>>, vector<1x16xf32>,
        %add3A_357 = arith.constant 5 : i32
        %add3A_358 = arith.addi %add3A_92, %add3A_357 : i32
        %get3A_359 = arith.constant 0 : i32
        %get3A_360 = arith.constant 0 : i32
        %get3A_361 = tpu.memref_slice %arg12[%scan3A_80, %get3A_359, %get3A_360] : memref<2x1000x32xf32, #tpu.memory_space<vmem>> -> memref<1x1000x32xf32, #tpu.memory_space<vmem>>
        %get3A_362 = tpu.memref_squeeze %get3A_361 : memref<1x1000x32xf32, #tpu.memory_space<vmem>> -> memref<1000x32xf32, #tpu.memory_space<vmem>>
        %get3A_363 = arith.index_cast %add3A_358 : i32 to index
        %get3A_364 = arith.constant 16 : index
        %get3A_365 = tpu.vector_load %get3A_362[%get3A_363, %get3A_364] {strides = array<i32>} : memref<1000x32xf32, #tpu.memory_space<vmem>>, vector<1x16xf32>,
        %get3A_366 = vector.shape_cast %get3A_365 : vector<1x16xf32> to vector<16xf32>
        %mul3A_367 = vector.broadcast %squeeze3A_333 : f32 to vector<16xf32>
        %mul3A_368 = arith.mulf %get3A_366, %mul3A_367 : vector<16xf32>
        %add3A_369 = arith.constant 5 : i32
        %add3A_370 = arith.addi %add3A_92, %add3A_369 : i32
        %swap3A_371 = arith.constant 0 : i32
        %swap3A_372 = arith.constant 0 : i32
        %swap3A_373 = tpu.memref_slice %arg12[%scan3A_80, %swap3A_371, %swap3A_372] : memref<2x1000x32xf32, #tpu.memory_space<vmem>> -> memref<1x1000x32xf32, #tpu.memory_space<vmem>>
        %swap3A_374 = tpu.memref_squeeze %swap3A_373 : memref<1x1000x32xf32, #tpu.memory_space<vmem>> -> memref<1000x32xf32, #tpu.memory_space<vmem>>
        %swap3A_375 = arith.index_cast %add3A_370 : i32 to index
        %swap3A_376 = arith.constant 16 : index
        %swap3A_377 = tpu.vector_load %swap3A_374[%swap3A_375, %swap3A_376] {strides = array<i32>} : memref<1000x32xf32, #tpu.memory_space<vmem>>, vector<1x16xf32>,
        %swap3A_378 = vector.shape_cast %swap3A_377 : vector<1x16xf32> to vector<16xf32>
        %swap3A_379 = vector.shape_cast %mul3A_368 : vector<16xf32> to vector<1x16xf32>
        tpu.vector_store %swap3A_374[%swap3A_375, %swap3A_376], %swap3A_379 {strides = array<i32>} : memref<1000x32xf32, #tpu.memory_space<vmem>>, vector<1x16xf32>,
        %slice3A_380 = vector.extract_strided_slice %get3A_94 {offsets = [6], sizes = [1], strides = [1]} : vector<16xf32> to vector<1xf32>
        %squeeze3A_381 = vector.extract %slice3A_380[0] : f32 from vector<1xf32>
        %add3A_382 = arith.constant 6 : i32
        %add3A_383 = arith.addi %add3A_92, %add3A_382 : i32
        %get3A_384 = arith.constant 0 : i32
        %get3A_385 = arith.constant 0 : i32
        %get3A_386 = tpu.memref_slice %arg12[%scan3A_80, %get3A_384, %get3A_385] : memref<2x1000x32xf32, #tpu.memory_space<vmem>> -> memref<1x1000x32xf32, #tpu.memory_space<vmem>>
        %get3A_387 = tpu.memref_squeeze %get3A_386 : memref<1x1000x32xf32, #tpu.memory_space<vmem>> -> memref<1000x32xf32, #tpu.memory_space<vmem>>
        %get3A_388 = arith.index_cast %add3A_383 : i32 to index
        %get3A_389 = arith.constant 0 : index
        %get3A_390 = tpu.vector_load %get3A_387[%get3A_388, %get3A_389] {strides = array<i32>} : memref<1000x32xf32, #tpu.memory_space<vmem>>, vector<1x16xf32>,
        %get3A_391 = vector.shape_cast %get3A_390 : vector<1x16xf32> to vector<16xf32>
        %mul3A_392 = vector.broadcast %squeeze3A_381 : f32 to vector<16xf32>
        %mul3A_393 = arith.mulf %get3A_391, %mul3A_392 : vector<16xf32>
        %add3A_394 = arith.constant 6 : i32
        %add3A_395 = arith.addi %add3A_92, %add3A_394 : i32
        %swap3A_396 = arith.constant 0 : i32
        %swap3A_397 = arith.constant 0 : i32
        %swap3A_398 = tpu.memref_slice %arg12[%scan3A_80, %swap3A_396, %swap3A_397] : memref<2x1000x32xf32, #tpu.memory_space<vmem>> -> memref<1x1000x32xf32, #tpu.memory_space<vmem>>
        %swap3A_399 = tpu.memref_squeeze %swap3A_398 : memref<1x1000x32xf32, #tpu.memory_space<vmem>> -> memref<1000x32xf32, #tpu.memory_space<vmem>>
        %swap3A_400 = arith.index_cast %add3A_395 : i32 to index
        %swap3A_401 = arith.constant 0 : index
        %swap3A_402 = tpu.vector_load %swap3A_399[%swap3A_400, %swap3A_401] {strides = array<i32>} : memref<1000x32xf32, #tpu.memory_space<vmem>>, vector<1x16xf32>,
        %swap3A_403 = vector.shape_cast %swap3A_402 : vector<1x16xf32> to vector<16xf32>
        %swap3A_404 = vector.shape_cast %mul3A_393 : vector<16xf32> to vector<1x16xf32>
        tpu.vector_store %swap3A_399[%swap3A_400, %swap3A_401], %swap3A_404 {strides = array<i32>} : memref<1000x32xf32, #tpu.memory_space<vmem>>, vector<1x16xf32>,
        %add3A_405 = arith.constant 6 : i32
        %add3A_406 = arith.addi %add3A_92, %add3A_405 : i32
        %get3A_407 = arith.constant 0 : i32
        %get3A_408 = arith.constant 0 : i32
        %get3A_409 = tpu.memref_slice %arg12[%scan3A_80, %get3A_407, %get3A_408] : memref<2x1000x32xf32, #tpu.memory_space<vmem>> -> memref<1x1000x32xf32, #tpu.memory_space<vmem>>
        %get3A_410 = tpu.memref_squeeze %get3A_409 : memref<1x1000x32xf32, #tpu.memory_space<vmem>> -> memref<1000x32xf32, #tpu.memory_space<vmem>>
        %get3A_411 = arith.index_cast %add3A_406 : i32 to index
        %get3A_412 = arith.constant 16 : index
        %get3A_413 = tpu.vector_load %get3A_410[%get3A_411, %get3A_412] {strides = array<i32>} : memref<1000x32xf32, #tpu.memory_space<vmem>>, vector<1x16xf32>,
        %get3A_414 = vector.shape_cast %get3A_413 : vector<1x16xf32> to vector<16xf32>
        %mul3A_415 = vector.broadcast %squeeze3A_381 : f32 to vector<16xf32>
        %mul3A_416 = arith.mulf %get3A_414, %mul3A_415 : vector<16xf32>
        %add3A_417 = arith.constant 6 : i32
        %add3A_418 = arith.addi %add3A_92, %add3A_417 : i32
        %swap3A_419 = arith.constant 0 : i32
        %swap3A_420 = arith.constant 0 : i32
        %swap3A_421 = tpu.memref_slice %arg12[%scan3A_80, %swap3A_419, %swap3A_420] : memref<2x1000x32xf32, #tpu.memory_space<vmem>> -> memref<1x1000x32xf32, #tpu.memory_space<vmem>>
        %swap3A_422 = tpu.memref_squeeze %swap3A_421 : memref<1x1000x32xf32, #tpu.memory_space<vmem>> -> memref<1000x32xf32, #tpu.memory_space<vmem>>
        %swap3A_423 = arith.index_cast %add3A_418 : i32 to index
        %swap3A_424 = arith.constant 16 : index
        %swap3A_425 = tpu.vector_load %swap3A_422[%swap3A_423, %swap3A_424] {strides = array<i32>} : memref<1000x32xf32, #tpu.memory_space<vmem>>, vector<1x16xf32>,
        %swap3A_426 = vector.shape_cast %swap3A_425 : vector<1x16xf32> to vector<16xf32>
        %swap3A_427 = vector.shape_cast %mul3A_416 : vector<16xf32> to vector<1x16xf32>
        tpu.vector_store %swap3A_422[%swap3A_423, %swap3A_424], %swap3A_427 {strides = array<i32>} : memref<1000x32xf32, #tpu.memory_space<vmem>>, vector<1x16xf32>,
        %slice3A_428 = vector.extract_strided_slice %get3A_94 {offsets = [7], sizes = [1], strides = [1]} : vector<16xf32> to vector<1xf32>
        %squeeze3A_429 = vector.extract %slice3A_428[0] : f32 from vector<1xf32>
        %add3A_430 = arith.constant 7 : i32
        %add3A_431 = arith.addi %add3A_92, %add3A_430 : i32
        %get3A_432 = arith.constant 0 : i32
        %get3A_433 = arith.constant 0 : i32
        %get3A_434 = tpu.memref_slice %arg12[%scan3A_80, %get3A_432, %get3A_433] : memref<2x1000x32xf32, #tpu.memory_space<vmem>> -> memref<1x1000x32xf32, #tpu.memory_space<vmem>>
        %get3A_435 = tpu.memref_squeeze %get3A_434 : memref<1x1000x32xf32, #tpu.memory_space<vmem>> -> memref<1000x32xf32, #tpu.memory_space<vmem>>
        %get3A_436 = arith.index_cast %add3A_431 : i32 to index
        %get3A_437 = arith.constant 0 : index
        %get3A_438 = tpu.vector_load %get3A_435[%get3A_436, %get3A_437] {strides = array<i32>} : memref<1000x32xf32, #tpu.memory_space<vmem>>, vector<1x16xf32>,
        %get3A_439 = vector.shape_cast %get3A_438 : vector<1x16xf32> to vector<16xf32>
        %mul3A_440 = vector.broadcast %squeeze3A_429 : f32 to vector<16xf32>
        %mul3A_441 = arith.mulf %get3A_439, %mul3A_440 : vector<16xf32>
        %add3A_442 = arith.constant 7 : i32
        %add3A_443 = arith.addi %add3A_92, %add3A_442 : i32
        %swap3A_444 = arith.constant 0 : i32
        %swap3A_445 = arith.constant 0 : i32
        %swap3A_446 = tpu.memref_slice %arg12[%scan3A_80, %swap3A_444, %swap3A_445] : memref<2x1000x32xf32, #tpu.memory_space<vmem>> -> memref<1x1000x32xf32, #tpu.memory_space<vmem>>
        %swap3A_447 = tpu.memref_squeeze %swap3A_446 : memref<1x1000x32xf32, #tpu.memory_space<vmem>> -> memref<1000x32xf32, #tpu.memory_space<vmem>>
        %swap3A_448 = arith.index_cast %add3A_443 : i32 to index
        %swap3A_449 = arith.constant 0 : index
        %swap3A_450 = tpu.vector_load %swap3A_447[%swap3A_448, %swap3A_449] {strides = array<i32>} : memref<1000x32xf32, #tpu.memory_space<vmem>>, vector<1x16xf32>,
        %swap3A_451 = vector.shape_cast %swap3A_450 : vector<1x16xf32> to vector<16xf32>
        %swap3A_452 = vector.shape_cast %mul3A_441 : vector<16xf32> to vector<1x16xf32>
        tpu.vector_store %swap3A_447[%swap3A_448, %swap3A_449], %swap3A_452 {strides = array<i32>} : memref<1000x32xf32, #tpu.memory_space<vmem>>, vector<1x16xf32>,
        %add3A_453 = arith.constant 7 : i32
        %add3A_454 = arith.addi %add3A_92, %add3A_453 : i32
        %get3A_455 = arith.constant 0 : i32
        %get3A_456 = arith.constant 0 : i32
        %get3A_457 = tpu.memref_slice %arg12[%scan3A_80, %get3A_455, %get3A_456] : memref<2x1000x32xf32, #tpu.memory_space<vmem>> -> memref<1x1000x32xf32, #tpu.memory_space<vmem>>
        %get3A_458 = tpu.memref_squeeze %get3A_457 : memref<1x1000x32xf32, #tpu.memory_space<vmem>> -> memref<1000x32xf32, #tpu.memory_space<vmem>>
        %get3A_459 = arith.index_cast %add3A_454 : i32 to index
        %get3A_460 = arith.constant 16 : index
        %get3A_461 = tpu.vector_load %get3A_458[%get3A_459, %get3A_460] {strides = array<i32>} : memref<1000x32xf32, #tpu.memory_space<vmem>>, vector<1x16xf32>,
        %get3A_462 = vector.shape_cast %get3A_461 : vector<1x16xf32> to vector<16xf32>
        %mul3A_463 = vector.broadcast %squeeze3A_429 : f32 to vector<16xf32>
        %mul3A_464 = arith.mulf %get3A_462, %mul3A_463 : vector<16xf32>
        %add3A_465 = arith.constant 7 : i32
        %add3A_466 = arith.addi %add3A_92, %add3A_465 : i32
        %swap3A_467 = arith.constant 0 : i32
        %swap3A_468 = arith.constant 0 : i32
        %swap3A_469 = tpu.memref_slice %arg12[%scan3A_80, %swap3A_467, %swap3A_468] : memref<2x1000x32xf32, #tpu.memory_space<vmem>> -> memref<1x1000x32xf32, #tpu.memory_space<vmem>>
        %swap3A_470 = tpu.memref_squeeze %swap3A_469 : memref<1x1000x32xf32, #tpu.memory_space<vmem>> -> memref<1000x32xf32, #tpu.memory_space<vmem>>
        %swap3A_471 = arith.index_cast %add3A_466 : i32 to index
        %swap3A_472 = arith.constant 16 : index
        %swap3A_473 = tpu.vector_load %swap3A_470[%swap3A_471, %swap3A_472] {strides = array<i32>} : memref<1000x32xf32, #tpu.memory_space<vmem>>, vector<1x16xf32>,
        %swap3A_474 = vector.shape_cast %swap3A_473 : vector<1x16xf32> to vector<16xf32>
        %swap3A_475 = vector.shape_cast %mul3A_464 : vector<16xf32> to vector<1x16xf32>
        tpu.vector_store %swap3A_470[%swap3A_471, %swap3A_472], %swap3A_475 {strides = array<i32>} : memref<1000x32xf32, #tpu.memory_space<vmem>>, vector<1x16xf32>,
        %slice3A_476 = vector.extract_strided_slice %get3A_94 {offsets = [8], sizes = [1], strides = [1]} : vector<16xf32> to vector<1xf32>
        %squeeze3A_477 = vector.extract %slice3A_476[0] : f32 from vector<1xf32>
        %add3A_478 = arith.constant 8 : i32
        %add3A_479 = arith.addi %add3A_92, %add3A_478 : i32
        %get3A_480 = arith.constant 0 : i32
        %get3A_481 = arith.constant 0 : i32
        %get3A_482 = tpu.memref_slice %arg12[%scan3A_80, %get3A_480, %get3A_481] : memref<2x1000x32xf32, #tpu.memory_space<vmem>> -> memref<1x1000x32xf32, #tpu.memory_space<vmem>>
        %get3A_483 = tpu.memref_squeeze %get3A_482 : memref<1x1000x32xf32, #tpu.memory_space<vmem>> -> memref<1000x32xf32, #tpu.memory_space<vmem>>
        %get3A_484 = arith.index_cast %add3A_479 : i32 to index
        %get3A_485 = arith.constant 0 : index
        %get3A_486 = tpu.vector_load %get3A_483[%get3A_484, %get3A_485] {strides = array<i32>} : memref<1000x32xf32, #tpu.memory_space<vmem>>, vector<1x16xf32>,
        %get3A_487 = vector.shape_cast %get3A_486 : vector<1x16xf32> to vector<16xf32>
        %mul3A_488 = vector.broadcast %squeeze3A_477 : f32 to vector<16xf32>
        %mul3A_489 = arith.mulf %get3A_487, %mul3A_488 : vector<16xf32>
        %add3A_490 = arith.constant 8 : i32
        %add3A_491 = arith.addi %add3A_92, %add3A_490 : i32
        %swap3A_492 = arith.constant 0 : i32
        %swap3A_493 = arith.constant 0 : i32
        %swap3A_494 = tpu.memref_slice %arg12[%scan3A_80, %swap3A_492, %swap3A_493] : memref<2x1000x32xf32, #tpu.memory_space<vmem>> -> memref<1x1000x32xf32, #tpu.memory_space<vmem>>
        %swap3A_495 = tpu.memref_squeeze %swap3A_494 : memref<1x1000x32xf32, #tpu.memory_space<vmem>> -> memref<1000x32xf32, #tpu.memory_space<vmem>>
        %swap3A_496 = arith.index_cast %add3A_491 : i32 to index
        %swap3A_497 = arith.constant 0 : index
        %swap3A_498 = tpu.vector_load %swap3A_495[%swap3A_496, %swap3A_497] {strides = array<i32>} : memref<1000x32xf32, #tpu.memory_space<vmem>>, vector<1x16xf32>,
        %swap3A_499 = vector.shape_cast %swap3A_498 : vector<1x16xf32> to vector<16xf32>
        %swap3A_500 = vector.shape_cast %mul3A_489 : vector<16xf32> to vector<1x16xf32>
        tpu.vector_store %swap3A_495[%swap3A_496, %swap3A_497], %swap3A_500 {strides = array<i32>} : memref<1000x32xf32, #tpu.memory_space<vmem>>, vector<1x16xf32>,
        %add3A_501 = arith.constant 8 : i32
        %add3A_502 = arith.addi %add3A_92, %add3A_501 : i32
        %get3A_503 = arith.constant 0 : i32
        %get3A_504 = arith.constant 0 : i32
        %get3A_505 = tpu.memref_slice %arg12[%scan3A_80, %get3A_503, %get3A_504] : memref<2x1000x32xf32, #tpu.memory_space<vmem>> -> memref<1x1000x32xf32, #tpu.memory_space<vmem>>
        %get3A_506 = tpu.memref_squeeze %get3A_505 : memref<1x1000x32xf32, #tpu.memory_space<vmem>> -> memref<1000x32xf32, #tpu.memory_space<vmem>>
        %get3A_507 = arith.index_cast %add3A_502 : i32 to index
        %get3A_508 = arith.constant 16 : index
        %get3A_509 = tpu.vector_load %get3A_506[%get3A_507, %get3A_508] {strides = array<i32>} : memref<1000x32xf32, #tpu.memory_space<vmem>>, vector<1x16xf32>,
        %get3A_510 = vector.shape_cast %get3A_509 : vector<1x16xf32> to vector<16xf32>
        %mul3A_511 = vector.broadcast %squeeze3A_477 : f32 to vector<16xf32>
        %mul3A_512 = arith.mulf %get3A_510, %mul3A_511 : vector<16xf32>
        %add3A_513 = arith.constant 8 : i32
        %add3A_514 = arith.addi %add3A_92, %add3A_513 : i32
        %swap3A_515 = arith.constant 0 : i32
        %swap3A_516 = arith.constant 0 : i32
        %swap3A_517 = tpu.memref_slice %arg12[%scan3A_80, %swap3A_515, %swap3A_516] : memref<2x1000x32xf32, #tpu.memory_space<vmem>> -> memref<1x1000x32xf32, #tpu.memory_space<vmem>>
        %swap3A_518 = tpu.memref_squeeze %swap3A_517 : memref<1x1000x32xf32, #tpu.memory_space<vmem>> -> memref<1000x32xf32, #tpu.memory_space<vmem>>
        %swap3A_519 = arith.index_cast %add3A_514 : i32 to index
        %swap3A_520 = arith.constant 16 : index
        %swap3A_521 = tpu.vector_load %swap3A_518[%swap3A_519, %swap3A_520] {strides = array<i32>} : memref<1000x32xf32, #tpu.memory_space<vmem>>, vector<1x16xf32>,
        %swap3A_522 = vector.shape_cast %swap3A_521 : vector<1x16xf32> to vector<16xf32>
        %swap3A_523 = vector.shape_cast %mul3A_512 : vector<16xf32> to vector<1x16xf32>
        tpu.vector_store %swap3A_518[%swap3A_519, %swap3A_520], %swap3A_523 {strides = array<i32>} : memref<1000x32xf32, #tpu.memory_space<vmem>>, vector<1x16xf32>,
        %slice3A_524 = vector.extract_strided_slice %get3A_94 {offsets = [9], sizes = [1], strides = [1]} : vector<16xf32> to vector<1xf32>
        %squeeze3A_525 = vector.extract %slice3A_524[0] : f32 from vector<1xf32>
        %add3A_526 = arith.constant 9 : i32
        %add3A_527 = arith.addi %add3A_92, %add3A_526 : i32
        %get3A_528 = arith.constant 0 : i32
        %get3A_529 = arith.constant 0 : i32
        %get3A_530 = tpu.memref_slice %arg12[%scan3A_80, %get3A_528, %get3A_529] : memref<2x1000x32xf32, #tpu.memory_space<vmem>> -> memref<1x1000x32xf32, #tpu.memory_space<vmem>>
        %get3A_531 = tpu.memref_squeeze %get3A_530 : memref<1x1000x32xf32, #tpu.memory_space<vmem>> -> memref<1000x32xf32, #tpu.memory_space<vmem>>
        %get3A_532 = arith.index_cast %add3A_527 : i32 to index
        %get3A_533 = arith.constant 0 : index
        %get3A_534 = tpu.vector_load %get3A_531[%get3A_532, %get3A_533] {strides = array<i32>} : memref<1000x32xf32, #tpu.memory_space<vmem>>, vector<1x16xf32>,
        %get3A_535 = vector.shape_cast %get3A_534 : vector<1x16xf32> to vector<16xf32>
        %mul3A_536 = vector.broadcast %squeeze3A_525 : f32 to vector<16xf32>
        %mul3A_537 = arith.mulf %get3A_535, %mul3A_536 : vector<16xf32>
        %add3A_538 = arith.constant 9 : i32
        %add3A_539 = arith.addi %add3A_92, %add3A_538 : i32
        %swap3A_540 = arith.constant 0 : i32
        %swap3A_541 = arith.constant 0 : i32
        %swap3A_542 = tpu.memref_slice %arg12[%scan3A_80, %swap3A_540, %swap3A_541] : memref<2x1000x32xf32, #tpu.memory_space<vmem>> -> memref<1x1000x32xf32, #tpu.memory_space<vmem>>
        %swap3A_543 = tpu.memref_squeeze %swap3A_542 : memref<1x1000x32xf32, #tpu.memory_space<vmem>> -> memref<1000x32xf32, #tpu.memory_space<vmem>>
        %swap3A_544 = arith.index_cast %add3A_539 : i32 to index
        %swap3A_545 = arith.constant 0 : index
        %swap3A_546 = tpu.vector_load %swap3A_543[%swap3A_544, %swap3A_545] {strides = array<i32>} : memref<1000x32xf32, #tpu.memory_space<vmem>>, vector<1x16xf32>,
        %swap3A_547 = vector.shape_cast %swap3A_546 : vector<1x16xf32> to vector<16xf32>
        %swap3A_548 = vector.shape_cast %mul3A_537 : vector<16xf32> to vector<1x16xf32>
        tpu.vector_store %swap3A_543[%swap3A_544, %swap3A_545], %swap3A_548 {strides = array<i32>} : memref<1000x32xf32, #tpu.memory_space<vmem>>, vector<1x16xf32>,
        %add3A_549 = arith.constant 9 : i32
        %add3A_550 = arith.addi %add3A_92, %add3A_549 : i32
        %get3A_551 = arith.constant 0 : i32
        %get3A_552 = arith.constant 0 : i32
        %get3A_553 = tpu.memref_slice %arg12[%scan3A_80, %get3A_551, %get3A_552] : memref<2x1000x32xf32, #tpu.memory_space<vmem>> -> memref<1x1000x32xf32, #tpu.memory_space<vmem>>
        %get3A_554 = tpu.memref_squeeze %get3A_553 : memref<1x1000x32xf32, #tpu.memory_space<vmem>> -> memref<1000x32xf32, #tpu.memory_space<vmem>>
        %get3A_555 = arith.index_cast %add3A_550 : i32 to index
        %get3A_556 = arith.constant 16 : index
        %get3A_557 = tpu.vector_load %get3A_554[%get3A_555, %get3A_556] {strides = array<i32>} : memref<1000x32xf32, #tpu.memory_space<vmem>>, vector<1x16xf32>,
        %get3A_558 = vector.shape_cast %get3A_557 : vector<1x16xf32> to vector<16xf32>
        %mul3A_559 = vector.broadcast %squeeze3A_525 : f32 to vector<16xf32>
        %mul3A_560 = arith.mulf %get3A_558, %mul3A_559 : vector<16xf32>
        %add3A_561 = arith.constant 9 : i32
        %add3A_562 = arith.addi %add3A_92, %add3A_561 : i32
        %swap3A_563 = arith.constant 0 : i32
        %swap3A_564 = arith.constant 0 : i32
        %swap3A_565 = tpu.memref_slice %arg12[%scan3A_80, %swap3A_563, %swap3A_564] : memref<2x1000x32xf32, #tpu.memory_space<vmem>> -> memref<1x1000x32xf32, #tpu.memory_space<vmem>>
        %swap3A_566 = tpu.memref_squeeze %swap3A_565 : memref<1x1000x32xf32, #tpu.memory_space<vmem>> -> memref<1000x32xf32, #tpu.memory_space<vmem>>
        %swap3A_567 = arith.index_cast %add3A_562 : i32 to index
        %swap3A_568 = arith.constant 16 : index
        %swap3A_569 = tpu.vector_load %swap3A_566[%swap3A_567, %swap3A_568] {strides = array<i32>} : memref<1000x32xf32, #tpu.memory_space<vmem>>, vector<1x16xf32>,
        %swap3A_570 = vector.shape_cast %swap3A_569 : vector<1x16xf32> to vector<16xf32>
        %swap3A_571 = vector.shape_cast %mul3A_560 : vector<16xf32> to vector<1x16xf32>
        tpu.vector_store %swap3A_566[%swap3A_567, %swap3A_568], %swap3A_571 {strides = array<i32>} : memref<1000x32xf32, #tpu.memory_space<vmem>>, vector<1x16xf32>,
        %slice3A_572 = vector.extract_strided_slice %get3A_94 {offsets = [10], sizes = [1], strides = [1]} : vector<16xf32> to vector<1xf32>
        %squeeze3A_573 = vector.extract %slice3A_572[0] : f32 from vector<1xf32>
        %add3A_574 = arith.constant 10 : i32
        %add3A_575 = arith.addi %add3A_92, %add3A_574 : i32
        %get3A_576 = arith.constant 0 : i32
        %get3A_577 = arith.constant 0 : i32
        %get3A_578 = tpu.memref_slice %arg12[%scan3A_80, %get3A_576, %get3A_577] : memref<2x1000x32xf32, #tpu.memory_space<vmem>> -> memref<1x1000x32xf32, #tpu.memory_space<vmem>>
        %get3A_579 = tpu.memref_squeeze %get3A_578 : memref<1x1000x32xf32, #tpu.memory_space<vmem>> -> memref<1000x32xf32, #tpu.memory_space<vmem>>
        %get3A_580 = arith.index_cast %add3A_575 : i32 to index
        %get3A_581 = arith.constant 0 : index
        %get3A_582 = tpu.vector_load %get3A_579[%get3A_580, %get3A_581] {strides = array<i32>} : memref<1000x32xf32, #tpu.memory_space<vmem>>, vector<1x16xf32>,
        %get3A_583 = vector.shape_cast %get3A_582 : vector<1x16xf32> to vector<16xf32>
        %mul3A_584 = vector.broadcast %squeeze3A_573 : f32 to vector<16xf32>
        %mul3A_585 = arith.mulf %get3A_583, %mul3A_584 : vector<16xf32>
        %add3A_586 = arith.constant 10 : i32
        %add3A_587 = arith.addi %add3A_92, %add3A_586 : i32
        %swap3A_588 = arith.constant 0 : i32
        %swap3A_589 = arith.constant 0 : i32
        %swap3A_590 = tpu.memref_slice %arg12[%scan3A_80, %swap3A_588, %swap3A_589] : memref<2x1000x32xf32, #tpu.memory_space<vmem>> -> memref<1x1000x32xf32, #tpu.memory_space<vmem>>
        %swap3A_591 = tpu.memref_squeeze %swap3A_590 : memref<1x1000x32xf32, #tpu.memory_space<vmem>> -> memref<1000x32xf32, #tpu.memory_space<vmem>>
        %swap3A_592 = arith.index_cast %add3A_587 : i32 to index
        %swap3A_593 = arith.constant 0 : index
        %swap3A_594 = tpu.vector_load %swap3A_591[%swap3A_592, %swap3A_593] {strides = array<i32>} : memref<1000x32xf32, #tpu.memory_space<vmem>>, vector<1x16xf32>,
        %swap3A_595 = vector.shape_cast %swap3A_594 : vector<1x16xf32> to vector<16xf32>
        %swap3A_596 = vector.shape_cast %mul3A_585 : vector<16xf32> to vector<1x16xf32>
        tpu.vector_store %swap3A_591[%swap3A_592, %swap3A_593], %swap3A_596 {strides = array<i32>} : memref<1000x32xf32, #tpu.memory_space<vmem>>, vector<1x16xf32>,
        %add3A_597 = arith.constant 10 : i32
        %add3A_598 = arith.addi %add3A_92, %add3A_597 : i32
        %get3A_599 = arith.constant 0 : i32
        %get3A_600 = arith.constant 0 : i32
        %get3A_601 = tpu.memref_slice %arg12[%scan3A_80, %get3A_599, %get3A_600] : memref<2x1000x32xf32, #tpu.memory_space<vmem>> -> memref<1x1000x32xf32, #tpu.memory_space<vmem>>
        %get3A_602 = tpu.memref_squeeze %get3A_601 : memref<1x1000x32xf32, #tpu.memory_space<vmem>> -> memref<1000x32xf32, #tpu.memory_space<vmem>>
        %get3A_603 = arith.index_cast %add3A_598 : i32 to index
        %get3A_604 = arith.constant 16 : index
        %get3A_605 = tpu.vector_load %get3A_602[%get3A_603, %get3A_604] {strides = array<i32>} : memref<1000x32xf32, #tpu.memory_space<vmem>>, vector<1x16xf32>,
        %get3A_606 = vector.shape_cast %get3A_605 : vector<1x16xf32> to vector<16xf32>
        %mul3A_607 = vector.broadcast %squeeze3A_573 : f32 to vector<16xf32>
        %mul3A_608 = arith.mulf %get3A_606, %mul3A_607 : vector<16xf32>
        %add3A_609 = arith.constant 10 : i32
        %add3A_610 = arith.addi %add3A_92, %add3A_609 : i32
        %swap3A_611 = arith.constant 0 : i32
        %swap3A_612 = arith.constant 0 : i32
        %swap3A_613 = tpu.memref_slice %arg12[%scan3A_80, %swap3A_611, %swap3A_612] : memref<2x1000x32xf32, #tpu.memory_space<vmem>> -> memref<1x1000x32xf32, #tpu.memory_space<vmem>>
        %swap3A_614 = tpu.memref_squeeze %swap3A_613 : memref<1x1000x32xf32, #tpu.memory_space<vmem>> -> memref<1000x32xf32, #tpu.memory_space<vmem>>
        %swap3A_615 = arith.index_cast %add3A_610 : i32 to index
        %swap3A_616 = arith.constant 16 : index
        %swap3A_617 = tpu.vector_load %swap3A_614[%swap3A_615, %swap3A_616] {strides = array<i32>} : memref<1000x32xf32, #tpu.memory_space<vmem>>, vector<1x16xf32>,
        %swap3A_618 = vector.shape_cast %swap3A_617 : vector<1x16xf32> to vector<16xf32>
        %swap3A_619 = vector.shape_cast %mul3A_608 : vector<16xf32> to vector<1x16xf32>
        tpu.vector_store %swap3A_614[%swap3A_615, %swap3A_616], %swap3A_619 {strides = array<i32>} : memref<1000x32xf32, #tpu.memory_space<vmem>>, vector<1x16xf32>,
        %slice3A_620 = vector.extract_strided_slice %get3A_94 {offsets = [11], sizes = [1], strides = [1]} : vector<16xf32> to vector<1xf32>
        %squeeze3A_621 = vector.extract %slice3A_620[0] : f32 from vector<1xf32>
        %add3A_622 = arith.constant 11 : i32
        %add3A_623 = arith.addi %add3A_92, %add3A_622 : i32
        %get3A_624 = arith.constant 0 : i32
        %get3A_625 = arith.constant 0 : i32
        %get3A_626 = tpu.memref_slice %arg12[%scan3A_80, %get3A_624, %get3A_625] : memref<2x1000x32xf32, #tpu.memory_space<vmem>> -> memref<1x1000x32xf32, #tpu.memory_space<vmem>>
        %get3A_627 = tpu.memref_squeeze %get3A_626 : memref<1x1000x32xf32, #tpu.memory_space<vmem>> -> memref<1000x32xf32, #tpu.memory_space<vmem>>
        %get3A_628 = arith.index_cast %add3A_623 : i32 to index
        %get3A_629 = arith.constant 0 : index
        %get3A_630 = tpu.vector_load %get3A_627[%get3A_628, %get3A_629] {strides = array<i32>} : memref<1000x32xf32, #tpu.memory_space<vmem>>, vector<1x16xf32>,
        %get3A_631 = vector.shape_cast %get3A_630 : vector<1x16xf32> to vector<16xf32>
        %mul3A_632 = vector.broadcast %squeeze3A_621 : f32 to vector<16xf32>
        %mul3A_633 = arith.mulf %get3A_631, %mul3A_632 : vector<16xf32>
        %add3A_634 = arith.constant 11 : i32
        %add3A_635 = arith.addi %add3A_92, %add3A_634 : i32
        %swap3A_636 = arith.constant 0 : i32
        %swap3A_637 = arith.constant 0 : i32
        %swap3A_638 = tpu.memref_slice %arg12[%scan3A_80, %swap3A_636, %swap3A_637] : memref<2x1000x32xf32, #tpu.memory_space<vmem>> -> memref<1x1000x32xf32, #tpu.memory_space<vmem>>
        %swap3A_639 = tpu.memref_squeeze %swap3A_638 : memref<1x1000x32xf32, #tpu.memory_space<vmem>> -> memref<1000x32xf32, #tpu.memory_space<vmem>>
        %swap3A_640 = arith.index_cast %add3A_635 : i32 to index
        %swap3A_641 = arith.constant 0 : index
        %swap3A_642 = tpu.vector_load %swap3A_639[%swap3A_640, %swap3A_641] {strides = array<i32>} : memref<1000x32xf32, #tpu.memory_space<vmem>>, vector<1x16xf32>,
        %swap3A_643 = vector.shape_cast %swap3A_642 : vector<1x16xf32> to vector<16xf32>
        %swap3A_644 = vector.shape_cast %mul3A_633 : vector<16xf32> to vector<1x16xf32>
        tpu.vector_store %swap3A_639[%swap3A_640, %swap3A_641], %swap3A_644 {strides = array<i32>} : memref<1000x32xf32, #tpu.memory_space<vmem>>, vector<1x16xf32>,
        %add3A_645 = arith.constant 11 : i32
        %add3A_646 = arith.addi %add3A_92, %add3A_645 : i32
        %get3A_647 = arith.constant 0 : i32
        %get3A_648 = arith.constant 0 : i32
        %get3A_649 = tpu.memref_slice %arg12[%scan3A_80, %get3A_647, %get3A_648] : memref<2x1000x32xf32, #tpu.memory_space<vmem>> -> memref<1x1000x32xf32, #tpu.memory_space<vmem>>
        %get3A_650 = tpu.memref_squeeze %get3A_649 : memref<1x1000x32xf32, #tpu.memory_space<vmem>> -> memref<1000x32xf32, #tpu.memory_space<vmem>>
        %get3A_651 = arith.index_cast %add3A_646 : i32 to index
        %get3A_652 = arith.constant 16 : index
        %get3A_653 = tpu.vector_load %get3A_650[%get3A_651, %get3A_652] {strides = array<i32>} : memref<1000x32xf32, #tpu.memory_space<vmem>>, vector<1x16xf32>,
        %get3A_654 = vector.shape_cast %get3A_653 : vector<1x16xf32> to vector<16xf32>
        %mul3A_655 = vector.broadcast %squeeze3A_621 : f32 to vector<16xf32>
        %mul3A_656 = arith.mulf %get3A_654, %mul3A_655 : vector<16xf32>
        %add3A_657 = arith.constant 11 : i32
        %add3A_658 = arith.addi %add3A_92, %add3A_657 : i32
        %swap3A_659 = arith.constant 0 : i32
        %swap3A_660 = arith.constant 0 : i32
        %swap3A_661 = tpu.memref_slice %arg12[%scan3A_80, %swap3A_659, %swap3A_660] : memref<2x1000x32xf32, #tpu.memory_space<vmem>> -> memref<1x1000x32xf32, #tpu.memory_space<vmem>>
        %swap3A_662 = tpu.memref_squeeze %swap3A_661 : memref<1x1000x32xf32, #tpu.memory_space<vmem>> -> memref<1000x32xf32, #tpu.memory_space<vmem>>
        %swap3A_663 = arith.index_cast %add3A_658 : i32 to index
        %swap3A_664 = arith.constant 16 : index
        %swap3A_665 = tpu.vector_load %swap3A_662[%swap3A_663, %swap3A_664] {strides = array<i32>} : memref<1000x32xf32, #tpu.memory_space<vmem>>, vector<1x16xf32>,
        %swap3A_666 = vector.shape_cast %swap3A_665 : vector<1x16xf32> to vector<16xf32>
        %swap3A_667 = vector.shape_cast %mul3A_656 : vector<16xf32> to vector<1x16xf32>
        tpu.vector_store %swap3A_662[%swap3A_663, %swap3A_664], %swap3A_667 {strides = array<i32>} : memref<1000x32xf32, #tpu.memory_space<vmem>>, vector<1x16xf32>,
        %slice3A_668 = vector.extract_strided_slice %get3A_94 {offsets = [12], sizes = [1], strides = [1]} : vector<16xf32> to vector<1xf32>
        %squeeze3A_669 = vector.extract %slice3A_668[0] : f32 from vector<1xf32>
        %add3A_670 = arith.constant 12 : i32
        %add3A_671 = arith.addi %add3A_92, %add3A_670 : i32
        %get3A_672 = arith.constant 0 : i32
        %get3A_673 = arith.constant 0 : i32
        %get3A_674 = tpu.memref_slice %arg12[%scan3A_80, %get3A_672, %get3A_673] : memref<2x1000x32xf32, #tpu.memory_space<vmem>> -> memref<1x1000x32xf32, #tpu.memory_space<vmem>>
        %get3A_675 = tpu.memref_squeeze %get3A_674 : memref<1x1000x32xf32, #tpu.memory_space<vmem>> -> memref<1000x32xf32, #tpu.memory_space<vmem>>
        %get3A_676 = arith.index_cast %add3A_671 : i32 to index
        %get3A_677 = arith.constant 0 : index
        %get3A_678 = tpu.vector_load %get3A_675[%get3A_676, %get3A_677] {strides = array<i32>} : memref<1000x32xf32, #tpu.memory_space<vmem>>, vector<1x16xf32>,
        %get3A_679 = vector.shape_cast %get3A_678 : vector<1x16xf32> to vector<16xf32>
        %mul3A_680 = vector.broadcast %squeeze3A_669 : f32 to vector<16xf32>
        %mul3A_681 = arith.mulf %get3A_679, %mul3A_680 : vector<16xf32>
        %add3A_682 = arith.constant 12 : i32
        %add3A_683 = arith.addi %add3A_92, %add3A_682 : i32
        %swap3A_684 = arith.constant 0 : i32
        %swap3A_685 = arith.constant 0 : i32
        %swap3A_686 = tpu.memref_slice %arg12[%scan3A_80, %swap3A_684, %swap3A_685] : memref<2x1000x32xf32, #tpu.memory_space<vmem>> -> memref<1x1000x32xf32, #tpu.memory_space<vmem>>
        %swap3A_687 = tpu.memref_squeeze %swap3A_686 : memref<1x1000x32xf32, #tpu.memory_space<vmem>> -> memref<1000x32xf32, #tpu.memory_space<vmem>>
        %swap3A_688 = arith.index_cast %add3A_683 : i32 to index
        %swap3A_689 = arith.constant 0 : index
        %swap3A_690 = tpu.vector_load %swap3A_687[%swap3A_688, %swap3A_689] {strides = array<i32>} : memref<1000x32xf32, #tpu.memory_space<vmem>>, vector<1x16xf32>,
        %swap3A_691 = vector.shape_cast %swap3A_690 : vector<1x16xf32> to vector<16xf32>
        %swap3A_692 = vector.shape_cast %mul3A_681 : vector<16xf32> to vector<1x16xf32>
        tpu.vector_store %swap3A_687[%swap3A_688, %swap3A_689], %swap3A_692 {strides = array<i32>} : memref<1000x32xf32, #tpu.memory_space<vmem>>, vector<1x16xf32>,
        %add3A_693 = arith.constant 12 : i32
        %add3A_694 = arith.addi %add3A_92, %add3A_693 : i32
        %get3A_695 = arith.constant 0 : i32
        %get3A_696 = arith.constant 0 : i32
        %get3A_697 = tpu.memref_slice %arg12[%scan3A_80, %get3A_695, %get3A_696] : memref<2x1000x32xf32, #tpu.memory_space<vmem>> -> memref<1x1000x32xf32, #tpu.memory_space<vmem>>
        %get3A_698 = tpu.memref_squeeze %get3A_697 : memref<1x1000x32xf32, #tpu.memory_space<vmem>> -> memref<1000x32xf32, #tpu.memory_space<vmem>>
        %get3A_699 = arith.index_cast %add3A_694 : i32 to index
        %get3A_700 = arith.constant 16 : index
        %get3A_701 = tpu.vector_load %get3A_698[%get3A_699, %get3A_700] {strides = array<i32>} : memref<1000x32xf32, #tpu.memory_space<vmem>>, vector<1x16xf32>,
        %get3A_702 = vector.shape_cast %get3A_701 : vector<1x16xf32> to vector<16xf32>
        %mul3A_703 = vector.broadcast %squeeze3A_669 : f32 to vector<16xf32>
        %mul3A_704 = arith.mulf %get3A_702, %mul3A_703 : vector<16xf32>
        %add3A_705 = arith.constant 12 : i32
        %add3A_706 = arith.addi %add3A_92, %add3A_705 : i32
        %swap3A_707 = arith.constant 0 : i32
        %swap3A_708 = arith.constant 0 : i32
        %swap3A_709 = tpu.memref_slice %arg12[%scan3A_80, %swap3A_707, %swap3A_708] : memref<2x1000x32xf32, #tpu.memory_space<vmem>> -> memref<1x1000x32xf32, #tpu.memory_space<vmem>>
        %swap3A_710 = tpu.memref_squeeze %swap3A_709 : memref<1x1000x32xf32, #tpu.memory_space<vmem>> -> memref<1000x32xf32, #tpu.memory_space<vmem>>
        %swap3A_711 = arith.index_cast %add3A_706 : i32 to index
        %swap3A_712 = arith.constant 16 : index
        %swap3A_713 = tpu.vector_load %swap3A_710[%swap3A_711, %swap3A_712] {strides = array<i32>} : memref<1000x32xf32, #tpu.memory_space<vmem>>, vector<1x16xf32>,
        %swap3A_714 = vector.shape_cast %swap3A_713 : vector<1x16xf32> to vector<16xf32>
        %swap3A_715 = vector.shape_cast %mul3A_704 : vector<16xf32> to vector<1x16xf32>
        tpu.vector_store %swap3A_710[%swap3A_711, %swap3A_712], %swap3A_715 {strides = array<i32>} : memref<1000x32xf32, #tpu.memory_space<vmem>>, vector<1x16xf32>,
        %slice3A_716 = vector.extract_strided_slice %get3A_94 {offsets = [13], sizes = [1], strides = [1]} : vector<16xf32> to vector<1xf32>
        %squeeze3A_717 = vector.extract %slice3A_716[0] : f32 from vector<1xf32>
        %add3A_718 = arith.constant 13 : i32
        %add3A_719 = arith.addi %add3A_92, %add3A_718 : i32
        %get3A_720 = arith.constant 0 : i32
        %get3A_721 = arith.constant 0 : i32
        %get3A_722 = tpu.memref_slice %arg12[%scan3A_80, %get3A_720, %get3A_721] : memref<2x1000x32xf32, #tpu.memory_space<vmem>> -> memref<1x1000x32xf32, #tpu.memory_space<vmem>>
        %get3A_723 = tpu.memref_squeeze %get3A_722 : memref<1x1000x32xf32, #tpu.memory_space<vmem>> -> memref<1000x32xf32, #tpu.memory_space<vmem>>
        %get3A_724 = arith.index_cast %add3A_719 : i32 to index
        %get3A_725 = arith.constant 0 : index
        %get3A_726 = tpu.vector_load %get3A_723[%get3A_724, %get3A_725] {strides = array<i32>} : memref<1000x32xf32, #tpu.memory_space<vmem>>, vector<1x16xf32>,
        %get3A_727 = vector.shape_cast %get3A_726 : vector<1x16xf32> to vector<16xf32>
        %mul3A_728 = vector.broadcast %squeeze3A_717 : f32 to vector<16xf32>
        %mul3A_729 = arith.mulf %get3A_727, %mul3A_728 : vector<16xf32>
        %add3A_730 = arith.constant 13 : i32
        %add3A_731 = arith.addi %add3A_92, %add3A_730 : i32
        %swap3A_732 = arith.constant 0 : i32
        %swap3A_733 = arith.constant 0 : i32
        %swap3A_734 = tpu.memref_slice %arg12[%scan3A_80, %swap3A_732, %swap3A_733] : memref<2x1000x32xf32, #tpu.memory_space<vmem>> -> memref<1x1000x32xf32, #tpu.memory_space<vmem>>
        %swap3A_735 = tpu.memref_squeeze %swap3A_734 : memref<1x1000x32xf32, #tpu.memory_space<vmem>> -> memref<1000x32xf32, #tpu.memory_space<vmem>>
        %swap3A_736 = arith.index_cast %add3A_731 : i32 to index
        %swap3A_737 = arith.constant 0 : index
        %swap3A_738 = tpu.vector_load %swap3A_735[%swap3A_736, %swap3A_737] {strides = array<i32>} : memref<1000x32xf32, #tpu.memory_space<vmem>>, vector<1x16xf32>,
        %swap3A_739 = vector.shape_cast %swap3A_738 : vector<1x16xf32> to vector<16xf32>
        %swap3A_740 = vector.shape_cast %mul3A_729 : vector<16xf32> to vector<1x16xf32>
        tpu.vector_store %swap3A_735[%swap3A_736, %swap3A_737], %swap3A_740 {strides = array<i32>} : memref<1000x32xf32, #tpu.memory_space<vmem>>, vector<1x16xf32>,
        %add3A_741 = arith.constant 13 : i32
        %add3A_742 = arith.addi %add3A_92, %add3A_741 : i32
        %get3A_743 = arith.constant 0 : i32
        %get3A_744 = arith.constant 0 : i32
        %get3A_745 = tpu.memref_slice %arg12[%scan3A_80, %get3A_743, %get3A_744] : memref<2x1000x32xf32, #tpu.memory_space<vmem>> -> memref<1x1000x32xf32, #tpu.memory_space<vmem>>
        %get3A_746 = tpu.memref_squeeze %get3A_745 : memref<1x1000x32xf32, #tpu.memory_space<vmem>> -> memref<1000x32xf32, #tpu.memory_space<vmem>>
        %get3A_747 = arith.index_cast %add3A_742 : i32 to index
        %get3A_748 = arith.constant 16 : index
        %get3A_749 = tpu.vector_load %get3A_746[%get3A_747, %get3A_748] {strides = array<i32>} : memref<1000x32xf32, #tpu.memory_space<vmem>>, vector<1x16xf32>,
        %get3A_750 = vector.shape_cast %get3A_749 : vector<1x16xf32> to vector<16xf32>
        %mul3A_751 = vector.broadcast %squeeze3A_717 : f32 to vector<16xf32>
        %mul3A_752 = arith.mulf %get3A_750, %mul3A_751 : vector<16xf32>
        %add3A_753 = arith.constant 13 : i32
        %add3A_754 = arith.addi %add3A_92, %add3A_753 : i32
        %swap3A_755 = arith.constant 0 : i32
        %swap3A_756 = arith.constant 0 : i32
        %swap3A_757 = tpu.memref_slice %arg12[%scan3A_80, %swap3A_755, %swap3A_756] : memref<2x1000x32xf32, #tpu.memory_space<vmem>> -> memref<1x1000x32xf32, #tpu.memory_space<vmem>>
        %swap3A_758 = tpu.memref_squeeze %swap3A_757 : memref<1x1000x32xf32, #tpu.memory_space<vmem>> -> memref<1000x32xf32, #tpu.memory_space<vmem>>
        %swap3A_759 = arith.index_cast %add3A_754 : i32 to index
        %swap3A_760 = arith.constant 16 : index
        %swap3A_761 = tpu.vector_load %swap3A_758[%swap3A_759, %swap3A_760] {strides = array<i32>} : memref<1000x32xf32, #tpu.memory_space<vmem>>, vector<1x16xf32>,
        %swap3A_762 = vector.shape_cast %swap3A_761 : vector<1x16xf32> to vector<16xf32>
        %swap3A_763 = vector.shape_cast %mul3A_752 : vector<16xf32> to vector<1x16xf32>
        tpu.vector_store %swap3A_758[%swap3A_759, %swap3A_760], %swap3A_763 {strides = array<i32>} : memref<1000x32xf32, #tpu.memory_space<vmem>>, vector<1x16xf32>,
        %slice3A_764 = vector.extract_strided_slice %get3A_94 {offsets = [14], sizes = [1], strides = [1]} : vector<16xf32> to vector<1xf32>
        %squeeze3A_765 = vector.extract %slice3A_764[0] : f32 from vector<1xf32>
        %add3A_766 = arith.constant 14 : i32
        %add3A_767 = arith.addi %add3A_92, %add3A_766 : i32
        %get3A_768 = arith.constant 0 : i32
        %get3A_769 = arith.constant 0 : i32
        %get3A_770 = tpu.memref_slice %arg12[%scan3A_80, %get3A_768, %get3A_769] : memref<2x1000x32xf32, #tpu.memory_space<vmem>> -> memref<1x1000x32xf32, #tpu.memory_space<vmem>>
        %get3A_771 = tpu.memref_squeeze %get3A_770 : memref<1x1000x32xf32, #tpu.memory_space<vmem>> -> memref<1000x32xf32, #tpu.memory_space<vmem>>
        %get3A_772 = arith.index_cast %add3A_767 : i32 to index
        %get3A_773 = arith.constant 0 : index
        %get3A_774 = tpu.vector_load %get3A_771[%get3A_772, %get3A_773] {strides = array<i32>} : memref<1000x32xf32, #tpu.memory_space<vmem>>, vector<1x16xf32>,
        %get3A_775 = vector.shape_cast %get3A_774 : vector<1x16xf32> to vector<16xf32>
        %mul3A_776 = vector.broadcast %squeeze3A_765 : f32 to vector<16xf32>
        %mul3A_777 = arith.mulf %get3A_775, %mul3A_776 : vector<16xf32>
        %add3A_778 = arith.constant 14 : i32
        %add3A_779 = arith.addi %add3A_92, %add3A_778 : i32
        %swap3A_780 = arith.constant 0 : i32
        %swap3A_781 = arith.constant 0 : i32
        %swap3A_782 = tpu.memref_slice %arg12[%scan3A_80, %swap3A_780, %swap3A_781] : memref<2x1000x32xf32, #tpu.memory_space<vmem>> -> memref<1x1000x32xf32, #tpu.memory_space<vmem>>
        %swap3A_783 = tpu.memref_squeeze %swap3A_782 : memref<1x1000x32xf32, #tpu.memory_space<vmem>> -> memref<1000x32xf32, #tpu.memory_space<vmem>>
        %swap3A_784 = arith.index_cast %add3A_779 : i32 to index
        %swap3A_785 = arith.constant 0 : index
        %swap3A_786 = tpu.vector_load %swap3A_783[%swap3A_784, %swap3A_785] {strides = array<i32>} : memref<1000x32xf32, #tpu.memory_space<vmem>>, vector<1x16xf32>,
        %swap3A_787 = vector.shape_cast %swap3A_786 : vector<1x16xf32> to vector<16xf32>
        %swap3A_788 = vector.shape_cast %mul3A_777 : vector<16xf32> to vector<1x16xf32>
        tpu.vector_store %swap3A_783[%swap3A_784, %swap3A_785], %swap3A_788 {strides = array<i32>} : memref<1000x32xf32, #tpu.memory_space<vmem>>, vector<1x16xf32>,
        %add3A_789 = arith.constant 14 : i32
        %add3A_790 = arith.addi %add3A_92, %add3A_789 : i32
        %get3A_791 = arith.constant 0 : i32
        %get3A_792 = arith.constant 0 : i32
        %get3A_793 = tpu.memref_slice %arg12[%scan3A_80, %get3A_791, %get3A_792] : memref<2x1000x32xf32, #tpu.memory_space<vmem>> -> memref<1x1000x32xf32, #tpu.memory_space<vmem>>
        %get3A_794 = tpu.memref_squeeze %get3A_793 : memref<1x1000x32xf32, #tpu.memory_space<vmem>> -> memref<1000x32xf32, #tpu.memory_space<vmem>>
        %get3A_795 = arith.index_cast %add3A_790 : i32 to index
        %get3A_796 = arith.constant 16 : index
        %get3A_797 = tpu.vector_load %get3A_794[%get3A_795, %get3A_796] {strides = array<i32>} : memref<1000x32xf32, #tpu.memory_space<vmem>>, vector<1x16xf32>,
        %get3A_798 = vector.shape_cast %get3A_797 : vector<1x16xf32> to vector<16xf32>
        %mul3A_799 = vector.broadcast %squeeze3A_765 : f32 to vector<16xf32>
        %mul3A_800 = arith.mulf %get3A_798, %mul3A_799 : vector<16xf32>
        %add3A_801 = arith.constant 14 : i32
        %add3A_802 = arith.addi %add3A_92, %add3A_801 : i32
        %swap3A_803 = arith.constant 0 : i32
        %swap3A_804 = arith.constant 0 : i32
        %swap3A_805 = tpu.memref_slice %arg12[%scan3A_80, %swap3A_803, %swap3A_804] : memref<2x1000x32xf32, #tpu.memory_space<vmem>> -> memref<1x1000x32xf32, #tpu.memory_space<vmem>>
        %swap3A_806 = tpu.memref_squeeze %swap3A_805 : memref<1x1000x32xf32, #tpu.memory_space<vmem>> -> memref<1000x32xf32, #tpu.memory_space<vmem>>
        %swap3A_807 = arith.index_cast %add3A_802 : i32 to index
        %swap3A_808 = arith.constant 16 : index
        %swap3A_809 = tpu.vector_load %swap3A_806[%swap3A_807, %swap3A_808] {strides = array<i32>} : memref<1000x32xf32, #tpu.memory_space<vmem>>, vector<1x16xf32>,
        %swap3A_810 = vector.shape_cast %swap3A_809 : vector<1x16xf32> to vector<16xf32>
        %swap3A_811 = vector.shape_cast %mul3A_800 : vector<16xf32> to vector<1x16xf32>
        tpu.vector_store %swap3A_806[%swap3A_807, %swap3A_808], %swap3A_811 {strides = array<i32>} : memref<1000x32xf32, #tpu.memory_space<vmem>>, vector<1x16xf32>,
        %slice3A_812 = vector.extract_strided_slice %get3A_94 {offsets = [15], sizes = [1], strides = [1]} : vector<16xf32> to vector<1xf32>
        %squeeze3A_813 = vector.extract %slice3A_812[0] : f32 from vector<1xf32>
        %add3A_814 = arith.constant 15 : i32
        %add3A_815 = arith.addi %add3A_92, %add3A_814 : i32
        %get3A_816 = arith.constant 0 : i32
        %get3A_817 = arith.constant 0 : i32
        %get3A_818 = tpu.memref_slice %arg12[%scan3A_80, %get3A_816, %get3A_817] : memref<2x1000x32xf32, #tpu.memory_space<vmem>> -> memref<1x1000x32xf32, #tpu.memory_space<vmem>>
        %get3A_819 = tpu.memref_squeeze %get3A_818 : memref<1x1000x32xf32, #tpu.memory_space<vmem>> -> memref<1000x32xf32, #tpu.memory_space<vmem>>
        %get3A_820 = arith.index_cast %add3A_815 : i32 to index
        %get3A_821 = arith.constant 0 : index
        %get3A_822 = tpu.vector_load %get3A_819[%get3A_820, %get3A_821] {strides = array<i32>} : memref<1000x32xf32, #tpu.memory_space<vmem>>, vector<1x16xf32>,
        %get3A_823 = vector.shape_cast %get3A_822 : vector<1x16xf32> to vector<16xf32>
        %mul3A_824 = vector.broadcast %squeeze3A_813 : f32 to vector<16xf32>
        %mul3A_825 = arith.mulf %get3A_823, %mul3A_824 : vector<16xf32>
        %add3A_826 = arith.constant 15 : i32
        %add3A_827 = arith.addi %add3A_92, %add3A_826 : i32
        %swap3A_828 = arith.constant 0 : i32
        %swap3A_829 = arith.constant 0 : i32
        %swap3A_830 = tpu.memref_slice %arg12[%scan3A_80, %swap3A_828, %swap3A_829] : memref<2x1000x32xf32, #tpu.memory_space<vmem>> -> memref<1x1000x32xf32, #tpu.memory_space<vmem>>
        %swap3A_831 = tpu.memref_squeeze %swap3A_830 : memref<1x1000x32xf32, #tpu.memory_space<vmem>> -> memref<1000x32xf32, #tpu.memory_space<vmem>>
        %swap3A_832 = arith.index_cast %add3A_827 : i32 to index
        %swap3A_833 = arith.constant 0 : index
        %swap3A_834 = tpu.vector_load %swap3A_831[%swap3A_832, %swap3A_833] {strides = array<i32>} : memref<1000x32xf32, #tpu.memory_space<vmem>>, vector<1x16xf32>,
        %swap3A_835 = vector.shape_cast %swap3A_834 : vector<1x16xf32> to vector<16xf32>
        %swap3A_836 = vector.shape_cast %mul3A_825 : vector<16xf32> to vector<1x16xf32>
        tpu.vector_store %swap3A_831[%swap3A_832, %swap3A_833], %swap3A_836 {strides = array<i32>} : memref<1000x32xf32, #tpu.memory_space<vmem>>, vector<1x16xf32>,
        %add3A_837 = arith.constant 15 : i32
        %add3A_838 = arith.addi %add3A_92, %add3A_837 : i32
        %get3A_839 = arith.constant 0 : i32
        %get3A_840 = arith.constant 0 : i32
        %get3A_841 = tpu.memref_slice %arg12[%scan3A_80, %get3A_839, %get3A_840] : memref<2x1000x32xf32, #tpu.memory_space<vmem>> -> memref<1x1000x32xf32, #tpu.memory_space<vmem>>
        %get3A_842 = tpu.memref_squeeze %get3A_841 : memref<1x1000x32xf32, #tpu.memory_space<vmem>> -> memref<1000x32xf32, #tpu.memory_space<vmem>>
        %get3A_843 = arith.index_cast %add3A_838 : i32 to index
        %get3A_844 = arith.constant 16 : index
        %get3A_845 = tpu.vector_load %get3A_842[%get3A_843, %get3A_844] {strides = array<i32>} : memref<1000x32xf32, #tpu.memory_space<vmem>>, vector<1x16xf32>,
        %get3A_846 = vector.shape_cast %get3A_845 : vector<1x16xf32> to vector<16xf32>
        %mul3A_847 = vector.broadcast %squeeze3A_813 : f32 to vector<16xf32>
        %mul3A_848 = arith.mulf %get3A_846, %mul3A_847 : vector<16xf32>
        %add3A_849 = arith.constant 15 : i32
        %add3A_850 = arith.addi %add3A_92, %add3A_849 : i32
        %swap3A_851 = arith.constant 0 : i32
        %swap3A_852 = arith.constant 0 : i32
        %swap3A_853 = tpu.memref_slice %arg12[%scan3A_80, %swap3A_851, %swap3A_852] : memref<2x1000x32xf32, #tpu.memory_space<vmem>> -> memref<1x1000x32xf32, #tpu.memory_space<vmem>>
        %swap3A_854 = tpu.memref_squeeze %swap3A_853 : memref<1x1000x32xf32, #tpu.memory_space<vmem>> -> memref<1000x32xf32, #tpu.memory_space<vmem>>
        %swap3A_855 = arith.index_cast %add3A_850 : i32 to index
        %swap3A_856 = arith.constant 16 : index
        %swap3A_857 = tpu.vector_load %swap3A_854[%swap3A_855, %swap3A_856] {strides = array<i32>} : memref<1000x32xf32, #tpu.memory_space<vmem>>, vector<1x16xf32>,
        %swap3A_858 = vector.shape_cast %swap3A_857 : vector<1x16xf32> to vector<16xf32>
        %swap3A_859 = vector.shape_cast %mul3A_848 : vector<16xf32> to vector<1x16xf32>
        tpu.vector_store %swap3A_854[%swap3A_855, %swap3A_856], %swap3A_859 {strides = array<i32>} : memref<1000x32xf32, #tpu.memory_space<vmem>>, vector<1x16xf32>,
      }
      %scan3A_85 = arith.constant 63 : i32
      %run_scoped3A_86 = arith.constant 0 : i32
      %run_scoped3A_87 = arith.constant 0 : i32
      "tpu.region"() ({
        %run_scoped3A_88 = tpu.sem_alloc : memref<!tpu.dma_semaphore, #tpu.memory_space<semaphore_mem>>
        %dma_start3A_89 = arith.constant 0 : i32
        %dma_start3A_90 = arith.constant 0 : i32
        %dma_start3A_91 = tpu.memref_slice %arg12[%run_scoped3A_86, %dma_start3A_89, %dma_start3A_90] : memref<2x1000x32xf32, #tpu.memory_space<vmem>> -> memref<1x1000x32xf32, #tpu.memory_space<vmem>>
        %dma_start3A_92 = tpu.memref_squeeze %dma_start3A_91 : memref<1x1000x32xf32, #tpu.memory_space<vmem>> -> memref<1000x32xf32, #tpu.memory_space<vmem>>
        %dma_start3A_93 = arith.constant 0 : i32
        %dma_start3A_94 = tpu.memref_slice %arg10[%run_scoped3A_87, %dma_start3A_93] : memref<2x1000xi32, #tpu.memory_space<vmem>> -> memref<1x1000xi32, #tpu.memory_space<vmem>>
        %dma_start3A_95 = tpu.memref_squeeze %dma_start3A_94 : memref<1x1000xi32, #tpu.memory_space<vmem>> -> memref<1000xi32, #tpu.memory_space<vmem>>
        %dma_start3A_96 = arith.constant 0 : i32
        %dma_start3A_97 = arith.constant 0 : i32
        %dma_start3A_98 = tpu.memref_slice %arg15[%dma_start3A_96, %dma_start3A_97] : memref<10000x32xf32, #tpu.memory_space<vmem_shared>> -> memref<10000x32xf32, #tpu.memory_space<vmem_shared>>
        tpu.enqueue_indirect_dma source(%dma_start3A_92 : memref<1000x32xf32, #tpu.memory_space<vmem>>) target(%dma_start3A_98 : memref<10000x32xf32, #tpu.memory_space<vmem_shared>>) offsets(%dma_start3A_95 : memref<1000xi32, #tpu.memory_space<vmem>>) semaphore(%run_scoped3A_88 : memref<!tpu.dma_semaphore, #tpu.memory_space<semaphore_mem>>) {add = true}
        %dma_wait3A_99 = arith.constant 0 : i32
        %dma_wait3A_100 = arith.constant 0 : i32
        %dma_wait3A_101 = tpu.memref_slice %arg12[%run_scoped3A_86, %dma_wait3A_99, %dma_wait3A_100] : memref<2x1000x32xf32, #tpu.memory_space<vmem>> -> memref<1x1000x32xf32, #tpu.memory_space<vmem>>
        %dma_wait3A_102 = tpu.memref_squeeze %dma_wait3A_101 : memref<1x1000x32xf32, #tpu.memory_space<vmem>> -> memref<1000x32xf32, #tpu.memory_space<vmem>>
        %dma_wait3A_103 = arith.constant 0 : i32
        %dma_wait3A_104 = tpu.memref_slice %arg10[%run_scoped3A_87, %dma_wait3A_103] : memref<2x1000xi32, #tpu.memory_space<vmem>> -> memref<1x1000xi32, #tpu.memory_space<vmem>>
        %dma_wait3A_105 = tpu.memref_squeeze %dma_wait3A_104 : memref<1x1000xi32, #tpu.memory_space<vmem>> -> memref<1000xi32, #tpu.memory_space<vmem>>
        %dma_wait3A_106 = arith.constant 0 : i32
        %dma_wait3A_107 = arith.constant 0 : i32
        %dma_wait3A_108 = tpu.memref_slice %arg15[%dma_wait3A_106, %dma_wait3A_107] : memref<10000x32xf32, #tpu.memory_space<vmem_shared>> -> memref<10000x32xf32, #tpu.memory_space<vmem_shared>>
        tpu.wait_indirect_dma semaphore(%run_scoped3A_88 : memref<!tpu.dma_semaphore, #tpu.memory_space<semaphore_mem>>) src(%dma_wait3A_102 : memref<1000x32xf32, #tpu.memory_space<vmem>>) dst(%dma_wait3A_108 : memref<10000x32xf32, #tpu.memory_space<vmem_shared>>)
        tpu.yield
      }) : () -> ()
    }
    %scan3A_12 = arith.constant 5 : i32
    %barrier3A_13 = arith.constant 0 : index
    tpu.barrier barrier_id(%barrier3A_13)
    %lt3A = arith.constant 10 : i32
    %lt3A_14 = arith.cmpi slt, %arg1, %lt3A : i32
    %convert_element_type3A = arith.extui %lt3A_14 : i1 to i32
    %cond3A = arith.constant 0 : i32
    %cond3A_15 = arith.cmpi ne, %convert_element_type3A, %cond3A : i32
    scf.if %cond3A_15 {
      %mul3A_16 = arith.constant 1000 : i32
      %mul3A_17 = arith.muli %arg1, %mul3A_16 : i32
      %run_scoped3A_18 = arith.constant 0 : i32
      "tpu.region"() ({
        %run_scoped3A_25 = tpu.sem_alloc : memref<!tpu.dma_semaphore, #tpu.memory_space<semaphore_mem>>
        %dma_start3A = arith.constant 0 : i32
        %dma_start3A_26 = arith.constant 0 : i32
        %dma_start3A_27 = tpu.memref_slice %arg12[%run_scoped3A_18, %dma_start3A, %dma_start3A_26] : memref<2x1000x32xf32, #tpu.memory_space<vmem>> -> memref<1x1000x32xf32, #tpu.memory_space<vmem>>
        %dma_start3A_28 = tpu.memref_squeeze %dma_start3A_27 : memref<1x1000x32xf32, #tpu.memory_space<vmem>> -> memref<1000x32xf32, #tpu.memory_space<vmem>>
        %dma_start3A_29 = arith.constant 0 : i32
        %dma_start3A_30 = tpu.memref_slice %arg15[%mul3A_17, %dma_start3A_29] : memref<10000x32xf32, #tpu.memory_space<vmem_shared>> -> memref<1000x32xf32, #tpu.memory_space<vmem_shared>>
        %dma_start3A_31 = arith.constant 0 : i32
        %dma_start3A_32 = arith.constant 0 : i32
        %dma_start3A_33 = tpu.memref_slice %arg12[%run_scoped3A_18, %dma_start3A_31, %dma_start3A_32] : memref<2x1000x32xf32, #tpu.memory_space<vmem>> -> memref<1x1000x32xf32, #tpu.memory_space<vmem>>
        %dma_start3A_34 = tpu.memref_squeeze %dma_start3A_33 : memref<1x1000x32xf32, #tpu.memory_space<vmem>> -> memref<1000x32xf32, #tpu.memory_space<vmem>>
        %dma_start3A_35 = arith.constant 0 : i32
        %dma_start3A_36 = tpu.memref_slice %arg15[%mul3A_17, %dma_start3A_35] : memref<10000x32xf32, #tpu.memory_space<vmem_shared>> -> memref<1000x32xf32, #tpu.memory_space<vmem_shared>>
        tpu.enqueue_dma source(%dma_start3A_36 : memref<1000x32xf32, #tpu.memory_space<vmem_shared>>) target(%dma_start3A_34 : memref<1000x32xf32, #tpu.memory_space<vmem>>) target_semaphore(%run_scoped3A_25 : memref<!tpu.dma_semaphore, #tpu.memory_space<semaphore_mem>>)
        %dma_wait3A = arith.constant 0 : i32
        %dma_wait3A_37 = arith.constant 0 : i32
        %dma_wait3A_38 = tpu.memref_slice %arg12[%run_scoped3A_18, %dma_wait3A, %dma_wait3A_37] : memref<2x1000x32xf32, #tpu.memory_space<vmem>> -> memref<1x1000x32xf32, #tpu.memory_space<vmem>>
        %dma_wait3A_39 = tpu.memref_squeeze %dma_wait3A_38 : memref<1x1000x32xf32, #tpu.memory_space<vmem>> -> memref<1000x32xf32, #tpu.memory_space<vmem>>
        %dma_wait3A_40 = arith.constant 0 : i32
        %dma_wait3A_41 = tpu.memref_slice %arg15[%mul3A_17, %dma_wait3A_40] : memref<10000x32xf32, #tpu.memory_space<vmem_shared>> -> memref<1000x32xf32, #tpu.memory_space<vmem_shared>>
        %dma_wait3A_42 = arith.constant 0 : i32
        %dma_wait3A_43 = arith.constant 0 : i32
        %dma_wait3A_44 = tpu.memref_slice %arg12[%run_scoped3A_18, %dma_wait3A_42, %dma_wait3A_43] : memref<2x1000x32xf32, #tpu.memory_space<vmem>> -> memref<1x1000x32xf32, #tpu.memory_space<vmem>>
        %dma_wait3A_45 = tpu.memref_squeeze %dma_wait3A_44 : memref<1x1000x32xf32, #tpu.memory_space<vmem>> -> memref<1000x32xf32, #tpu.memory_space<vmem>>
        %dma_wait3A_46 = arith.constant 0 : i32
        %dma_wait3A_47 = tpu.memref_slice %arg15[%mul3A_17, %dma_wait3A_46] : memref<10000x32xf32, #tpu.memory_space<vmem_shared>> -> memref<1000x32xf32, #tpu.memory_space<vmem_shared>>
        tpu.wait_dma2 semaphore(%run_scoped3A_25 : memref<!tpu.dma_semaphore, #tpu.memory_space<semaphore_mem>>) src(%dma_wait3A_47 : memref<1000x32xf32, #tpu.memory_space<vmem_shared>>) dst(%dma_wait3A_45 : memref<1000x32xf32, #tpu.memory_space<vmem>>)
        tpu.yield
      }) : () -> ()
      %mul3A_19 = arith.constant 10000 : i32
      %mul3A_20 = arith.muli %arg0, %mul3A_19 : i32
      %mul3A_21 = arith.constant 1000 : i32
      %mul3A_22 = arith.muli %arg1, %mul3A_21 : i32
      %add3A_23 = arith.addi %mul3A_20, %mul3A_22 : i32
      %run_scoped3A_24 = arith.constant 0 : i32
      "tpu.region"() ({
        %run_scoped3A_25 = tpu.sem_alloc : memref<!tpu.dma_semaphore, #tpu.memory_space<semaphore_mem>>
        %dma_start3A = arith.constant 0 : i32
        %dma_start3A_26 = arith.constant 0 : i32
        %dma_start3A_27 = tpu.memref_slice %arg12[%run_scoped3A_24, %dma_start3A, %dma_start3A_26] : memref<2x1000x32xf32, #tpu.memory_space<vmem>> -> memref<1x1000x32xf32, #tpu.memory_space<vmem>>
        %dma_start3A_28 = tpu.memref_squeeze %dma_start3A_27 : memref<1x1000x32xf32, #tpu.memory_space<vmem>> -> memref<1000x32xf32, #tpu.memory_space<vmem>>
        %dma_start3A_29 = arith.constant 0 : i32
        %dma_start3A_30 = tpu.memref_slice %arg7[%add3A_23, %dma_start3A_29] : memref<20000x32xf32, #tpu.memory_space<hbm>> -> memref<1000x32xf32, #tpu.memory_space<hbm>>
        %dma_start3A_31 = arith.constant 0 : i32
        %dma_start3A_32 = tpu.memref_slice %arg7[%add3A_23, %dma_start3A_31] : memref<20000x32xf32, #tpu.memory_space<hbm>> -> memref<1000x32xf32, #tpu.memory_space<hbm>>
        %dma_start3A_33 = arith.constant 0 : i32
        %dma_start3A_34 = arith.constant 0 : i32
        %dma_start3A_35 = tpu.memref_slice %arg12[%run_scoped3A_24, %dma_start3A_33, %dma_start3A_34] : memref<2x1000x32xf32, #tpu.memory_space<vmem>> -> memref<1x1000x32xf32, #tpu.memory_space<vmem>>
        %dma_start3A_36 = tpu.memref_squeeze %dma_start3A_35 : memref<1x1000x32xf32, #tpu.memory_space<vmem>> -> memref<1000x32xf32, #tpu.memory_space<vmem>>
        tpu.enqueue_dma source(%dma_start3A_36 : memref<1000x32xf32, #tpu.memory_space<vmem>>) target(%dma_start3A_32 : memref<1000x32xf32, #tpu.memory_space<hbm>>) target_semaphore(%run_scoped3A_25 : memref<!tpu.dma_semaphore, #tpu.memory_space<semaphore_mem>>)
        %dma_wait3A = arith.constant 0 : i32
        %dma_wait3A_37 = arith.constant 0 : i32
        %dma_wait3A_38 = tpu.memref_slice %arg12[%run_scoped3A_24, %dma_wait3A, %dma_wait3A_37] : memref<2x1000x32xf32, #tpu.memory_space<vmem>> -> memref<1x1000x32xf32, #tpu.memory_space<vmem>>
        %dma_wait3A_39 = tpu.memref_squeeze %dma_wait3A_38 : memref<1x1000x32xf32, #tpu.memory_space<vmem>> -> memref<1000x32xf32, #tpu.memory_space<vmem>>
        %dma_wait3A_40 = arith.constant 0 : i32
        %dma_wait3A_41 = tpu.memref_slice %arg7[%add3A_23, %dma_wait3A_40] : memref<20000x32xf32, #tpu.memory_space<hbm>> -> memref<1000x32xf32, #tpu.memory_space<hbm>>
        %dma_wait3A_42 = arith.constant 0 : i32
        %dma_wait3A_43 = tpu.memref_slice %arg7[%add3A_23, %dma_wait3A_42] : memref<20000x32xf32, #tpu.memory_space<hbm>> -> memref<1000x32xf32, #tpu.memory_space<hbm>>
        %dma_wait3A_44 = arith.constant 0 : i32
        %dma_wait3A_45 = arith.constant 0 : i32
        %dma_wait3A_46 = tpu.memref_slice %arg12[%run_scoped3A_24, %dma_wait3A_44, %dma_wait3A_45] : memref<2x1000x32xf32, #tpu.memory_space<vmem>> -> memref<1x1000x32xf32, #tpu.memory_space<vmem>>
        %dma_wait3A_47 = tpu.memref_squeeze %dma_wait3A_46 : memref<1x1000x32xf32, #tpu.memory_space<vmem>> -> memref<1000x32xf32, #tpu.memory_space<vmem>>
        tpu.wait_dma2 semaphore(%run_scoped3A_25 : memref<!tpu.dma_semaphore, #tpu.memory_space<semaphore_mem>>) src(%dma_wait3A_47 : memref<1000x32xf32, #tpu.memory_space<vmem>>) dst(%dma_wait3A_43 : memref<1000x32xf32, #tpu.memory_space<hbm>>)
        tpu.yield
      }) : () -> ()
    } else {
    }
    return
  }
}

module attributes {stable_mosaic.version = 14 : i64} {
  func.func @_weights_body(%arg0: memref<8x30xf32, #tpu.memory_space<vmem>>, %arg1: memref<30x4096xf32, #tpu.memory_space<vmem>>, %arg2: memref<8x30xf32, #tpu.memory_space<vmem>>, %arg3: memref<30x512xf32, #tpu.memory_space<vmem>>, %arg4: memref<8x4096xf32, #tpu.memory_space<vmem>>, %arg5: memref<8x512xf32, #tpu.memory_space<vmem>>) attributes {dimension_semantics = [], scalar_prefetch = 0 : i64, scratch_operands = 0 : i64, tpu.core_type = #tpu.core_type<tc>} {
    %get3A = arith.constant 0 : index
    %get3A_0 = arith.constant 0 : index
    %get3A_1 = vector.load %arg0[%get3A, %get3A_0] : memref<8x30xf32, #tpu.memory_space<vmem>>, vector<8x30xf32>
    %get3A_2 = arith.constant 0 : index
    %get3A_3 = arith.constant 0 : index
    %get3A_4 = vector.load %arg1[%get3A_2, %get3A_3] : memref<30x4096xf32, #tpu.memory_space<vmem>>, vector<30x4096xf32>
    %dot_general3A = arith.constant dense<0.000000e+00> : vector<8x4096xf32>
    %dot_general3A_5 = tpu.matmul %get3A_1, %get3A_4, %dot_general3A {dimension_numbers = #tpu.dot_dimension_numbers<[1], [0], [0], [1], [0, 0, 1, 1], [], []>, transpose_lhs_hint = false} : vector<8x30xf32>, vector<30x4096xf32>, vector<8x4096xf32> -> vector<8x4096xf32>
    %swap3A = arith.constant 0 : index
    %swap3A_6 = arith.constant 0 : index
    %swap3A_7 = vector.load %arg4[%swap3A, %swap3A_6] : memref<8x4096xf32, #tpu.memory_space<vmem>>, vector<8x4096xf32>
    tpu.vector_store %arg4[%swap3A, %swap3A_6], %dot_general3A_5 {strides = array<i32>} : memref<8x4096xf32, #tpu.memory_space<vmem>>, vector<8x4096xf32>,
    %get3A_8 = arith.constant 0 : index
    %get3A_9 = arith.constant 0 : index
    %get3A_10 = vector.load %arg2[%get3A_8, %get3A_9] : memref<8x30xf32, #tpu.memory_space<vmem>>, vector<8x30xf32>
    %get3A_11 = arith.constant 0 : index
    %get3A_12 = arith.constant 0 : index
    %get3A_13 = vector.load %arg3[%get3A_11, %get3A_12] : memref<30x512xf32, #tpu.memory_space<vmem>>, vector<30x512xf32>
    %dot_general3A_14 = arith.constant dense<0.000000e+00> : vector<8x512xf32>
    %dot_general3A_15 = tpu.matmul %get3A_10, %get3A_13, %dot_general3A_14 {dimension_numbers = #tpu.dot_dimension_numbers<[1], [0], [0], [1], [0, 0, 1, 1], [], []>, transpose_lhs_hint = false} : vector<8x30xf32>, vector<30x512xf32>, vector<8x512xf32> -> vector<8x512xf32>
    %swap3A_16 = arith.constant 0 : index
    %swap3A_17 = arith.constant 0 : index
    %swap3A_18 = vector.load %arg5[%swap3A_16, %swap3A_17] : memref<8x512xf32, #tpu.memory_space<vmem>>, vector<8x512xf32>
    tpu.vector_store %arg5[%swap3A_16, %swap3A_17], %dot_general3A_15 {strides = array<i32>} : memref<8x512xf32, #tpu.memory_space<vmem>>, vector<8x512xf32>,
    return
  }
}

module attributes {stable_mosaic.version = 14 : i64} {
  func.func @_dense1_body(%arg0: i32, %arg1: i32, %arg2: memref<2000x128xf32, #tpu.memory_space<vmem>>, %arg3: memref<1x128x128xf32, #tpu.memory_space<vmem>>, %arg4: memref<128x32xf32, #tpu.memory_space<vmem>>, %arg5: memref<2x625x128xf32, #tpu.memory_space<vmem>>, %arg6: memref<2000x128xf32, #tpu.memory_space<vmem>>, %arg7: memref<2000x32xf32, #tpu.memory_space<vmem>>, %arg8: memref<625x128xf32, #tpu.memory_space<vmem>>) attributes {dimension_semantics = [#tpu.dimension_semantics<arbitrary>, #tpu.dimension_semantics<arbitrary>], iteration_bounds = array<i64: 5, 2>, scalar_prefetch = 0 : i64, scratch_operands = 0 : i64, tpu.core_type = #tpu.core_type<tc>, window_params = [{transform_indices = @transform_0, window_bounds = array<i64: 2000, 128>}, {transform_indices = @transform_1, window_bounds = array<i64: 1, 128, 128>}, {pipeline_mode = #tpu.pipeline_mode<synchronous>, transform_indices = @transform_2, window_bounds = array<i64: 128, 32>}, {pipeline_mode = #tpu.pipeline_mode<synchronous>, transform_indices = @transform_3, window_bounds = array<i64: 2, 625, 128>}, {transform_indices = @transform_4, window_bounds = array<i64: 2000, 128>}, {transform_indices = @transform_5, window_bounds = array<i64: 2000, 32>}, {pipeline_mode = #tpu.pipeline_mode<synchronous>, transform_indices = @transform_6, window_bounds = array<i64: 625, 128>}]} {
    %get3A = arith.constant 0 : index
    %get3A_0 = arith.constant 0 : index
    %get3A_1 = vector.load %arg2[%get3A, %get3A_0] : memref<2000x128xf32, #tpu.memory_space<vmem>>, vector<2000x128xf32>
    %get3A_2 = arith.constant 0 : index
    %get3A_3 = arith.constant 0 : index
    %get3A_4 = arith.constant 0 : index
    %get3A_5 = vector.load %arg3[%get3A_2, %get3A_3, %get3A_4] : memref<1x128x128xf32, #tpu.memory_space<vmem>>, vector<1x128x128xf32>
    %get3A_6 = vector.shape_cast %get3A_5 : vector<1x128x128xf32> to vector<128x128xf32>
    %dot_general3A = arith.constant dense<0.000000e+00> : vector<2000x128xf32>
    %dot_general3A_7 = tpu.matmul %get3A_1, %get3A_6, %dot_general3A {dimension_numbers = #tpu.dot_dimension_numbers<[1], [0], [0], [1], [0, 0, 1, 1], [], []>, transpose_lhs_hint = false} : vector<2000x128xf32>, vector<128x128xf32>, vector<2000x128xf32> -> vector<2000x128xf32>
    %swap3A = arith.constant 0 : index
    %swap3A_8 = arith.constant 0 : index
    %swap3A_9 = vector.load %arg6[%swap3A, %swap3A_8] : memref<2000x128xf32, #tpu.memory_space<vmem>>, vector<2000x128xf32>
    tpu.vector_store %arg6[%swap3A, %swap3A_8], %dot_general3A_7 {strides = array<i32>} : memref<2000x128xf32, #tpu.memory_space<vmem>>, vector<2000x128xf32>,
    %eq3A = arith.constant 0 : i32
    %eq3A_10 = arith.cmpi eq, %arg1, %eq3A : i32
    %convert_element_type3A = arith.extui %eq3A_10 : i1 to i32
    %cond3A = arith.constant 0 : i32
    %cond3A_11 = arith.cmpi ne, %convert_element_type3A, %cond3A : i32
    scf.if %cond3A_11 {
      %get3A_19 = arith.constant 0 : index
      %get3A_20 = arith.constant 0 : index
      %get3A_21 = vector.load %arg4[%get3A_19, %get3A_20] : memref<128x32xf32, #tpu.memory_space<vmem>>, vector<128x32xf32>
      %dot_general3A_22 = arith.constant dense<0.000000e+00> : vector<2000x32xf32>
      %dot_general3A_23 = tpu.matmul %get3A_1, %get3A_21, %dot_general3A_22 {dimension_numbers = #tpu.dot_dimension_numbers<[1], [0], [0], [1], [0, 0, 1, 1], [], []>, transpose_lhs_hint = false} : vector<2000x128xf32>, vector<128x32xf32>, vector<2000x32xf32> -> vector<2000x32xf32>
      %swap3A_24 = arith.constant 0 : index
      %swap3A_25 = arith.constant 0 : index
      %swap3A_26 = vector.load %arg7[%swap3A_24, %swap3A_25] : memref<2000x32xf32, #tpu.memory_space<vmem>>, vector<2000x32xf32>
      tpu.vector_store %arg7[%swap3A_24, %swap3A_25], %dot_general3A_23 {strides = array<i32>} : memref<2000x32xf32, #tpu.memory_space<vmem>>, vector<2000x32xf32>,
    } else {
    }
    %eq3A_12 = arith.constant 0 : i32
    %eq3A_13 = arith.cmpi eq, %arg0, %eq3A_12 : i32
    %eq3A_14 = arith.constant 0 : i32
    %eq3A_15 = arith.cmpi eq, %arg1, %eq3A_14 : i32
    %and3A = arith.andi %eq3A_13, %eq3A_15 : i1
    %convert_element_type3A_16 = arith.extui %and3A : i1 to i32
    %cond3A_17 = arith.constant 0 : i32
    %cond3A_18 = arith.cmpi ne, %convert_element_type3A_16, %cond3A_17 : i32
    scf.if %cond3A_18 {
      %get3A_19 = arith.constant 0 : index
      %get3A_20 = arith.constant 0 : index
      %get3A_21 = arith.constant 0 : index
      %get3A_22 = vector.load %arg5[%get3A_19, %get3A_20, %get3A_21] : memref<2x625x128xf32, #tpu.memory_space<vmem>>, vector<1x625x128xf32>
      %get3A_23 = vector.shape_cast %get3A_22 : vector<1x625x128xf32> to vector<625x128xf32>
      %get3A_24 = arith.constant 1 : index
      %get3A_25 = arith.constant 0 : index
      %get3A_26 = arith.constant 0 : index
      %get3A_27 = vector.load %arg5[%get3A_24, %get3A_25, %get3A_26] : memref<2x625x128xf32, #tpu.memory_space<vmem>>, vector<1x625x128xf32>
      %get3A_28 = vector.shape_cast %get3A_27 : vector<1x625x128xf32> to vector<625x128xf32>
      %add3A = arith.addf %get3A_23, %get3A_28 : vector<625x128xf32>
      %swap3A_29 = arith.constant 0 : index
      %swap3A_30 = arith.constant 0 : index
      %swap3A_31 = vector.load %arg8[%swap3A_29, %swap3A_30] : memref<625x128xf32, #tpu.memory_space<vmem>>, vector<625x128xf32>
      tpu.vector_store %arg8[%swap3A_29, %swap3A_30], %add3A {strides = array<i32>} : memref<625x128xf32, #tpu.memory_space<vmem>>, vector<625x128xf32>,
    } else {
    }
    return
  }
  func.func @transform_0(%arg0: i32, %arg1: i32) -> (i32, i32) {
    %c0_i32 = arith.constant 0 : i32
    %c0_i32_0 = arith.constant 0 : i32
    return %arg0, %c0_i32 : i32, i32
  }
  func.func @transform_1(%arg0: i32, %arg1: i32) -> (i32, i32, i32) {
    %c0_i32 = arith.constant 0 : i32
    %c0_i32_0 = arith.constant 0 : i32
    %c0_i32_1 = arith.constant 0 : i32
    return %arg1, %c0_i32, %c0_i32_0 : i32, i32, i32
  }
  func.func @transform_2(%arg0: i32, %arg1: i32) -> (i32, i32) {
    %c0_i32 = arith.constant 0 : i32
    %c0_i32_0 = arith.constant 0 : i32
    %c0_i32_1 = arith.constant 0 : i32
    return %c0_i32, %c0_i32_0 : i32, i32
  }
  func.func @transform_3(%arg0: i32, %arg1: i32) -> (i32, i32, i32) {
    %c0_i32 = arith.constant 0 : i32
    %c0_i32_0 = arith.constant 0 : i32
    %c0_i32_1 = arith.constant 0 : i32
    %c0_i32_2 = arith.constant 0 : i32
    return %c0_i32, %c0_i32_0, %c0_i32_1 : i32, i32, i32
  }
  func.func @transform_4(%arg0: i32, %arg1: i32) -> (i32, i32) {
    %mul3A = arith.constant 5 : i32
    %mul3A_0 = arith.muli %arg1, %mul3A : i32
    %add3A = arith.addi %mul3A_0, %arg0 : i32
    %c0_i32 = arith.constant 0 : i32
    %c0_i32_1 = arith.constant 0 : i32
    return %add3A, %c0_i32 : i32, i32
  }
  func.func @transform_5(%arg0: i32, %arg1: i32) -> (i32, i32) {
    %c0_i32 = arith.constant 0 : i32
    %c0_i32_0 = arith.constant 0 : i32
    return %arg0, %c0_i32 : i32, i32
  }
  func.func @transform_6(%arg0: i32, %arg1: i32) -> (i32, i32) {
    %c0_i32 = arith.constant 0 : i32
    %c0_i32_0 = arith.constant 0 : i32
    %c0_i32_1 = arith.constant 0 : i32
    return %c0_i32, %c0_i32_0 : i32, i32
  }
}

module attributes {stable_mosaic.version = 14 : i64} {
  func.func @_dense2_body(%arg0: i32, %arg1: memref<2000x32xf32, #tpu.memory_space<vmem>>, %arg2: memref<2000x32xf32, #tpu.memory_space<vmem>>, %arg3: memref<2000x32xf32, #tpu.memory_space<vmem>>, %arg4: memref<32x128xf32, #tpu.memory_space<vmem>>, %arg5: memref<32x16xf32, #tpu.memory_space<vmem>>, %arg6: memref<2000x128xf32, #tpu.memory_space<vmem>>, %arg7: memref<2000x16xf32, #tpu.memory_space<vmem>>) attributes {dimension_semantics = [#tpu.dimension_semantics<arbitrary>], iteration_bounds = array<i64: 5>, scalar_prefetch = 0 : i64, scratch_operands = 0 : i64, tpu.core_type = #tpu.core_type<tc>, window_params = [{transform_indices = @transform_0, window_bounds = array<i64: 2000, 32>}, {transform_indices = @transform_1, window_bounds = array<i64: 2000, 32>}, {transform_indices = @transform_2, window_bounds = array<i64: 2000, 32>}, {pipeline_mode = #tpu.pipeline_mode<synchronous>, transform_indices = @transform_3, window_bounds = array<i64: 32, 128>}, {pipeline_mode = #tpu.pipeline_mode<synchronous>, transform_indices = @transform_4, window_bounds = array<i64: 32, 16>}, {transform_indices = @transform_5, window_bounds = array<i64: 2000, 128>}, {transform_indices = @transform_6, window_bounds = array<i64: 2000, 16>}]} {
    %get3A = arith.constant 0 : index
    %get3A_0 = arith.constant 0 : index
    %get3A_1 = vector.load %arg1[%get3A, %get3A_0] : memref<2000x32xf32, #tpu.memory_space<vmem>>, vector<2000x32xf32>
    %get3A_2 = arith.constant 0 : index
    %get3A_3 = arith.constant 0 : index
    %get3A_4 = vector.load %arg2[%get3A_2, %get3A_3] : memref<2000x32xf32, #tpu.memory_space<vmem>>, vector<2000x32xf32>
    %add3A = arith.addf %get3A_1, %get3A_4 : vector<2000x32xf32>
    %get3A_5 = arith.constant 0 : index
    %get3A_6 = arith.constant 0 : index
    %get3A_7 = vector.load %arg3[%get3A_5, %get3A_6] : memref<2000x32xf32, #tpu.memory_space<vmem>>, vector<2000x32xf32>
    %add3A_8 = arith.addf %add3A, %get3A_7 : vector<2000x32xf32>
    %max3A = arith.constant 0.000000e+00 : f32
    %max3A_9 = vector.broadcast %max3A : f32 to vector<2000x32xf32>
    %max3A_10 = arith.maximumf %add3A_8, %max3A_9 : vector<2000x32xf32>
    %get3A_11 = arith.constant 0 : index
    %get3A_12 = arith.constant 0 : index
    %get3A_13 = vector.load %arg4[%get3A_11, %get3A_12] : memref<32x128xf32, #tpu.memory_space<vmem>>, vector<32x128xf32>
    %dot_general3A = arith.constant dense<0.000000e+00> : vector<2000x128xf32>
    %dot_general3A_14 = tpu.matmul %max3A_10, %get3A_13, %dot_general3A {dimension_numbers = #tpu.dot_dimension_numbers<[1], [0], [0], [1], [0, 0, 1, 1], [], []>, transpose_lhs_hint = false} : vector<2000x32xf32>, vector<32x128xf32>, vector<2000x128xf32> -> vector<2000x128xf32>
    %swap3A = arith.constant 0 : index
    %swap3A_15 = arith.constant 0 : index
    %swap3A_16 = vector.load %arg6[%swap3A, %swap3A_15] : memref<2000x128xf32, #tpu.memory_space<vmem>>, vector<2000x128xf32>
    tpu.vector_store %arg6[%swap3A, %swap3A_15], %dot_general3A_14 {strides = array<i32>} : memref<2000x128xf32, #tpu.memory_space<vmem>>, vector<2000x128xf32>,
    %get3A_17 = arith.constant 0 : index
    %get3A_18 = arith.constant 0 : index
    %get3A_19 = vector.load %arg5[%get3A_17, %get3A_18] : memref<32x16xf32, #tpu.memory_space<vmem>>, vector<32x16xf32>
    %dot_general3A_20 = arith.constant dense<0.000000e+00> : vector<2000x16xf32>
    %dot_general3A_21 = tpu.matmul %max3A_10, %get3A_19, %dot_general3A_20 {dimension_numbers = #tpu.dot_dimension_numbers<[1], [0], [0], [1], [0, 0, 1, 1], [], []>, transpose_lhs_hint = false} : vector<2000x32xf32>, vector<32x16xf32>, vector<2000x16xf32> -> vector<2000x16xf32>
    %swap3A_22 = arith.constant 0 : index
    %swap3A_23 = arith.constant 0 : index
    %swap3A_24 = vector.load %arg7[%swap3A_22, %swap3A_23] : memref<2000x16xf32, #tpu.memory_space<vmem>>, vector<2000x16xf32>
    tpu.vector_store %arg7[%swap3A_22, %swap3A_23], %dot_general3A_21 {strides = array<i32>} : memref<2000x16xf32, #tpu.memory_space<vmem>>, vector<2000x16xf32>,
    return
  }
  func.func @transform_0(%arg0: i32) -> (i32, i32) {
    %c0_i32 = arith.constant 0 : i32
    %c0_i32_0 = arith.constant 0 : i32
    return %arg0, %c0_i32 : i32, i32
  }
  func.func @transform_1(%arg0: i32) -> (i32, i32) {
    %add3A = arith.constant 5 : i32
    %add3A_0 = arith.addi %add3A, %arg0 : i32
    %c0_i32 = arith.constant 0 : i32
    %c0_i32_1 = arith.constant 0 : i32
    return %add3A_0, %c0_i32 : i32, i32
  }
  func.func @transform_2(%arg0: i32) -> (i32, i32) {
    %c0_i32 = arith.constant 0 : i32
    %c0_i32_0 = arith.constant 0 : i32
    return %arg0, %c0_i32 : i32, i32
  }
  func.func @transform_3(%arg0: i32) -> (i32, i32) {
    %c0_i32 = arith.constant 0 : i32
    %c0_i32_0 = arith.constant 0 : i32
    %c0_i32_1 = arith.constant 0 : i32
    return %c0_i32, %c0_i32_0 : i32, i32
  }
  func.func @transform_4(%arg0: i32) -> (i32, i32) {
    %c0_i32 = arith.constant 0 : i32
    %c0_i32_0 = arith.constant 0 : i32
    %c0_i32_1 = arith.constant 0 : i32
    return %c0_i32, %c0_i32_0 : i32, i32
  }
  func.func @transform_5(%arg0: i32) -> (i32, i32) {
    %c0_i32 = arith.constant 0 : i32
    %c0_i32_0 = arith.constant 0 : i32
    return %arg0, %c0_i32 : i32, i32
  }
  func.func @transform_6(%arg0: i32) -> (i32, i32) {
    %c0_i32 = arith.constant 0 : i32
    %c0_i32_0 = arith.constant 0 : i32
    return %arg0, %c0_i32 : i32, i32
  }
}

module attributes {stable_mosaic.version = 14 : i64} {
  func.func @_final_body(%arg0: i32, %arg1: memref<2000x16xf32, #tpu.memory_space<vmem>>, %arg2: memref<2000x16xf32, #tpu.memory_space<vmem>>, %arg3: memref<2000x16xf32, #tpu.memory_space<vmem>>, %arg4: memref<2000x16xf32, #tpu.memory_space<vmem>>) attributes {dimension_semantics = [#tpu.dimension_semantics<arbitrary>], iteration_bounds = array<i64: 5>, scalar_prefetch = 0 : i64, scratch_operands = 0 : i64, tpu.core_type = #tpu.core_type<tc>, window_params = [{transform_indices = @transform_0, window_bounds = array<i64: 2000, 16>}, {transform_indices = @transform_1, window_bounds = array<i64: 2000, 16>}, {transform_indices = @transform_2, window_bounds = array<i64: 2000, 16>}, {transform_indices = @transform_3, window_bounds = array<i64: 2000, 16>}]} {
    %get3A = arith.constant 0 : index
    %get3A_0 = arith.constant 0 : index
    %get3A_1 = vector.load %arg1[%get3A, %get3A_0] : memref<2000x16xf32, #tpu.memory_space<vmem>>, vector<2000x16xf32>
    %get3A_2 = arith.constant 0 : index
    %get3A_3 = arith.constant 0 : index
    %get3A_4 = vector.load %arg2[%get3A_2, %get3A_3] : memref<2000x16xf32, #tpu.memory_space<vmem>>, vector<2000x16xf32>
    %add3A = arith.addf %get3A_1, %get3A_4 : vector<2000x16xf32>
    %get3A_5 = arith.constant 0 : index
    %get3A_6 = arith.constant 0 : index
    %get3A_7 = vector.load %arg3[%get3A_5, %get3A_6] : memref<2000x16xf32, #tpu.memory_space<vmem>>, vector<2000x16xf32>
    %add3A_8 = arith.addf %add3A, %get3A_7 : vector<2000x16xf32>
    %swap3A = arith.constant 0 : index
    %swap3A_9 = arith.constant 0 : index
    %swap3A_10 = vector.load %arg4[%swap3A, %swap3A_9] : memref<2000x16xf32, #tpu.memory_space<vmem>>, vector<2000x16xf32>
    tpu.vector_store %arg4[%swap3A, %swap3A_9], %add3A_8 {strides = array<i32>} : memref<2000x16xf32, #tpu.memory_space<vmem>>, vector<2000x16xf32>,
    return
  }
  func.func @transform_0(%arg0: i32) -> (i32, i32) {
    %c0_i32 = arith.constant 0 : i32
    %c0_i32_0 = arith.constant 0 : i32
    return %arg0, %c0_i32 : i32, i32
  }
  func.func @transform_1(%arg0: i32) -> (i32, i32) {
    %add3A = arith.constant 5 : i32
    %add3A_0 = arith.addi %add3A, %arg0 : i32
    %c0_i32 = arith.constant 0 : i32
    %c0_i32_1 = arith.constant 0 : i32
    return %add3A_0, %c0_i32 : i32, i32
  }
  func.func @transform_2(%arg0: i32) -> (i32, i32) {
    %c0_i32 = arith.constant 0 : i32
    %c0_i32_0 = arith.constant 0 : i32
    return %arg0, %c0_i32 : i32, i32
  }
  func.func @transform_3(%arg0: i32) -> (i32, i32) {
    %c0_i32 = arith.constant 0 : i32
    %c0_i32_0 = arith.constant 0 : i32
    return %arg0, %c0_i32 : i32, i32
  }
}

</mosaic_0001>

<sc_bundles>
// kernel: kernel.12.cloned.1.call-start
scs
__scs_entry_jumppad:
0x0: {  	(pc) =	sbr.rel $0x88, $3  }
0x1: {  	(tag) =	ssettag $0x0;
	lr =	simm.s32 $0x1  }
0x2: {  	[smem:$0x3F98] =	sst lr;
	_ =	strace $0xD0000000  }
0x3: {  	_ = 	snop  }
0x4: {  	_ = 	snop  }
0x5: {  	_ = 	snop  }
0x6: {  	_ = 	snop  }
0x7: {  	_ = 	snop  }
__scs_overlays_trampoline_lowered:
0x8: {  	[smem:$0x3FA7] =	sst s0  }
0x9: {  	[smem:$0x3FA8] =	sst s1  }
0xa: {  	[smem:$0x3FA9] =	sst s2  }
0xb: {  	[smem:$0x3FAA] =	sst s3  }
0xc: {  	[smem:$0x3FAB] =	sst s4  }
0xd: {  	[smem:$0x3FAC] =	sst s5  }
0xe: {  	[smem:$0x3FAD] =	sst s6  }
0xf: {  	[smem:$0x3FAE] =	sst s7  }
0x10: {  	[smem:$0x3FAF] =	sst s8  }
0x11: {  	[smem:$0x3FB0] =	sst s9;
	s0 =	simm.s32 @!p0 $0x0  }
0x12: {  	s1 =	sld [smem:$0x3F96];
	s0 =	simm.s32 @p0 $0x1  }
0x13: {  	[smem:$0x3FB1] =	sst s0;
	s0 =	simm.s32 @!p1 $0x0  }
0x14: {  	s2 =	sld [smem:$0x3F95];
	s0 =	simm.s32 @p1 $0x1  }
0x15: {  	[smem:$0x3FB2] =	sst s0;
	s0 =	simm.s32 @!p2 $0x0  }
0x16: {  	s3 =	sld [smem:$0x3FDB];
	s0 =	simm.s32 @p2 $0x1  }
0x17: {  	s4 =	simm.s32 $0x1BF5;
	[smem:$0x3FB4] =	sst s0  }
0x18: {  	s0 =	sld [smem:$0x3F97];
	_ =	swait.ge [sflag:s4], $0x0  }
0x19: {  	s7 =	sld [smem:$0x3F98]  }
0x1a: {  	s8 =	sadd.s32 $0xFFFFE003, lr  }
0x1b: {  	s9 =	sadd.s32 $0xFFFFFEF7, lr;
	s5 =	simm.s32 $0xFFFFFFFF;
	p2 =	slt.u32 s8, $0xFFFFF086  }
0x1c: {  	p1 =	slt.u32 s9, $0xF7A;
	s5 =	simm.s32 @!p2 $0x0  }
0x1d: {  	s5 =	simm.s32 @p1 $0x1;
	p0 =	seq.s32 s7, s2  }
0x1e: {  	s7 =	smul.u32 @!p0 $0xF7A, s2;
	p2 =	seq.s32 @!p0 s5, $0x0  }
0x1f: {  	s9 =	smul.u32 $0xF7A, s1;
	s8 =	simm.s32 @!p0 $0x1BF5;
	p2 =	por !p2, p0  }
0x20: {  	[sflag:s8] =	ssyncset.s32 @!p0 $0xFFFFF086;
	s6 =	sadd.s32 @!p0 s3, s7;
	s7 =	simm.s32 @!p0 $0x108  }
0x21: {  	s3 =	sadd.s32 s3, s9;
	s6 =	sadd.s32 @!p0 $0x88, s6;
	s7 =	simm.s32 @p2 $0x1082  }
0x22: {  	[simem:s7], [sflag:s8] =	dma.local @!p0 [hbm:s6], $0xF7A  }
0x23: {  	s9 =	sor.u32 $0xD0000000, s2;
	s6 =	simm.s32 $0x108;
	_ =	swait.ge @!p0 [sflag:s8], $0x0  }
0x24: {  	s3 =	sadd.s32 $0x88, s3;
	s6 =	simm.s32 @!p1 $0x1082;
	[sflag:s4] =	ssyncset.s32 $0xFFFFF086  }
0x25: {  	[simem:s6], [sflag:s4] =	dma.local [hbm:s3], $0xF7A  }
0x26: {  	[smem:$0x3F98] =	sst s1;
	(tag) =	ssettag s2;
	_ =	strace s9  }
0x27: {  	s1 =	sld [smem:$0x3FA8]  }
0x28: {  	s2 =	sld [smem:$0x3FA9]  }
0x29: {  	s4 =	sld [smem:$0x3FAB]  }
0x2a: {  	p0 =	seq.s32 s5, $0x0;
	s5 =	sld [smem:$0x3FAC]  }
0x2b: {  	s6 =	sld [smem:$0x3FAD]  }
0x2c: {  	s7 =	sld [smem:$0x3FAE]  }
0x2d: {  	s3 =	simm.s32 $0x108;
	s8 =	sld [smem:$0x3FAF]  }
0x2e: {  	s3 =	simm.s32 @!p0 $0x1082;
	s9 =	sld [smem:$0x3FB0]  }
0x2f: {  	lr =	sadd.s32 s0, s3;
	s0 =	sld [smem:$0x3FA7]  }
0x30: {  	s3 =	sld [smem:$0x3FAA]  }
0x31: {  	[smem:$0x3FB3] =	sst s10  }
0x32: {  	s10 =	sld [smem:$0x3FB1];
	_ =	sdelay $0x3  }
0x33: {  	p0 =	seq.s32 s10, $0x1;
	s10 =	sld [smem:$0x3FB3];
	_ =	sdelay $0x3  }
0x34: {  	[smem:$0x3FB3] =	sst s10  }
0x35: {  	s10 =	sld [smem:$0x3FB2];
	_ =	sdelay $0x3  }
0x36: {  	p1 =	seq.s32 s10, $0x1;
	s10 =	sld [smem:$0x3FB3];
	_ =	sdelay $0x3  }
0x37: {  	[smem:$0x3FB3] =	sst s10  }
0x38: {  	s10 =	sld [smem:$0x3FB4]  }
0x39: {  	_ = 	snop;
	(pc) =	sbr.ind lr, $3  }
0x3a: {  	_ = 	snop  }
0x3b: {  	_ = 	snop  }
0x3c: {  	p2 =	seq.s32 s10, $0x1;
	s10 =	sld [smem:$0x3FB3]  }
0x3d: {  	_ =	shalt  }
0x3e: {  	_ =	shalt  }
0x3f: {  	_ =	shalt  }
0x40: {  	_ =	shalt  }
0x41: {  	_ =	shalt  }
0x42: {  	_ =	shalt  }
0x43: {  	_ =	shalt  }
0x44: {  	_ =	shalt  }
0x45: {  	_ =	shalt  }
0x46: {  	_ =	shalt  }
0x47: {  	_ =	shalt  }
0x48: {  	_ =	shalt  }
0x49: {  	_ =	shalt  }
0x4a: {  	_ =	shalt  }
0x4b: {  	_ =	shalt  }
0x4c: {  	_ =	shalt  }
0x4d: {  	_ =	shalt  }
0x4e: {  	_ =	shalt  }
0x4f: {  	_ =	shalt  }
0x50: {  	_ =	shalt  }
0x51: {  	_ =	shalt  }
0x52: {  	_ =	shalt  }
0x53: {  	_ =	shalt  }
0x54: {  	_ =	shalt  }
0x55: {  	_ =	shalt  }
0x56: {  	_ =	shalt  }
0x57: {  	_ =	shalt  }
0x58: {  	_ =	shalt  }
0x59: {  	_ =	shalt  }
0x5a: {  	_ =	shalt  }
0x5b: {  	_ =	shalt  }
0x5c: {  	_ =	shalt  }
0x5d: {  	_ =	shalt  }
0x5e: {  	_ =	shalt  }
0x5f: {  	_ =	shalt  }
0x60: {  	_ =	shalt  }
0x61: {  	_ =	shalt  }
0x62: {  	_ =	shalt  }
0x63: {  	_ =	shalt  }
0x64: {  	_ =	shalt  }
0x65: {  	_ =	shalt  }
0x66: {  	_ =	shalt  }
0x67: {  	_ =	shalt  }
0x68: {  	_ =	shalt  }
0x69: {  	_ =	shalt  }
0x6a: {  	_ =	shalt  }
0x6b: {  	_ =	shalt  }
0x6c: {  	_ =	shalt  }
0x6d: {  	_ =	shalt  }
0x6e: {  	_ =	shalt  }
0x6f: {  	_ =	shalt  }
0x70: {  	_ =	shalt  }
0x71: {  	_ =	shalt  }
0x72: {  	_ =	shalt  }
0x73: {  	_ =	shalt  }
0x74: {  	_ =	shalt  }
0x75: {  	_ =	shalt  }
0x76: {  	_ =	shalt  }
0x77: {  	_ =	shalt  }
0x78: {  	_ =	shalt  }
0x79: {  	_ =	shalt  }
0x7a: {  	_ =	shalt  }
0x7b: {  	_ =	shalt  }
0x7c: {  	_ =	shalt  }
0x7d: {  	_ =	shalt  }
0x7e: {  	_ =	shalt  }
0x7f: {  	_ =	shalt  }
0x80: {  	_ =	shalt  }
0x81: {  	_ =	shalt  }
0x82: {  	_ =	shalt  }
0x83: {  	_ =	shalt  }
0x84: {  	_ =	shalt  }
0x85: {  	_ =	shalt  }
0x86: {  	_ =	shalt  }
0x87: {  	_ =	shalt  }
.Lfunc_end0:
.L_simem_size_0:
called_computation.1_lowered:
.L_overlay_start_0:
0x88: {  	s2 =	sld [smem:$0x3FD9]  }
0x89: {  	s3 =	sld [smem:$0x3FFE];
	_ =	sdelay $0x1  }
0x8a: {  	s1 =	srdreg.scid  }
0x8b: {  	s0 =	sand.u32 $0x1, s1  }
0x8c: {  	s16 =	sshll.u32 s0, $0xA;
	s2 =	sadd.s32 s3, s2  }
0x8d: {  	s2 =	sadd.s32 s2, s16  }
0x8e: {  	[smem:$0x3FBF] =	sst s2  }
0x8f: {  	_ = 	snop  }
0x90: {  	(tm) =	ssettm $0x1  }
0x91: {  	s17 =	sld [smem:$0x3FFB];
	_ =	sdelay $0x3  }
0x92: {  	_ =	strace s17  }
0x93: {  	s2 =	sld [smem:$0x3FFC];
	_ =	sdelay $0x3  }
0x94: {  	_ =	strace s2  }
0x95: {  	s2 =	sld [smem:$0x3FFD];
	_ =	sdelay $0x3  }
0x96: {  	_ =	strace s2  }
0x97: {  	_ =	strace $0x8FFFFFFF  }
0x98: {  	s18 =	sld [smem:$0x3FDB];
	_ =	sdelay $0x1  }
0x99: {  	s19 =	simm.s32 $_scs_section_size  }
0x9a: {  	s4 =	simm.s32 $_size__tile_overlayer_lowered;
	s5 =	simm.s32 $_tile_overlayer_lowered  }
0x9b: {  	s22 =	simm.s32 $0x1BFF;
	s21 =	sshll.u32 s5, $0x1;
	s2 =	sadd.s32 s19, s18  }
0x9c: {  	s6 =	simm.s32 $0x0;
	s20 =	sshll.u32 s4, $0x1;
	s4 =	sadd.s32 s21, s2  }
0x9d: {  	[timem:s6], [sflag:s22] =	dma.local [hbm:s4], s20  }
0x9e: {  	_ =	swait.ge [sflag:s22], s20  }
0x9f: {  	s3 =	ssub.s32 $0x0, s20;
	[sflag:s22] =	ssyncset.done $0x0  }
0xa0: {  	[sflag:s22] =	ssyncadd.s32 s3;
	_ =	sdelay $0x1  }
0xa1: {  	s23 =	simm.s32 $0x1B8B  }
0xa2: {  	_ =	swait.ge [sflag:s23], $0x1  }
0xa3: {  	[sflag:s23] =	ssyncset.done $0x0  }
0xa4: {  	s25 =	simm.s32 $0x1B8E;
	s24 =	sld [smem:$0x3FFE];
	[sflag:s23] =	ssyncadd.s32 $0xFFFFFFFF  }
0xa5: {  	s26 =	simm.s32 $execute0_lowered;
	[smem:$0x3FD2] =	sst s25  }
0xa6: {  	s4 =	sshll.u32 s26, $0x1;
	_ =	strace $0x80000049;
	[dreg:$0x1] =	wrdreg $0xFFFFFFFF  }
0xa7: {  	s28 =	simm.s32 $_size_execute0_lowered;
	s2 =	sadd.s32 s2, s4;
	[dreg:$0x0] =	wrdreg $0x0  }
0xa8: {  	s4 =	sshll.u32 s28, $0x1;
	[dreg:$0x2] =	wrdreg s2  }
0xa9: {  	[dreg:$0x3] =	wrdreg s4  }
0xaa: {  	[dreg:$0x4] =	wrdreg $0xC0  }
0xab: {  	_ =	task [dreg:s6], $0x5FFFF  }
0xac: {  	[dreg:$0x1] =	wrdreg $0xFFFFFFFF  }
0xad: {  	[dreg:$0x0] =	wrdreg $0x60  }
0xae: {  	[dreg:$0x2] =	wrdreg s24  }
0xaf: {  	[dreg:$0x3] =	wrdreg $0x11D400  }
0xb0: {  	[dreg:$0x4] =	wrdreg $0x9  }
0xb1: {  	_ =	task.clear_ibuf [dreg:s6], $0x5FFFF;
	_ =	strace $0x90000049  }
0xb2: {  	s29 =	simm.s32 $0x9;
	_ =	strace $0x8000004B  }
0xb3: {  	_ =	swait.ge [sflag:s29], $0x1  }
0xb4: {  	[sflag:s29] =	ssyncadd.s32 $0xFFFFFFFF  }
0xb5: {  	_ =	strace $0x9000004B  }
0xb6: {  	_ =	sfence  }
0xb7: {  	s30 =	sld [smem:$0x0];
	_ =	sdelay $0x2  }
0xb8: {  	s31 =	sshll.u32 s1, $0xD;
	s1 =	sshrl.u32 s1, $0x2  }
0xb9: {  	s3 =	sand.u32 $0x4000, s31;
	s1 =	sadd.s32 s1, s30  }
0xba: {  	s0 =	sor.u32 s3, s0;
	s1 =	sshll.u32 s1, $0x11  }
0xbb: {  	s0 =	sor.u32 s1, s0  }
0xbc: {  	s0 =	sadd.s32 $0x8F2B, s0  }
0xbd: {  	[sflag:s0] =	ssyncadd.remote.s32 $0x1  }
0xbe: {  	_ =	sfence.sel $0xFFFF  }
0xbf: {  	[dreg:$0x0] =	wrdreg $0xFFFFFFFF;
	(pc) =	sbr.abs _section_cstart, $3  }
0xc0: {  	[dreg:$0x1] =	wrdreg $0xFFFFFFFF  }
0xc1: {  	_ =	task.clear_ibuf [dreg:s6], $0x2FFFF;
	_ =	strace $0x9FFFFFFF  }
0xc2: {  	(tm) =	ssettm $0x7FFFFFFF  }
0xc3: {  	_ =	shalt  }
tec
execute0_lowered:
.L_overlay_start_1:
0x0: {  	(tag) =	ssettag $0x1  }
0x1: {  	s9 =	rddreg [dreg:$0x0]  }
0x2: {  	s1 =	rddreg [dreg:$0x1]  }
0x3: {  	s0 =	rddreg [dreg:$0x2];
	s2 =	simm.s32 $0x0  }
0x4: {  	s3 =	srdreg.scid;
	s17 =	simm.s32 $0x7D0;
	s18 =	simm.s32 $0xFA0  }
0x5: {  	s19 =	simm.s32 $0x3E8;
	s20 =	simm.s32 $0x11170;
	s21 =	simm.s32 $0x2  }
0x6: {  	s22 =	simm.s32 $0x11950;
	s23 =	simm.s32 $0x1;
	[smem:$0x7FF] =	sst s2  }
0x7: {  	s10 =	sand.u32 $0x1, s3;
	s3 =	stileid.u32;
	s4 =	sadd.s32 $0x11600, s9  }
0x8: {  	s5 =	sadd.s32 $0x7600, s9;
	s6 =	sadd.s32 $0x2600, s9;
	s11 =	smul.u32 $0x9C40, s10  }
0x9: {  	s7 =	sadd.s32 $0xC600, s9;
	s8 =	sadd.s32 $0x5F800, s9;
	s12 =	smul.u32 $0xFA0, s3  }
0xa: {  	_ =	strace $0x8000004A;
	s26 =	ssub.s32 $0x2, s10;
	s13 =	smul.u32 $0x13880, s3  }
0xb: {  	s15 =	smul.u32 $0x1F400, s3;
	s29 =	sshll.u32 s3, $0x1;
	s28 =	sshrl.u32 s26, $0x1  }
0xc: {  	p0 =	sgt.u32 s3, $0x9;
	s11 =	sadd.s32 s12, s11;
	s16 =	ssub.s32 s26, s28  }
0xd: {  	s30 =	sshrl.u32 s13, $0x2;
	s31 =	sshrl.u32 s15, $0x2;
	s15 =	simm.s32 $0x1770  }
0xe: {  	s14 =	sadd.s32 s11, s9;
	s9 =	sadd.s32 $0x75A00, s9;
	s11 =	sor.u32 s10, s29  }
0xf: {  	s10 =	sadd.s32 s30, s1;
	s12 =	sadd.s32 s31, s1;
	s11 =	smul.u32 $0x1388, s11  }
0x10: {  	v0 =	vimm.f32 $0.0e+00;
	s13 =	sadd.s32 $0x62000, s14;
	s14 =	smax.u32 s16, $0x1;
	s16 =	simm.s32 $0x3  }
.LBB2_1:
0x11: {  	s24 =	simm.s32 $0x80;
	s25 =	simm.s32 $0x0  }
.LBB2_2:
0x12: {  	p1 =	sne.s32 s24, $0x13800;
	[tilespmem:s25+$0x1770] =	vst v0;
	s26 =	smov.u32 s24;
	s24 =	sadd.s32 $0x80, s24  }
.Ltmp0:
0x13: {  	[tilespmem:s25+$0x1780] =	vst v0;
	(pc) =	sbr.rel @p1 .LBB2_2-.Ltmp0, $2  }
0x14: {  	_ =	sdelay $0x2  }
0x15: {  	s25 =	sshra.s32 s26, $0x2  }
0x16: {  	[tilespmem:s25+$0x1770] =	vst v0  }
0x17: {  	[tilespmem:s25+$0x1780] =	vst v0  }
0x18: {  	[spmem:s10] =	stream.linear.scatter [tilespmem:s15], [sflag:$0x3], $0x4E20, $0x38;
	[tilespmem:$0x16B60] =	vst v63  }
0x19: {  	_ =	swait.ge [sflag:s16], $0x4E20  }
0x1a: {  	[sflag:s16] =	ssyncset.done $0x0  }
0x1b: {  	[sflag:s16] =	ssyncadd.s32 $0xFFFFB1E0  }
0x1c: {  	s24 =	simm.s32 $0x0;
	s25 =	simm.s32 $0x0;
	[bflag:$0x0] =	sbarrier.arrive $0xFFFF  }
.LBB2_4:
0x1d: {  	s26 =	smul.u32 $0x3E8, s25;
	_ =	sdelay $0x1  }
0x1e: {  	s26 =	sadd.s32 s11, s26  }
0x1f: {  	s26 =	sshrl.u32 s26, $0x3  }
0x20: {  	s28 =	sadd.s32 s5, s26  }
0x21: {  	[tilespmem:s24], [sflag:$0x3] =	stream.linear.gather [hbm4b:s28+s24], $0x3E8, $0x38;
	[tilespmem:$0x16B60] =	vst v63  }
0x22: {  	_ =	swait.ge [sflag:s16], $0x3E8  }
0x23: {  	[sflag:s16] =	ssyncset.done $0x0  }
0x24: {  	s28 =	sadd.s32 s6, s26;
	[sflag:s16] =	ssyncadd.s32 $0xFFFFFC18  }
0x25: {  	[tilespmem:s17], [sflag:$0x3] =	stream.linear.gather [hbm4b:s28+s24], $0x3E8, $0x38;
	[tilespmem:$0x16B60] =	vst v63  }
0x26: {  	_ =	swait.ge [sflag:s16], $0x3E8  }
0x27: {  	[sflag:s16] =	ssyncset.done $0x0  }
0x28: {  	s28 =	sadd.s32 s7, s26;
	[sflag:s16] =	ssyncadd.s32 $0xFFFFFC18  }
0x29: {  	[tilespmem:s18], [sflag:$0x3] =	stream.linear.gather [hbm4b:s28+s24], $0x3E8, $0x38;
	[tilespmem:$0x16B60] =	vst v63  }
0x2a: {  	_ =	swait.ge [sflag:s16], $0x3E8  }
0x2b: {  	[sflag:s16] =	ssyncset.done $0x0  }
0x2c: {  	[sflag:s16] =	ssyncadd.s32 $0xFFFFFC18  }
0x2d: {  	[tilespmem:s15], [sflag:$0x1] =	stream.indirect.gather [hbm4b:s4+s19], $0x20, s24, s19, $0xb8;
	[tilespmem:$0x16B60] =	vst v63  }
0x2e: {  	_ = 	snop  }
0x2f: {  	[tilespmem:s20], [sflag:$0x2] =	stream.indirect.gather [hbm4b:s8+s19], $0x1, s18, s19, $0xb8;
	[tilespmem:$0x16B60] =	vst v63  }
0x30: {  	_ =	swait.ge [sflag:s21], $0x3E8  }
0x31: {  	[sflag:s21] =	ssyncset.done $0x0  }
0x32: {  	s28 =	simm.s32 $0x0;
	[sflag:s21] =	ssyncadd.s32 $0xFFFFFC18  }
0x33: {  	v1 =	vld [tilespmem:s28+$0x11170];
	_ =	sdelay $0x4  }
0x34: {  	s29 =	simm.s32 $0x10;
	(erf) = vrcp.f32 v1  }
0x35: {  	v1 =	vld [tilespmem:s29+$0x11170];
	_ =	sdelay $0x2  }
0x36: {  	s30 =	simm.s32 $0x80  }
.LBB2_5:
0x37: {  	p1 =	sne.s32 s30, $0xF80  }
.Ltmp1:
0x38: {  	s31 =	sshra.s32 s30, $0x2;
	s30 =	sadd.s32 $0x40, s30;
	(erf) = vrcp.f32 v1;
	(pc) =	sbr.rel @p1 .LBB2_5-.Ltmp1, $3  }
0x39: {  	v1 =	vld [tilespmem:s31+$0x11170];
	_ =	sdelay $0x1  }
0x3a: {  	v2 =	vpop (erf)  }
0x3b: {  	[tilespmem:s28+$0x11950] =	vst v2;
	s28 =	smov.u32 s29;
	s29 =	smov.u32 s31  }
0x3c: {  	_ = 	snop  }
0x3d: {  	(erf) = vrcp.f32 v1;
	_ =	sdelay $0x7  }
0x3e: {  	v1 =	vpop (erf)  }
0x3f: {  	[tilespmem:s28+$0x11950] =	vst v1;
	v1 =	vpop (erf)  }
0x40: {  	s26 =	sadd.s32 s9, s26;
	s28 =	simm.s32 $0x0;
	[tilespmem:s29+$0x11950] =	vst v1  }
0x41: {  	[hbm4b:s26+s28] =	stream.linear.scatter [tilespmem:s22], [sflag:$0x3], $0x3E8, $0x38;
	[tilespmem:$0x16B60] =	vst v63  }
0x42: {  	_ =	swait.ge [sflag:s16], $0x3E8  }
0x43: {  	[sflag:s16] =	ssyncset.done $0x0  }
0x44: {  	[sflag:s16] =	ssyncadd.s32 $0xFFFFFC18  }
0x45: {  	_ =	swait.ge [sflag:s23], $0x7D00  }
0x46: {  	[sflag:s23] =	ssyncset.done $0x0  }
0x47: {  	s26 =	simm.s32 $0x1870;
	[sflag:s23] =	ssyncadd.s32 $0xFFFF8300  }
0x48: {  	v6 =	vld [tilespmem:s26+$0xFFFFFFA0]  }
0x49: {  	v4 =	vld [tilespmem:s26+$0xFFFFFFF0]  }
0x4a: {  	v1 =	vld [tilespmem:s26+$0xFFFFFF60]  }
0x4b: {  	v7 =	vld [tilespmem:s26+$0xFFFFFFD0]  }
0x4c: {  	v8 =	vld [tilespmem:s26+$0x80]  }
0x4d: {  	v11 =	vld [tilespmem:s26+$0xFFFFFF10]  }
0x4e: {  	v15 =	vld [tilespmem:s26+$0xE0]  }
0x4f: {  	v10 =	vld [tilespmem:s26+$0xFFFFFF40]  }
0x50: {  	s28 =	simm.s32 $0x0;
	v2 =	vld [tilespmem:s26+$0xFFFFFF90]  }
0x51: {  	v3 =	vld [tilespmem:s28+$0x11950]  }
0x52: {  	v9 =	vld [tilespmem:s26+$0xFFFFFFC0]  }
0x53: {  	v12 =	vld [tilespmem:s26+$0xFFFFFF00]  }
0x54: {  	v13 =	vld [tilespmem:s26+$0xD0]  }
0x55: {  	v22 =	vld [tilespmem:s26+$0xC0]  }
0x56: {  	v20 =	vld [tilespmem:s26+$0x90];
	v18 =	vbroadcast v3, $0x0;
	v5 =	vbroadcast v3, $0xF  }
0x57: {  	v21 =	vld [tilespmem:s26+$0xFFFFFF50];
	v19 =	vbroadcast v3, $0x2;
	v17 =	vbroadcast v3, $0xE  }
0x58: {  	v16 =	vld [tilespmem:s26+$0xB0];
	v14 =	vbroadcast v3, $0xC;
	v24 =	vmul.f32 v18, v12  }
0x59: {  	s29 =	simm.s32 $0x1870;
	s28 =	simm.s32 $0x40;
	v12 =	vbroadcast v3, $0xD;
	v23 =	vmul.f32 v10, v19;
	v10 =	vld [tilespmem:s26+$0x60]  }
.LBB2_7:
0x5a: {  	p1 =	sne.s32 s28, $0xF80  }
0x5b: {  	[tilespmem:s26+$0xFFFFFF00] =	vst v24;
	v24 =	vld [tilespmem:s26+$0xFFFFFFB0];
	v22 =	vmul.f32 v22, v17;
	v15 =	vmul.f32 v15, v5;
	s29 =	sadd.s32 $0x200, s29;
	s30 =	smov.u32 s28;
	s28 =	sadd.s32 $0x40, s28  }
0x5c: {  	[tilespmem:s26+$0xFFFFFF40] =	vst v23;
	v23 =	vbroadcast v3, $0xA;
	v20 =	vmul.f32 v20, v14;
	v25 =	vld [tilespmem:s26+$0xA0]  }
0x5d: {  	v11 =	vmul.f32 v11, v18;
	v18 =	vmul.f32 v21, v19;
	v19 =	vld [tilespmem:s26+$0x70];
	[tilespmem:s26+$0xE0] =	vst v15  }
0x5e: {  	v15 =	vbroadcast v3, $0x5;
	v21 =	vld [tilespmem:s26+$0xFFFFFFE0];
	v16 =	vmul.f32 v16, v12;
	[tilespmem:s26+$0xC0] =	vst v22  }
0x5f: {  	v13 =	vmul.f32 v13, v17;
	[tilespmem:s26+$0xFFFFFF10] =	vst v11;
	v11 =	vbroadcast v3, $0x6;
	v22 =	vld [tilespmem:s26+$0x40]  }
0x60: {  	v26 =	vbroadcast v3, $0xB;
	v6 =	vmul.f32 v6, v15;
	v17 =	vld [tilespmem:s26+$0xFFFFFF20];
	[tilespmem:s26+$0x90] =	vst v20  }
0x61: {  	v20 =	vbroadcast v3, $0x9;
	[tilespmem:s26+$0xFFFFFF50] =	vst v18;
	v18 =	vld [tilespmem:s26+$0x20];
	v12 =	vmul.f32 v25, v12  }
0x62: {  	v15 =	vmul.f32 v24, v15;
	v24 =	vld [tilespmem:s26+$0x50];
	v19 =	vmul.f32 v19, v26;
	[tilespmem:s26+$0xD0] =	vst v13  }
0x63: {  	v8 =	vmul.f32 v8, v14;
	v13 =	vbroadcast v3, $0x7;
	v25 =	vld [tilespmem:s26+$0x30];
	[tilespmem:s26+$0xA0] =	vst v12  }
0x64: {  	v9 =	vmul.f32 v9, v11;
	v12 =	vbroadcast v3, $0x3;
	v14 =	vld [tilespmem:s26+$0x0];
	[tilespmem:s26+$0x70] =	vst v19  }
0x65: {  	v10 =	vmul.f32 v10, v26;
	v7 =	vmul.f32 v7, v11;
	v11 =	vld [tilespmem:s26+$0x10];
	[tilespmem:s26+$0x80] =	vst v8  }
0x66: {  	v19 =	vbroadcast v3, $0x8;
	v22 =	vmul.f32 v22, v23;
	v8 =	vld [tilespmem:s26+$0xFFFFFF30];
	[tilespmem:s26+$0xB0] =	vst v16  }
0x67: {  	v16 =	vbroadcast v3, $0x1;
	v26 =	vld [tilespmem:s26+$0xFFFFFF70];
	[tilespmem:s26+$0xFFFFFFD0] =	vst v7;
	v23 =	vmul.f32 v24, v23  }
0x68: {  	v4 =	vmul.f32 v4, v13;
	v7 =	vmul.f32 v21, v13;
	[tilespmem:s26+$0xFFFFFFC0] =	vst v9;
	v9 =	vld [tilespmem:s26+$0xF0]  }
0x69: {  	v21 =	vmul.f32 v25, v20;
	v13 =	vld [tilespmem:s26+$0xFFFFFF80];
	[tilespmem:s26+$0xFFFFFFA0] =	vst v6;
	v14 =	vmul.f32 v14, v19  }
0x6a: {  	v6 =	vld [tilespmem:s29+$0xFFFFFFA0];
	[tilespmem:s26+$0xFFFFFFF0] =	vst v4;
	v19 =	vmul.f32 v11, v19;
	v11 =	vmul.f32 v18, v20  }
0x6b: {  	v4 =	vmul.f32 v17, v16;
	v16 =	vmul.f32 v8, v16;
	[tilespmem:s26+$0x60] =	vst v10  }
0x6c: {  	v1 =	vmul.f32 v1, v12;
	v8 =	vmul.f32 v26, v12;
	[tilespmem:s26+$0xFFFFFFB0] =	vst v15  }
0x6d: {  	v3 =	vbroadcast v3, $0x4;
	[tilespmem:s26+$0xFFFFFF20] =	vst v4;
	v4 =	vmul.f32 v9, v5  }
0x6e: {  	[tilespmem:s26+$0xFFFFFF60] =	vst v1  }
0x6f: {  	v5 =	vmul.f32 v13, v3;
	v1 =	vmul.f32 v2, v3;
	[tilespmem:s26+$0x40] =	vst v22  }
0x70: {  	[tilespmem:s26+$0xFFFFFFE0] =	vst v7  }
0x71: {  	[tilespmem:s26+$0xF0] =	vst v4  }
0x72: {  	[tilespmem:s26+$0xFFFFFF90] =	vst v1  }
0x73: {  	v4 =	vld [tilespmem:s29+$0xFFFFFFF0];
	[tilespmem:s26+$0xFFFFFF70] =	vst v8  }
0x74: {  	v1 =	vld [tilespmem:s29+$0xFFFFFF60];
	[tilespmem:s26+$0x20] =	vst v11  }
0x75: {  	v7 =	vld [tilespmem:s29+$0xFFFFFFD0];
	[tilespmem:s26+$0x30] =	vst v21  }
0x76: {  	v8 =	vld [tilespmem:s29+$0x80];
	[tilespmem:s26+$0xFFFFFF80] =	vst v5  }
0x77: {  	v11 =	vld [tilespmem:s29+$0xFFFFFF10];
	[tilespmem:s26+$0x50] =	vst v23  }
0x78: {  	v15 =	vld [tilespmem:s29+$0xE0];
	[tilespmem:s26+$0x0] =	vst v14  }
0x79: {  	v10 =	vld [tilespmem:s29+$0xFFFFFF40];
	[tilespmem:s26+$0xFFFFFF30] =	vst v16  }
0x7a: {  	s30 =	sshra.s32 s30, $0x2;
	v2 =	vld [tilespmem:s29+$0xFFFFFF90];
	[tilespmem:s26+$0x10] =	vst v19;
	s26 =	smov.u32 s29  }
0x7b: {  	v3 =	vld [tilespmem:s30+$0x11950]  }
0x7c: {  	v9 =	vld [tilespmem:s29+$0xFFFFFFC0]  }
0x7d: {  	v12 =	vld [tilespmem:s29+$0xFFFFFF00]  }
0x7e: {  	v13 =	vld [tilespmem:s29+$0xD0]  }
.Ltmp2:
0x7f: {  	v22 =	vld [tilespmem:s29+$0xC0];
	(pc) =	sbr.rel @p1 .LBB2_7-.Ltmp2, $4  }
0x80: {  	v18 =	vbroadcast v3, $0x0;
	v20 =	vld [tilespmem:s29+$0x90];
	v5 =	vbroadcast v3, $0xF  }
0x81: {  	v19 =	vbroadcast v3, $0x2;
	v17 =	vbroadcast v3, $0xE;
	v21 =	vld [tilespmem:s29+$0xFFFFFF50]  }
0x82: {  	v24 =	vmul.f32 v18, v12;
	v12 =	vbroadcast v3, $0xD;
	v16 =	vld [tilespmem:s29+$0xB0]  }
0x83: {  	v14 =	vbroadcast v3, $0xC;
	v23 =	vmul.f32 v10, v19;
	v10 =	vld [tilespmem:s29+$0x60]  }
0x84: {  	[tilespmem:s26+$0xFFFFFF00] =	vst v24;
	v15 =	vmul.f32 v15, v5  }
0x85: {  	v22 =	vmul.f32 v22, v17;
	[tilespmem:s26+$0xFFFFFF40] =	vst v23  }
0x86: {  	v11 =	vmul.f32 v11, v18;
	[tilespmem:s26+$0xE0] =	vst v15  }
0x87: {  	v35 =	vmul.f32 v13, v17;
	[tilespmem:s26+$0xC0] =	vst v22  }
0x88: {  	v33 =	vmul.f32 v20, v14;
	[tilespmem:s26+$0xFFFFFF10] =	vst v11  }
0x89: {  	v41 =	vbroadcast v3, $0x6;
	v8 =	vmul.f32 v8, v14;
	[tilespmem:s26+$0xD0] =	vst v35  }
0x8a: {  	v19 =	vmul.f32 v21, v19;
	[tilespmem:s26+$0x90] =	vst v33  }
0x8b: {  	v45 =	vbroadcast v3, $0x5;
	v7 =	vmul.f32 v7, v41;
	[tilespmem:s26+$0x80] =	vst v8  }
0x8c: {  	v47 =	vbroadcast v3, $0x7;
	v9 =	vmul.f32 v9, v41;
	[tilespmem:s26+$0xFFFFFF50] =	vst v19  }
0x8d: {  	v54 =	vbroadcast v3, $0x3;
	v6 =	vmul.f32 v6, v45;
	[tilespmem:s26+$0xFFFFFFD0] =	vst v7  }
0x8e: {  	v31 =	vld [tilespmem:s26+$0xA0];
	v59 =	vbroadcast v3, $0x4;
	v4 =	vmul.f32 v4, v47;
	[tilespmem:s26+$0xFFFFFFC0] =	vst v9  }
0x8f: {  	v32 =	vld [tilespmem:s26+$0x70];
	v1 =	vmul.f32 v1, v54;
	[tilespmem:s26+$0xFFFFFFA0] =	vst v6  }
0x90: {  	v34 =	vld [tilespmem:s26+$0xFFFFFFB0];
	v37 =	vbroadcast v3, $0xB;
	v2 =	vmul.f32 v2, v59;
	[tilespmem:s26+$0xFFFFFFF0] =	vst v4  }
0x91: {  	v36 =	vld [tilespmem:s26+$0xFFFFFF20];
	v43 =	vmul.f32 v16, v12;
	[tilespmem:s26+$0xFFFFFF60] =	vst v1  }
0x92: {  	v40 =	vld [tilespmem:s26+$0x40];
	v10 =	vmul.f32 v10, v37;
	[tilespmem:s26+$0xFFFFFF90] =	vst v2  }
0x93: {  	v38 =	vld [tilespmem:s26+$0xFFFFFFE0];
	v39 =	vmul.f32 v31, v12;
	[tilespmem:s26+$0xB0] =	vst v43  }
0x94: {  	v52 =	vbroadcast v3, $0x1;
	v55 =	vld [tilespmem:s26+$0xF0];
	v18 =	vmul.f32 v32, v37;
	[tilespmem:s26+$0x60] =	vst v10  }
0x95: {  	v49 =	vld [tilespmem:s26+$0xFFFFFF70];
	v56 =	vbroadcast v3, $0xA;
	v53 =	vmul.f32 v34, v45;
	[tilespmem:s26+$0xA0] =	vst v39  }
0x96: {  	v46 =	vld [tilespmem:s26+$0x30];
	v13 =	vmul.f32 v36, v52;
	[tilespmem:s26+$0x70] =	vst v18  }
0x97: {  	v50 =	vld [tilespmem:s26+$0xFFFFFF80];
	v58 =	vmul.f32 v40, v56;
	[tilespmem:s26+$0xFFFFFFB0] =	vst v53  }
0x98: {  	v44 =	vld [tilespmem:s26+$0x20];
	v8 =	vmul.f32 v38, v47;
	[tilespmem:s26+$0xFFFFFF20] =	vst v13  }
0x99: {  	v57 =	vld [tilespmem:s26+$0xFFFFFF30];
	v60 =	vbroadcast v3, $0x9;
	v1 =	vmul.f32 v55, v5;
	[tilespmem:s26+$0x40] =	vst v58  }
0x9a: {  	v42 =	vld [tilespmem:s26+$0x50];
	v61 =	vmul.f32 v49, v54;
	[tilespmem:s26+$0xFFFFFFE0] =	vst v8  }
0x9b: {  	v48 =	vld [tilespmem:s26+$0x0];
	v2 =	vmul.f32 v46, v60;
	[tilespmem:s26+$0xF0] =	vst v1  }
0x9c: {  	v51 =	vld [tilespmem:s26+$0x10];
	v62 =	vmul.f32 v50, v59;
	[tilespmem:s26+$0xFFFFFF70] =	vst v61  }
0x9d: {  	v1 =	vmul.f32 v44, v60;
	[tilespmem:s26+$0x30] =	vst v2  }
0x9e: {  	v3 =	vbroadcast v3, $0x8;
	v63 =	vmul.f32 v57, v52;
	[tilespmem:s26+$0xFFFFFF80] =	vst v62  }
0x9f: {  	[tilespmem:s26+$0x20] =	vst v1;
	v1 =	vmul.f32 v42, v56  }
0xa0: {  	v2 =	vmul.f32 v48, v3;
	[tilespmem:s26+$0xFFFFFF30] =	vst v63  }
0xa1: {  	s25 =	sadd.s32 $0x1, s25;
	[tilespmem:s26+$0x50] =	vst v1;
	v1 =	vmul.f32 v51, v3  }
0xa2: {  	p1 =	sne.s32 s25, $0x5;
	[tilespmem:s26+$0x0] =	vst v2  }
.Ltmp3:
0xa3: {  	[tilespmem:s26+$0x10] =	vst v1;
	(pc) =	sbr.rel @p1 .LBB2_4-.Ltmp3, $4  }
0xa4: {  	[spmem:s1] =	stream.indirect.scatter.add.f32 [tilespmem:s15], [sflag:$0x3], $0x20, s17, s19, $0xb8;
	[tilespmem:$0x16B60] =	vst v63  }
0xa5: {  	_ =	swait.ge [sflag:s16], $0x7D00  }
0xa6: {  	[sflag:s16] =	ssyncset.done $0x0  }
0xa7: {  	[sflag:s16] =	ssyncadd.s32 $0xFFFF8300  }
0xa8: {  	[bflag:$0x0] =	sbarrier.arrive $0xFFFF;
	s24 =	simm.s32 @!p0 $0x1770;
	s25 =	simm.s32 @!p0 $0x3  }
0xa9: {  	[tilespmem:s24], [sflag:$0x3] =	stream.linear.gather @!p0 [spmem:s12], $0x7D00, $0x38;
	[tilespmem:$0x16B60] =	vst v63  }
0xaa: {  	s2 =	sadd.s32 $0x1, s2;
	_ =	swait.ge @!p0 [sflag:s25], $0x7D00  }
0xab: {  	p1 =	sne.s32 s2, s14;
	[sflag:s25] =	ssyncset.done @!p0 $0x0  }
.Ltmp4:
0xac: {  	s26 =	simm.s32 @!p0 $0x0;
	[sflag:s25] =	ssyncadd.s32 @!p0 $0xFFFF8300;
	(pc) =	sbr.rel @p1 .LBB2_1-.Ltmp4, $4  }
0xad: {  	[hbm4b:s13+s26] =	stream.linear.scatter @!p0 [tilespmem:s24], [sflag:$0x3], $0x7D00, $0x38;
	[tilespmem:$0x16B60] =	vst v63  }
0xae: {  	_ =	swait.ge @!p0 [sflag:s25], $0x7D00  }
0xaf: {  	[sflag:s25] =	ssyncset.done @!p0 $0x0  }
0xb0: {  	[sflag:s25] =	ssyncadd.s32 @!p0 $0xFFFF8300  }
0xb1: {  	_ =	sfence.sel $0x180000  }
0xb2: {  	[bflag:$0x0] =	sbarrier.arrive $0xFFFF  }
0xb3: {  	p0 =	sne.s32 s3, $0x0;
	_ =	strace $0x9000004A  }
0xb4: {  	s0 =	sadd.s32 @!p0 $0x100000, s0;
	[bflag:$0x2] =	sbarrier.arrive $0xFFFF  }
0xb5: {  	[sflag:s0] =	ssyncadd.tile.s32 @!p0 $0x1;
	_ =	shalt  }
.Lfunc_end2:
_tile_overlayer_lowered:
.L_overlay_start_2:
0xb6: {  	(tag) =	ssettag $0x2  }
0xb7: {  	s0 =	rddreg [dreg:$0x0];
	s2 =	stileid.u32  }
0xb8: {  	s1 =	rddreg [dreg:$0x1];
	p0 =	sne.s32 s2, $0x0  }
0xb9: {  	s3 =	rddreg [dreg:$0x2];
	[bflag:$0x3] =	sbarrier.arrive $0xFFFF;
	s2 =	simm.s32 @!p0 $0x1C03  }
0xba: {  	[timem:s3], [sflag:s2] =	dma.local @!p0 [hbm:s0], s1  }
0xbb: {  	s0 =	simm.s32 @!p0 $0x3  }
0xbc: {  	_ =	swait.ge @!p0 [sflag:s0], s1  }
0xbd: {  	s1 =	ssub.s32 @!p0 $0x0, s1;
	[sflag:s0] =	ssyncset.done @!p0 $0x0  }
0xbe: {  	[sflag:s0] =	ssyncadd.s32 @!p0 s1  }
0xbf: {  	[bflag:$0x3] =	sbarrier.arrive $0xFFFF  }
0xc0: {  	_ =	shalt  }

// kernel: kernel.15.cloned.1.call-start
scs
__scs_entry_jumppad:
0x0: {  	(pc) =	sbr.rel $0x88, $3  }
0x1: {  	(tag) =	ssettag $0x0;
	lr =	simm.s32 $0x1  }
0x2: {  	[smem:$0x3F98] =	sst lr;
	_ =	strace $0xD0000000  }
0x3: {  	_ = 	snop  }
0x4: {  	_ = 	snop  }
0x5: {  	_ = 	snop  }
0x6: {  	_ = 	snop  }
0x7: {  	_ = 	snop  }
__scs_overlays_trampoline_lowered:
0x8: {  	[smem:$0x3FA7] =	sst s0  }
0x9: {  	[smem:$0x3FA8] =	sst s1  }
0xa: {  	[smem:$0x3FA9] =	sst s2  }
0xb: {  	[smem:$0x3FAA] =	sst s3  }
0xc: {  	[smem:$0x3FAB] =	sst s4  }
0xd: {  	[smem:$0x3FAC] =	sst s5  }
0xe: {  	[smem:$0x3FAD] =	sst s6  }
0xf: {  	[smem:$0x3FAE] =	sst s7  }
0x10: {  	[smem:$0x3FAF] =	sst s8  }
0x11: {  	[smem:$0x3FB0] =	sst s9;
	s0 =	simm.s32 @!p0 $0x0  }
0x12: {  	s1 =	sld [smem:$0x3F96];
	s0 =	simm.s32 @p0 $0x1  }
0x13: {  	[smem:$0x3FB1] =	sst s0;
	s0 =	simm.s32 @!p1 $0x0  }
0x14: {  	s2 =	sld [smem:$0x3F95];
	s0 =	simm.s32 @p1 $0x1  }
0x15: {  	[smem:$0x3FB2] =	sst s0;
	s0 =	simm.s32 @!p2 $0x0  }
0x16: {  	s3 =	sld [smem:$0x3FDB];
	s0 =	simm.s32 @p2 $0x1  }
0x17: {  	s4 =	simm.s32 $0x1BF5;
	[smem:$0x3FB4] =	sst s0  }
0x18: {  	s0 =	sld [smem:$0x3F97];
	_ =	swait.ge [sflag:s4], $0x0  }
0x19: {  	s7 =	sld [smem:$0x3F98]  }
0x1a: {  	s8 =	sadd.s32 $0xFFFFE003, lr  }
0x1b: {  	s9 =	sadd.s32 $0xFFFFFEF7, lr;
	s5 =	simm.s32 $0xFFFFFFFF;
	p2 =	slt.u32 s8, $0xFFFFF086  }
0x1c: {  	p1 =	slt.u32 s9, $0xF7A;
	s5 =	simm.s32 @!p2 $0x0  }
0x1d: {  	s5 =	simm.s32 @p1 $0x1;
	p0 =	seq.s32 s7, s2  }
0x1e: {  	s7 =	smul.u32 @!p0 $0xF7A, s2;
	p2 =	seq.s32 @!p0 s5, $0x0  }
0x1f: {  	s9 =	smul.u32 $0xF7A, s1;
	s8 =	simm.s32 @!p0 $0x1BF5;
	p2 =	por !p2, p0  }
0x20: {  	[sflag:s8] =	ssyncset.s32 @!p0 $0xFFFFF086;
	s6 =	sadd.s32 @!p0 s3, s7;
	s7 =	simm.s32 @!p0 $0x108  }
0x21: {  	s3 =	sadd.s32 s3, s9;
	s6 =	sadd.s32 @!p0 $0x88, s6;
	s7 =	simm.s32 @p2 $0x1082  }
0x22: {  	[simem:s7], [sflag:s8] =	dma.local @!p0 [hbm:s6], $0xF7A  }
0x23: {  	s9 =	sor.u32 $0xD0000000, s2;
	s6 =	simm.s32 $0x108;
	_ =	swait.ge @!p0 [sflag:s8], $0x0  }
0x24: {  	s3 =	sadd.s32 $0x88, s3;
	s6 =	simm.s32 @!p1 $0x1082;
	[sflag:s4] =	ssyncset.s32 $0xFFFFF086  }
0x25: {  	[simem:s6], [sflag:s4] =	dma.local [hbm:s3], $0xF7A  }
0x26: {  	[smem:$0x3F98] =	sst s1;
	(tag) =	ssettag s2;
	_ =	strace s9  }
0x27: {  	s1 =	sld [smem:$0x3FA8]  }
0x28: {  	s2 =	sld [smem:$0x3FA9]  }
0x29: {  	s4 =	sld [smem:$0x3FAB]  }
0x2a: {  	p0 =	seq.s32 s5, $0x0;
	s5 =	sld [smem:$0x3FAC]  }
0x2b: {  	s6 =	sld [smem:$0x3FAD]  }
0x2c: {  	s7 =	sld [smem:$0x3FAE]  }
0x2d: {  	s3 =	simm.s32 $0x108;
	s8 =	sld [smem:$0x3FAF]  }
0x2e: {  	s3 =	simm.s32 @!p0 $0x1082;
	s9 =	sld [smem:$0x3FB0]  }
0x2f: {  	lr =	sadd.s32 s0, s3;
	s0 =	sld [smem:$0x3FA7]  }
0x30: {  	s3 =	sld [smem:$0x3FAA]  }
0x31: {  	[smem:$0x3FB3] =	sst s10  }
0x32: {  	s10 =	sld [smem:$0x3FB1];
	_ =	sdelay $0x3  }
0x33: {  	p0 =	seq.s32 s10, $0x1;
	s10 =	sld [smem:$0x3FB3];
	_ =	sdelay $0x3  }
0x34: {  	[smem:$0x3FB3] =	sst s10  }
0x35: {  	s10 =	sld [smem:$0x3FB2];
	_ =	sdelay $0x3  }
0x36: {  	p1 =	seq.s32 s10, $0x1;
	s10 =	sld [smem:$0x3FB3];
	_ =	sdelay $0x3  }
0x37: {  	[smem:$0x3FB3] =	sst s10  }
0x38: {  	s10 =	sld [smem:$0x3FB4]  }
0x39: {  	_ = 	snop;
	(pc) =	sbr.ind lr, $3  }
0x3a: {  	_ = 	snop  }
0x3b: {  	_ = 	snop  }
0x3c: {  	p2 =	seq.s32 s10, $0x1;
	s10 =	sld [smem:$0x3FB3]  }
0x3d: {  	_ =	shalt  }
0x3e: {  	_ =	shalt  }
0x3f: {  	_ =	shalt  }
0x40: {  	_ =	shalt  }
0x41: {  	_ =	shalt  }
0x42: {  	_ =	shalt  }
0x43: {  	_ =	shalt  }
0x44: {  	_ =	shalt  }
0x45: {  	_ =	shalt  }
0x46: {  	_ =	shalt  }
0x47: {  	_ =	shalt  }
0x48: {  	_ =	shalt  }
0x49: {  	_ =	shalt  }
0x4a: {  	_ =	shalt  }
0x4b: {  	_ =	shalt  }
0x4c: {  	_ =	shalt  }
0x4d: {  	_ =	shalt  }
0x4e: {  	_ =	shalt  }
0x4f: {  	_ =	shalt  }
0x50: {  	_ =	shalt  }
0x51: {  	_ =	shalt  }
0x52: {  	_ =	shalt  }
0x53: {  	_ =	shalt  }
0x54: {  	_ =	shalt  }
0x55: {  	_ =	shalt  }
0x56: {  	_ =	shalt  }
0x57: {  	_ =	shalt  }
0x58: {  	_ =	shalt  }
0x59: {  	_ =	shalt  }
0x5a: {  	_ =	shalt  }
0x5b: {  	_ =	shalt  }
0x5c: {  	_ =	shalt  }
0x5d: {  	_ =	shalt  }
0x5e: {  	_ =	shalt  }
0x5f: {  	_ =	shalt  }
0x60: {  	_ =	shalt  }
0x61: {  	_ =	shalt  }
0x62: {  	_ =	shalt  }
0x63: {  	_ =	shalt  }
0x64: {  	_ =	shalt  }
0x65: {  	_ =	shalt  }
0x66: {  	_ =	shalt  }
0x67: {  	_ =	shalt  }
0x68: {  	_ =	shalt  }
0x69: {  	_ =	shalt  }
0x6a: {  	_ =	shalt  }
0x6b: {  	_ =	shalt  }
0x6c: {  	_ =	shalt  }
0x6d: {  	_ =	shalt  }
0x6e: {  	_ =	shalt  }
0x6f: {  	_ =	shalt  }
0x70: {  	_ =	shalt  }
0x71: {  	_ =	shalt  }
0x72: {  	_ =	shalt  }
0x73: {  	_ =	shalt  }
0x74: {  	_ =	shalt  }
0x75: {  	_ =	shalt  }
0x76: {  	_ =	shalt  }
0x77: {  	_ =	shalt  }
0x78: {  	_ =	shalt  }
0x79: {  	_ =	shalt  }
0x7a: {  	_ =	shalt  }
0x7b: {  	_ =	shalt  }
0x7c: {  	_ =	shalt  }
0x7d: {  	_ =	shalt  }
0x7e: {  	_ =	shalt  }
0x7f: {  	_ =	shalt  }
0x80: {  	_ =	shalt  }
0x81: {  	_ =	shalt  }
0x82: {  	_ =	shalt  }
0x83: {  	_ =	shalt  }
0x84: {  	_ =	shalt  }
0x85: {  	_ =	shalt  }
0x86: {  	_ =	shalt  }
0x87: {  	_ =	shalt  }
.Lfunc_end0:
.L_simem_size_0:
called_computation.2_lowered:
.L_overlay_start_0:
0x88: {  	s2 =	sld [smem:$0x3FD9]  }
0x89: {  	s3 =	sld [smem:$0x3FFE];
	_ =	sdelay $0x1  }
0x8a: {  	s1 =	srdreg.scid  }
0x8b: {  	s0 =	sand.u32 $0x1, s1  }
0x8c: {  	s17 =	sshll.u32 s0, $0xA;
	s2 =	sadd.s32 s3, s2  }
0x8d: {  	s2 =	sadd.s32 s2, s17  }
0x8e: {  	[smem:$0x3FBF] =	sst s2  }
0x8f: {  	_ = 	snop  }
0x90: {  	s2 =	sld [smem:$0x3FD0];
	(tm) =	ssettm $0x1  }
0x91: {  	s18 =	sld [smem:$0x3FFB];
	_ =	sdelay $0x3  }
0x92: {  	_ =	strace s18  }
0x93: {  	s3 =	sld [smem:$0x3FFC];
	_ =	sdelay $0x3  }
0x94: {  	_ =	strace s3  }
0x95: {  	s3 =	sld [smem:$0x3FFD];
	_ =	sdelay $0x3  }
0x96: {  	_ =	strace s3  }
0x97: {  	_ =	strace $0x8FFFFFFF  }
0x98: {  	s19 =	sld [smem:$0x3FDB];
	_ =	sdelay $0x1  }
0x99: {  	s4 =	simm.s32 $_scs_section_size  }
0x9a: {  	s5 =	simm.s32 $_size__tile_overlayer_lowered;
	s6 =	simm.s32 $_tile_overlayer_lowered  }
0x9b: {  	s22 =	simm.s32 $0x1BFF;
	s21 =	sshll.u32 s6, $0x1;
	s3 =	sadd.s32 s4, s19  }
0x9c: {  	s7 =	simm.s32 $0x0;
	s20 =	sshll.u32 s5, $0x1;
	s5 =	sadd.s32 s21, s3  }
0x9d: {  	[timem:s7], [sflag:s22] =	dma.local [hbm:s5], s20  }
0x9e: {  	_ =	swait.ge [sflag:s22], s20  }
0x9f: {  	s4 =	ssub.s32 $0x0, s20;
	[sflag:s22] =	ssyncset.done $0x0  }
0xa0: {  	[sflag:s22] =	ssyncadd.s32 s4;
	_ =	sdelay $0x1  }
0xa1: {  	s23 =	simm.s32 $0x1B8B  }
0xa2: {  	_ =	swait.ge [sflag:s23], $0x1  }
0xa3: {  	[sflag:s23] =	ssyncset.done $0x0  }
0xa4: {  	s25 =	simm.s32 $0x1B8E;
	s24 =	sld [smem:$0x3FFE];
	[sflag:s23] =	ssyncadd.s32 $0xFFFFFFFF  }
0xa5: {  	s26 =	simm.s32 $execute0_lowered;
	[smem:$0x3FD2] =	sst s25  }
0xa6: {  	s5 =	sshll.u32 s26, $0x1;
	_ =	strace $0x8000004C;
	[dreg:$0x1] =	wrdreg $0xFFFFFFFF  }
0xa7: {  	s28 =	simm.s32 $_size_execute0_lowered;
	s3 =	sadd.s32 s3, s5;
	[dreg:$0x0] =	wrdreg $0x0  }
0xa8: {  	s5 =	sshll.u32 s28, $0x1;
	[dreg:$0x2] =	wrdreg s3  }
0xa9: {  	[dreg:$0x3] =	wrdreg s5  }
0xaa: {  	[dreg:$0x4] =	wrdreg $0xC0  }
0xab: {  	_ =	task [dreg:s7], $0x5FFFF  }
0xac: {  	[dreg:$0x1] =	wrdreg $0xFFFFFFFF  }
0xad: {  	[dreg:$0x0] =	wrdreg $0x60  }
0xae: {  	[dreg:$0x2] =	wrdreg s24  }
0xaf: {  	[dreg:$0x3] =	wrdreg s2  }
0xb0: {  	[dreg:$0x4] =	wrdreg $0x94800  }
0xb1: {  	[dreg:$0x5] =	wrdreg $0x9  }
0xb2: {  	_ =	task.clear_ibuf [dreg:s7], $0x6FFFF;
	_ =	strace $0x9000004C  }
0xb3: {  	s29 =	simm.s32 $0x9;
	_ =	strace $0x8000004E  }
0xb4: {  	_ =	swait.ge [sflag:s29], $0x1  }
0xb5: {  	[sflag:s29] =	ssyncadd.s32 $0xFFFFFFFF  }
0xb6: {  	_ =	strace $0x9000004E  }
0xb7: {  	_ =	sfence  }
0xb8: {  	s30 =	sld [smem:$0x0];
	_ =	sdelay $0x2  }
0xb9: {  	s31 =	sshll.u32 s1, $0xD;
	s1 =	sshrl.u32 s1, $0x2  }
0xba: {  	s3 =	sand.u32 $0x4000, s31;
	s1 =	sadd.s32 s1, s30  }
0xbb: {  	s0 =	sor.u32 s3, s0;
	s1 =	sshll.u32 s1, $0x11  }
0xbc: {  	s0 =	sor.u32 s1, s0  }
0xbd: {  	s0 =	sadd.s32 $0x8F2B, s0  }
0xbe: {  	[sflag:s0] =	ssyncadd.remote.s32 $0x1  }
0xbf: {  	_ =	sfence.sel $0xFFFF  }
0xc0: {  	[dreg:$0x0] =	wrdreg $0xFFFFFFFF;
	(pc) =	sbr.abs _section_cstart, $3  }
0xc1: {  	[dreg:$0x1] =	wrdreg $0xFFFFFFFF  }
0xc2: {  	_ =	task.clear_ibuf [dreg:s7], $0x2FFFF;
	_ =	strace $0x9FFFFFFF  }
0xc3: {  	(tm) =	ssettm $0x7FFFFFFF  }
tec
execute0_lowered:
.L_overlay_start_1:
0x0: {  	(tag) =	ssettag $0x1  }
0x1: {  	s8 =	rddreg [dreg:$0x0]  }
0x2: {  	s1 =	rddreg [dreg:$0x1]  }
0x3: {  	s2 =	rddreg [dreg:$0x2]  }
0x4: {  	s0 =	rddreg [dreg:$0x3];
	s3 =	simm.s32 $0x0  }
0x5: {  	s4 =	srdreg.scid;
	s16 =	simm.s32 $0xFA0;
	s17 =	simm.s32 $0x3E8  }
0x6: {  	s18 =	simm.s32 $0x1;
	[smem:$0x7FF] =	sst s3;
	s9 =	sand.u32 $0x1, s4  }
0x7: {  	s4 =	stileid.u32;
	s5 =	sadd.s32 $0x7600, s8;
	s10 =	smul.u32 $0x4E20, s9  }
0x8: {  	s6 =	sadd.s32 $0x2600, s8;
	s7 =	sadd.s32 $0x75A00, s8;
	s11 =	smul.u32 $0x7D0, s4  }
0x9: {  	_ =	strace $0x8000004D;
	s12 =	ssub.s32 $0x2, s9;
	s13 =	smul.u32 $0x9C40, s4  }
0xa: {  	s14 =	smul.u32 $0xFA00, s4;
	s29 =	sshll.u32 s4, $0x1;
	p0 =	sgt.u32 s4, $0x9  }
0xb: {  	s28 =	sshrl.u32 s12, $0x1;
	s9 =	sor.u32 s9, s29;
	s10 =	sadd.s32 s11, s10  }
0xc: {  	s12 =	ssub.s32 s12, s28;
	s30 =	sshrl.u32 s13, $0x2;
	s31 =	sshrl.u32 s14, $0x2  }
0xd: {  	s9 =	smul.u32 $0x1388, s9;
	s13 =	simm.s32 $0x1780;
	s14 =	simm.s32 $0x2  }
0xe: {  	s15 =	sadd.s32 s10, s8;
	s8 =	sadd.s32 s30, s2;
	s10 =	sadd.s32 s31, s2  }
0xf: {  	v0 =	vimm.f32 $0.0e+00;
	s12 =	smax.u32 s12, $0x1;
	s11 =	sadd.s32 $0x2E800, s15;
	s15 =	simm.s32 $0x7D0  }
.LBB2_1:
0x10: {  	s19 =	simm.s32 $0x40;
	s20 =	simm.s32 $0x0  }
.LBB2_2:
0x11: {  	p1 =	sne.s32 s19, $0x9C00;
	[tilespmem:s20+$0x1780] =	vst v0;
	s20 =	smov.u32 s19;
	s19 =	sadd.s32 $0x40, s19  }
.Ltmp0:
0x12: {  	(pc) =	sbr.rel @p1 .LBB2_2-.Ltmp0, $2  }
0x13: {  	_ =	sdelay $0x2  }
0x14: {  	s20 =	sshra.s32 s20, $0x2  }
0x15: {  	[tilespmem:s20+$0x1780] =	vst v0  }
0x16: {  	[spmem:s8] =	stream.linear.scatter [tilespmem:s13], [sflag:$0x2], $0x2710, $0x38;
	[tilespmem:$0xBB90] =	vst v63  }
0x17: {  	_ =	swait.ge [sflag:s14], $0x2710  }
0x18: {  	[sflag:s14] =	ssyncset.done $0x0  }
0x19: {  	[sflag:s14] =	ssyncadd.s32 $0xFFFFD8F0  }
0x1a: {  	s19 =	simm.s32 $0x0;
	s20 =	simm.s32 $0x0;
	[bflag:$0x0] =	sbarrier.arrive $0xFFFF  }
.LBB2_4:
0x1b: {  	s21 =	smul.u32 $0x3E8, s20;
	_ =	sdelay $0x1  }
0x1c: {  	s21 =	sadd.s32 s9, s21  }
0x1d: {  	s21 =	sshrl.u32 s21, $0x3  }
0x1e: {  	s22 =	sadd.s32 s1, s21  }
0x1f: {  	[tilespmem:s19], [sflag:$0x2] =	stream.linear.gather [hbm4b:s22+s19], $0x3E8, $0x38;
	[tilespmem:$0xBB90] =	vst v63  }
0x20: {  	_ =	swait.ge [sflag:s14], $0x3E8  }
0x21: {  	[sflag:s14] =	ssyncset.done $0x0  }
0x22: {  	s31 =	sadd.s32 s6, s21;
	[sflag:s14] =	ssyncadd.s32 $0xFFFFFC18  }
0x23: {  	[tilespmem:s15], [sflag:$0x2] =	stream.linear.gather [hbm4b:s31+s19], $0x3E8, $0x38;
	[tilespmem:$0xBB90] =	vst v63  }
0x24: {  	_ =	swait.ge [sflag:s14], $0x3E8  }
0x25: {  	[sflag:s14] =	ssyncset.done $0x0  }
0x26: {  	s21 =	sadd.s32 s7, s21;
	[sflag:s14] =	ssyncadd.s32 $0xFFFFFC18  }
0x27: {  	[tilespmem:s16], [sflag:$0x2] =	stream.linear.gather [hbm4b:s21+s19], $0x3E8, $0x38;
	[tilespmem:$0xBB90] =	vst v63  }
0x28: {  	_ =	swait.ge [sflag:s14], $0x3E8  }
0x29: {  	[sflag:s14] =	ssyncset.done $0x0  }
0x2a: {  	[sflag:s14] =	ssyncadd.s32 $0xFFFFFC18  }
0x2b: {  	[tilespmem:s13], [sflag:$0x1] =	stream.indirect.gather [hbm4b:s5+s17], $0x10, s19, s17, $0xb8;
	[tilespmem:$0xBB90] =	vst v63  }
0x2c: {  	_ =	swait.ge [sflag:s18], $0x3E80  }
0x2d: {  	[sflag:s18] =	ssyncset.done $0x0  }
0x2e: {  	s21 =	simm.s32 $0x1800;
	[sflag:s18] =	ssyncadd.s32 $0xFFFFC180  }
0x2f: {  	s24 =	simm.s32 $0x0;
	s23 =	simm.s32 $0x40;
	s22 =	simm.s32 $0x1800;
	v1 =	vld [tilespmem:s21+$0xFFFFFFB0]  }
.LBB2_5:
0x30: {  	p1 =	sne.s32 s23, $0xF80;
	v2 =	vld [tilespmem:s24+$0xFA0]  }
0x31: {  	v3 =	vld [tilespmem:s21+$0xFFFFFF90]  }
0x32: {  	v4 =	vld [tilespmem:s21+$0xFFFFFF80]  }
0x33: {  	v5 =	vld [tilespmem:s21+$0xFFFFFFA0]  }
0x34: {  	v6 =	vld [tilespmem:s21+$0xFFFFFFF0]  }
0x35: {  	v7 =	vbroadcast v2, $0x0;
	v8 =	vbroadcast v2, $0x1;
	v9 =	vld [tilespmem:s21+$0xFFFFFFD0]  }
0x36: {  	v10 =	vbroadcast v2, $0x2;
	v11 =	vbroadcast v2, $0x3;
	v12 =	vld [tilespmem:s21+$0xFFFFFFC0]  }
0x37: {  	v4 =	vmul.f32 v7, v4;
	v3 =	vmul.f32 v3, v8;
	v7 =	vld [tilespmem:s21+$0xFFFFFFE0]  }
0x38: {  	v1 =	vmul.f32 v1, v11;
	v5 =	vmul.f32 v5, v10;
	v8 =	vld [tilespmem:s21+$0x30]  }
0x39: {  	v10 =	vbroadcast v2, $0x5;
	[tilespmem:s21+$0xFFFFFF80] =	vst v4;
	v4 =	vbroadcast v2, $0x4;
	v11 =	vld [tilespmem:s21+$0x10]  }
0x3a: {  	v13 =	vbroadcast v2, $0x7;
	[tilespmem:s21+$0xFFFFFF90] =	vst v3;
	v3 =	vbroadcast v2, $0x6;
	v14 =	vld [tilespmem:s21+$0x0]  }
0x3b: {  	[tilespmem:s21+$0xFFFFFFA0] =	vst v5;
	v4 =	vmul.f32 v12, v4;
	v5 =	vmul.f32 v9, v10;
	v9 =	vld [tilespmem:s21+$0x20]  }
0x3c: {  	[tilespmem:s21+$0xFFFFFFB0] =	vst v1;
	v1 =	vmul.f32 v7, v3;
	v3 =	vmul.f32 v6, v13;
	v6 =	vld [tilespmem:s21+$0x70]  }
0x3d: {  	v7 =	vbroadcast v2, $0x9;
	[tilespmem:s21+$0xFFFFFFC0] =	vst v4;
	v4 =	vbroadcast v2, $0x8;
	v10 =	vld [tilespmem:s21+$0x50]  }
0x3e: {  	v12 =	vbroadcast v2, $0xB;
	[tilespmem:s21+$0xFFFFFFD0] =	vst v5;
	v5 =	vbroadcast v2, $0xA;
	v13 =	vld [tilespmem:s21+$0x40]  }
0x3f: {  	[tilespmem:s21+$0xFFFFFFE0] =	vst v1;
	v1 =	vmul.f32 v14, v4;
	v4 =	vmul.f32 v11, v7;
	v7 =	vld [tilespmem:s21+$0x60]  }
0x40: {  	[tilespmem:s21+$0xFFFFFFF0] =	vst v3;
	v3 =	vmul.f32 v9, v5;
	v5 =	vmul.f32 v8, v12  }
0x41: {  	v8 =	vbroadcast v2, $0xD;
	[tilespmem:s21+$0x0] =	vst v1;
	v1 =	vbroadcast v2, $0xC  }
0x42: {  	[tilespmem:s21+$0x10] =	vst v4;
	v4 =	vbroadcast v2, $0xE;
	v2 =	vbroadcast v2, $0xF  }
0x43: {  	[tilespmem:s21+$0x20] =	vst v3;
	v1 =	vmul.f32 v13, v1;
	v3 =	vmul.f32 v10, v8  }
.Ltmp1:
0x44: {  	[tilespmem:s21+$0x30] =	vst v5;
	v4 =	vmul.f32 v7, v4;
	v2 =	vmul.f32 v6, v2;
	(pc) =	sbr.rel @p1 .LBB2_5-.Ltmp1, $4  }
0x45: {  	[tilespmem:s21+$0x40] =	vst v1  }
0x46: {  	[tilespmem:s21+$0x50] =	vst v3  }
0x47: {  	s21 =	sadd.s32 $0x100, s21;
	[tilespmem:s22+$0x60] =	vst v4  }
0x48: {  	s24 =	sshra.s32 s23, $0x2;
	s23 =	sadd.s32 $0x40, s23;
	v1 =	vld [tilespmem:s21+$0xFFFFFFB0];
	[tilespmem:s22+$0x70] =	vst v2;
	s22 =	smov.u32 s21  }
0x49: {  	v2 =	vld [tilespmem:s24+$0xFA0];
	_ =	sdelay $0x1  }
0x4a: {  	v3 =	vld [tilespmem:s21+$0xFFFFFF80]  }
0x4b: {  	v4 =	vld [tilespmem:s21+$0xFFFFFF90]  }
0x4c: {  	v5 =	vld [tilespmem:s21+$0xFFFFFFA0]  }
0x4d: {  	v6 =	vbroadcast v2, $0x0  }
0x4e: {  	v9 =	vld [tilespmem:s21+$0xFFFFFFD0];
	v7 =	vbroadcast v2, $0x1  }
0x4f: {  	v8 =	vld [tilespmem:s21+$0xFFFFFFC0];
	v10 =	vbroadcast v2, $0x2;
	v3 =	vmul.f32 v6, v3  }
0x50: {  	v48 =	vld [tilespmem:s21+$0xFFFFFFE0];
	v47 =	vbroadcast v2, $0x3;
	v4 =	vmul.f32 v4, v7  }
0x51: {  	v51 =	vld [tilespmem:s21+$0x10];
	v49 =	vbroadcast v2, $0x5;
	v5 =	vmul.f32 v5, v10;
	[tilespmem:s21+$0xFFFFFF80] =	vst v3  }
0x52: {  	v11 =	vld [tilespmem:s21+$0xFFFFFFF0];
	v1 =	vmul.f32 v1, v47;
	v3 =	vbroadcast v2, $0x4;
	[tilespmem:s21+$0xFFFFFF90] =	vst v4  }
0x53: {  	v50 =	vld [tilespmem:s21+$0x0];
	v12 =	vbroadcast v2, $0x6;
	v6 =	vmul.f32 v9, v49;
	[tilespmem:s21+$0xFFFFFFA0] =	vst v5  }
0x54: {  	v56 =	vld [tilespmem:s21+$0x50];
	v54 =	vbroadcast v2, $0x9;
	[tilespmem:s21+$0xFFFFFFB0] =	vst v1;
	v3 =	vmul.f32 v8, v3  }
0x55: {  	v53 =	vld [tilespmem:s21+$0x20];
	v52 =	vbroadcast v2, $0x7;
	v7 =	vmul.f32 v48, v12;
	[tilespmem:s21+$0xFFFFFFD0] =	vst v6  }
0x56: {  	v59 =	vmul.f32 v51, v54;
	v1 =	vld [tilespmem:s21+$0x30];
	[tilespmem:s21+$0xFFFFFFC0] =	vst v3;
	v3 =	vbroadcast v2, $0x8  }
0x57: {  	v55 =	vld [tilespmem:s21+$0x40];
	v62 =	vbroadcast v2, $0xD;
	v5 =	vmul.f32 v11, v52;
	[tilespmem:s21+$0xFFFFFFE0] =	vst v7  }
0x58: {  	v60 =	vld [tilespmem:s21+$0x60];
	v57 =	vbroadcast v2, $0xA;
	[tilespmem:s21+$0x10] =	vst v59;
	v3 =	vmul.f32 v50, v3  }
0x59: {  	v61 =	vld [tilespmem:s21+$0x70];
	v58 =	vbroadcast v2, $0xB;
	v4 =	vmul.f32 v56, v62;
	[tilespmem:s21+$0xFFFFFFF0] =	vst v5  }
0x5a: {  	v8 =	vmul.f32 v53, v57;
	[tilespmem:s21+$0x0] =	vst v3;
	v3 =	vbroadcast v2, $0xC  }
0x5b: {  	v63 =	vbroadcast v2, $0xE;
	[tilespmem:s21+$0x50] =	vst v4;
	v1 =	vmul.f32 v1, v58  }
0x5c: {  	[tilespmem:s21+$0x20] =	vst v8;
	v2 =	vbroadcast v2, $0xF;
	v3 =	vmul.f32 v55, v3  }
0x5d: {  	[tilespmem:s21+$0x30] =	vst v1;
	v1 =	vmul.f32 v60, v63  }
0x5e: {  	s20 =	sadd.s32 $0x1, s20;
	v2 =	vmul.f32 v61, v2;
	[tilespmem:s21+$0x40] =	vst v3  }
0x5f: {  	p1 =	sne.s32 s20, $0x5;
	[tilespmem:s22+$0x60] =	vst v1  }
.Ltmp2:
0x60: {  	[tilespmem:s22+$0x70] =	vst v2;
	(pc) =	sbr.rel @p1 .LBB2_4-.Ltmp2, $4  }
0x61: {  	[spmem:s2] =	stream.indirect.scatter.add.f32 [tilespmem:s13], [sflag:$0x2], $0x10, s15, s17, $0xb8;
	[tilespmem:$0xBB90] =	vst v63  }
0x62: {  	_ =	swait.ge [sflag:s14], $0x3E80  }
0x63: {  	[sflag:s14] =	ssyncset.done $0x0  }
0x64: {  	[sflag:s14] =	ssyncadd.s32 $0xFFFFC180  }
0x65: {  	[bflag:$0x0] =	sbarrier.arrive $0xFFFF;
	s19 =	simm.s32 @!p0 $0x1780;
	s20 =	simm.s32 @!p0 $0x2  }
0x66: {  	[tilespmem:s19], [sflag:$0x2] =	stream.linear.gather @!p0 [spmem:s10], $0x3E80, $0x38;
	[tilespmem:$0xBB90] =	vst v63  }
0x67: {  	s3 =	sadd.s32 $0x1, s3;
	_ =	swait.ge @!p0 [sflag:s20], $0x3E80  }
0x68: {  	p1 =	sne.s32 s3, s12;
	[sflag:s20] =	ssyncset.done @!p0 $0x0  }
.Ltmp3:
0x69: {  	s21 =	simm.s32 @!p0 $0x0;
	[sflag:s20] =	ssyncadd.s32 @!p0 $0xFFFFC180;
	(pc) =	sbr.rel @p1 .LBB2_1-.Ltmp3, $4  }
0x6a: {  	[hbm4b:s11+s21] =	stream.linear.scatter @!p0 [tilespmem:s19], [sflag:$0x2], $0x3E80, $0x38;
	[tilespmem:$0xBB90] =	vst v63  }
0x6b: {  	_ =	swait.ge @!p0 [sflag:s20], $0x3E80  }
0x6c: {  	[sflag:s20] =	ssyncset.done @!p0 $0x0  }
0x6d: {  	[sflag:s20] =	ssyncadd.s32 @!p0 $0xFFFFC180  }
0x6e: {  	_ =	sfence.sel $0x180000  }
0x6f: {  	[bflag:$0x0] =	sbarrier.arrive $0xFFFF  }
0x70: {  	p0 =	sne.s32 s4, $0x0;
	_ =	strace $0x9000004D  }
0x71: {  	s0 =	sadd.s32 @!p0 $0x100000, s0;
	[bflag:$0x2] =	sbarrier.arrive $0xFFFF  }
0x72: {  	[sflag:s0] =	ssyncadd.tile.s32 @!p0 $0x1;
	_ =	shalt  }
.Lfunc_end2:
_tile_overlayer_lowered:
.L_overlay_start_2:
0x73: {  	(tag) =	ssettag $0x2  }
0x74: {  	s0 =	rddreg [dreg:$0x0];
	s2 =	stileid.u32  }
0x75: {  	s1 =	rddreg [dreg:$0x1];
	p0 =	sne.s32 s2, $0x0  }
0x76: {  	s3 =	rddreg [dreg:$0x2];
	[bflag:$0x3] =	sbarrier.arrive $0xFFFF;
	s2 =	simm.s32 @!p0 $0x1C02  }
0x77: {  	[timem:s3], [sflag:s2] =	dma.local @!p0 [hbm:s0], s1  }
0x78: {  	s0 =	simm.s32 @!p0 $0x2  }
0x79: {  	_ =	swait.ge @!p0 [sflag:s0], s1  }
0x7a: {  	s1 =	ssub.s32 @!p0 $0x0, s1;
	[sflag:s0] =	ssyncset.done @!p0 $0x0  }
0x7b: {  	[sflag:s0] =	ssyncadd.s32 @!p0 s1  }
0x7c: {  	[bflag:$0x3] =	sbarrier.arrive $0xFFFF  }
0x7d: {  	_ =	shalt  }

// kernel: kernel.9.cloned.1.call-start
scs
__scs_entry_jumppad:
0x0: {  	(pc) =	sbr.rel $0x88, $3  }
0x1: {  	(tag) =	ssettag $0x0;
	lr =	simm.s32 $0x1  }
0x2: {  	[smem:$0x3F98] =	sst lr;
	_ =	strace $0xD0000000  }
0x3: {  	_ = 	snop  }
0x4: {  	_ = 	snop  }
0x5: {  	_ = 	snop  }
0x6: {  	_ = 	snop  }
0x7: {  	_ = 	snop  }
__scs_overlays_trampoline_lowered:
0x8: {  	[smem:$0x3FA7] =	sst s0  }
0x9: {  	[smem:$0x3FA8] =	sst s1  }
0xa: {  	[smem:$0x3FA9] =	sst s2  }
0xb: {  	[smem:$0x3FAA] =	sst s3  }
0xc: {  	[smem:$0x3FAB] =	sst s4  }
0xd: {  	[smem:$0x3FAC] =	sst s5  }
0xe: {  	[smem:$0x3FAD] =	sst s6  }
0xf: {  	[smem:$0x3FAE] =	sst s7  }
0x10: {  	[smem:$0x3FAF] =	sst s8  }
0x11: {  	[smem:$0x3FB0] =	sst s9;
	s0 =	simm.s32 @!p0 $0x0  }
0x12: {  	s1 =	sld [smem:$0x3F96];
	s0 =	simm.s32 @p0 $0x1  }
0x13: {  	[smem:$0x3FB1] =	sst s0;
	s0 =	simm.s32 @!p1 $0x0  }
0x14: {  	s2 =	sld [smem:$0x3F95];
	s0 =	simm.s32 @p1 $0x1  }
0x15: {  	[smem:$0x3FB2] =	sst s0;
	s0 =	simm.s32 @!p2 $0x0  }
0x16: {  	s3 =	sld [smem:$0x3FDB];
	s0 =	simm.s32 @p2 $0x1  }
0x17: {  	s4 =	simm.s32 $0x1BF5;
	[smem:$0x3FB4] =	sst s0  }
0x18: {  	s0 =	sld [smem:$0x3F97];
	_ =	swait.ge [sflag:s4], $0x0  }
0x19: {  	s7 =	sld [smem:$0x3F98]  }
0x1a: {  	s8 =	sadd.s32 $0xFFFFE003, lr  }
0x1b: {  	s9 =	sadd.s32 $0xFFFFFEF7, lr;
	s5 =	simm.s32 $0xFFFFFFFF;
	p2 =	slt.u32 s8, $0xFFFFF086  }
0x1c: {  	p1 =	slt.u32 s9, $0xF7A;
	s5 =	simm.s32 @!p2 $0x0  }
0x1d: {  	s5 =	simm.s32 @p1 $0x1;
	p0 =	seq.s32 s7, s2  }
0x1e: {  	s7 =	smul.u32 @!p0 $0xF7A, s2;
	p2 =	seq.s32 @!p0 s5, $0x0  }
0x1f: {  	s9 =	smul.u32 $0xF7A, s1;
	s8 =	simm.s32 @!p0 $0x1BF5;
	p2 =	por !p2, p0  }
0x20: {  	[sflag:s8] =	ssyncset.s32 @!p0 $0xFFFFF086;
	s6 =	sadd.s32 @!p0 s3, s7;
	s7 =	simm.s32 @!p0 $0x108  }
0x21: {  	s3 =	sadd.s32 s3, s9;
	s6 =	sadd.s32 @!p0 $0x88, s6;
	s7 =	simm.s32 @p2 $0x1082  }
0x22: {  	[simem:s7], [sflag:s8] =	dma.local @!p0 [hbm:s6], $0xF7A  }
0x23: {  	s9 =	sor.u32 $0xD0000000, s2;
	s6 =	simm.s32 $0x108;
	_ =	swait.ge @!p0 [sflag:s8], $0x0  }
0x24: {  	s3 =	sadd.s32 $0x88, s3;
	s6 =	simm.s32 @!p1 $0x1082;
	[sflag:s4] =	ssyncset.s32 $0xFFFFF086  }
0x25: {  	[simem:s6], [sflag:s4] =	dma.local [hbm:s3], $0xF7A  }
0x26: {  	[smem:$0x3F98] =	sst s1;
	(tag) =	ssettag s2;
	_ =	strace s9  }
0x27: {  	s1 =	sld [smem:$0x3FA8]  }
0x28: {  	s2 =	sld [smem:$0x3FA9]  }
0x29: {  	s4 =	sld [smem:$0x3FAB]  }
0x2a: {  	p0 =	seq.s32 s5, $0x0;
	s5 =	sld [smem:$0x3FAC]  }
0x2b: {  	s6 =	sld [smem:$0x3FAD]  }
0x2c: {  	s7 =	sld [smem:$0x3FAE]  }
0x2d: {  	s3 =	simm.s32 $0x108;
	s8 =	sld [smem:$0x3FAF]  }
0x2e: {  	s3 =	simm.s32 @!p0 $0x1082;
	s9 =	sld [smem:$0x3FB0]  }
0x2f: {  	lr =	sadd.s32 s0, s3;
	s0 =	sld [smem:$0x3FA7]  }
0x30: {  	s3 =	sld [smem:$0x3FAA]  }
0x31: {  	[smem:$0x3FB3] =	sst s10  }
0x32: {  	s10 =	sld [smem:$0x3FB1];
	_ =	sdelay $0x3  }
0x33: {  	p0 =	seq.s32 s10, $0x1;
	s10 =	sld [smem:$0x3FB3];
	_ =	sdelay $0x3  }
0x34: {  	[smem:$0x3FB3] =	sst s10  }
0x35: {  	s10 =	sld [smem:$0x3FB2];
	_ =	sdelay $0x3  }
0x36: {  	p1 =	seq.s32 s10, $0x1;
	s10 =	sld [smem:$0x3FB3];
	_ =	sdelay $0x3  }
0x37: {  	[smem:$0x3FB3] =	sst s10  }
0x38: {  	s10 =	sld [smem:$0x3FB4]  }
0x39: {  	_ = 	snop;
	(pc) =	sbr.ind lr, $3  }
0x3a: {  	_ = 	snop  }
0x3b: {  	_ = 	snop  }
0x3c: {  	p2 =	seq.s32 s10, $0x1;
	s10 =	sld [smem:$0x3FB3]  }
0x3d: {  	_ =	shalt  }
0x3e: {  	_ =	shalt  }
0x3f: {  	_ =	shalt  }
0x40: {  	_ =	shalt  }
0x41: {  	_ =	shalt  }
0x42: {  	_ =	shalt  }
0x43: {  	_ =	shalt  }
0x44: {  	_ =	shalt  }
0x45: {  	_ =	shalt  }
0x46: {  	_ =	shalt  }
0x47: {  	_ =	shalt  }
0x48: {  	_ =	shalt  }
0x49: {  	_ =	shalt  }
0x4a: {  	_ =	shalt  }
0x4b: {  	_ =	shalt  }
0x4c: {  	_ =	shalt  }
0x4d: {  	_ =	shalt  }
0x4e: {  	_ =	shalt  }
0x4f: {  	_ =	shalt  }
0x50: {  	_ =	shalt  }
0x51: {  	_ =	shalt  }
0x52: {  	_ =	shalt  }
0x53: {  	_ =	shalt  }
0x54: {  	_ =	shalt  }
0x55: {  	_ =	shalt  }
0x56: {  	_ =	shalt  }
0x57: {  	_ =	shalt  }
0x58: {  	_ =	shalt  }
0x59: {  	_ =	shalt  }
0x5a: {  	_ =	shalt  }
0x5b: {  	_ =	shalt  }
0x5c: {  	_ =	shalt  }
0x5d: {  	_ =	shalt  }
0x5e: {  	_ =	shalt  }
0x5f: {  	_ =	shalt  }
0x60: {  	_ =	shalt  }
0x61: {  	_ =	shalt  }
0x62: {  	_ =	shalt  }
0x63: {  	_ =	shalt  }
0x64: {  	_ =	shalt  }
0x65: {  	_ =	shalt  }
0x66: {  	_ =	shalt  }
0x67: {  	_ =	shalt  }
0x68: {  	_ =	shalt  }
0x69: {  	_ =	shalt  }
0x6a: {  	_ =	shalt  }
0x6b: {  	_ =	shalt  }
0x6c: {  	_ =	shalt  }
0x6d: {  	_ =	shalt  }
0x6e: {  	_ =	shalt  }
0x6f: {  	_ =	shalt  }
0x70: {  	_ =	shalt  }
0x71: {  	_ =	shalt  }
0x72: {  	_ =	shalt  }
0x73: {  	_ =	shalt  }
0x74: {  	_ =	shalt  }
0x75: {  	_ =	shalt  }
0x76: {  	_ =	shalt  }
0x77: {  	_ =	shalt  }
0x78: {  	_ =	shalt  }
0x79: {  	_ =	shalt  }
0x7a: {  	_ =	shalt  }
0x7b: {  	_ =	shalt  }
0x7c: {  	_ =	shalt  }
0x7d: {  	_ =	shalt  }
0x7e: {  	_ =	shalt  }
0x7f: {  	_ =	shalt  }
0x80: {  	_ =	shalt  }
0x81: {  	_ =	shalt  }
0x82: {  	_ =	shalt  }
0x83: {  	_ =	shalt  }
0x84: {  	_ =	shalt  }
0x85: {  	_ =	shalt  }
0x86: {  	_ =	shalt  }
0x87: {  	_ =	shalt  }
.Lfunc_end0:
.L_simem_size_0:
called_computation_lowered:
.L_overlay_start_0:
0x88: {  	s2 =	sld [smem:$0x3FD9]  }
0x89: {  	s3 =	sld [smem:$0x3FFE];
	_ =	sdelay $0x1  }
0x8a: {  	s1 =	srdreg.scid  }
0x8b: {  	s0 =	sand.u32 $0x1, s1  }
0x8c: {  	s16 =	sshll.u32 s0, $0xA;
	s2 =	sadd.s32 s3, s2  }
0x8d: {  	s2 =	sadd.s32 s2, s16  }
0x8e: {  	[smem:$0x3FBF] =	sst s2  }
0x8f: {  	_ = 	snop  }
0x90: {  	(tm) =	ssettm $0x1  }
0x91: {  	s17 =	sld [smem:$0x3FFB];
	_ =	sdelay $0x3  }
0x92: {  	_ =	strace s17  }
0x93: {  	s2 =	sld [smem:$0x3FFC];
	_ =	sdelay $0x3  }
0x94: {  	_ =	strace s2  }
0x95: {  	s2 =	sld [smem:$0x3FFD];
	_ =	sdelay $0x3  }
0x96: {  	_ =	strace s2  }
0x97: {  	_ =	strace $0x8FFFFFFF  }
0x98: {  	s18 =	sld [smem:$0x3FDB];
	_ =	sdelay $0x1  }
0x99: {  	s19 =	simm.s32 $_scs_section_size  }
0x9a: {  	s4 =	simm.s32 $_size__tile_overlayer_lowered;
	s5 =	simm.s32 $_tile_overlayer_lowered  }
0x9b: {  	s22 =	simm.s32 $0x1BFF;
	s21 =	sshll.u32 s5, $0x1;
	s2 =	sadd.s32 s19, s18  }
0x9c: {  	s6 =	simm.s32 $0x0;
	s20 =	sshll.u32 s4, $0x1;
	s4 =	sadd.s32 s21, s2  }
0x9d: {  	[timem:s6], [sflag:s22] =	dma.local [hbm:s4], s20  }
0x9e: {  	_ =	swait.ge [sflag:s22], s20  }
0x9f: {  	s3 =	ssub.s32 $0x0, s20;
	[sflag:s22] =	ssyncset.done $0x0  }
0xa0: {  	[sflag:s22] =	ssyncadd.s32 s3;
	_ =	sdelay $0x1  }
0xa1: {  	s23 =	simm.s32 $0x1B8B  }
0xa2: {  	_ =	swait.ge [sflag:s23], $0x1  }
0xa3: {  	[sflag:s23] =	ssyncset.done $0x0  }
0xa4: {  	s25 =	simm.s32 $0x1B8E;
	s24 =	sld [smem:$0x3FFE];
	[sflag:s23] =	ssyncadd.s32 $0xFFFFFFFF  }
0xa5: {  	s26 =	simm.s32 $execute0_lowered;
	[smem:$0x3FD2] =	sst s25  }
0xa6: {  	s4 =	sshll.u32 s26, $0x1;
	_ =	strace $0x80000046;
	[dreg:$0x1] =	wrdreg $0xFFFFFFFF  }
0xa7: {  	s28 =	simm.s32 $_size_execute0_lowered;
	s2 =	sadd.s32 s2, s4;
	[dreg:$0x0] =	wrdreg $0x0  }
0xa8: {  	s4 =	sshll.u32 s28, $0x1;
	[dreg:$0x2] =	wrdreg s2  }
0xa9: {  	[dreg:$0x3] =	wrdreg s4  }
0xaa: {  	[dreg:$0x4] =	wrdreg $0xC0  }
0xab: {  	_ =	task [dreg:s6], $0x5FFFF  }
0xac: {  	[dreg:$0x1] =	wrdreg $0xFFFFFFFF  }
0xad: {  	[dreg:$0x0] =	wrdreg $0x60  }
0xae: {  	[dreg:$0x2] =	wrdreg s24  }
0xaf: {  	[dreg:$0x3] =	wrdreg $0x1B680  }
0xb0: {  	[dreg:$0x4] =	wrdreg $0x9  }
0xb1: {  	_ =	task.clear_ibuf [dreg:s6], $0x5FFFF;
	_ =	strace $0x90000046  }
0xb2: {  	s29 =	simm.s32 $0x9;
	_ =	strace $0x80000048  }
0xb3: {  	_ =	swait.ge [sflag:s29], $0x1  }
0xb4: {  	[sflag:s29] =	ssyncadd.s32 $0xFFFFFFFF  }
0xb5: {  	_ =	strace $0x90000048  }
0xb6: {  	_ =	sfence  }
0xb7: {  	s30 =	sld [smem:$0x0];
	_ =	sdelay $0x2  }
0xb8: {  	s31 =	sshll.u32 s1, $0xD;
	s1 =	sshrl.u32 s1, $0x2  }
0xb9: {  	s3 =	sand.u32 $0x4000, s31;
	s1 =	sadd.s32 s1, s30  }
0xba: {  	s0 =	sor.u32 s3, s0;
	s1 =	sshll.u32 s1, $0x11  }
0xbb: {  	s0 =	sor.u32 s1, s0  }
0xbc: {  	s0 =	sadd.s32 $0x8F2B, s0  }
0xbd: {  	[sflag:s0] =	ssyncadd.remote.s32 $0x1  }
0xbe: {  	_ =	sfence.sel $0xFFFF  }
0xbf: {  	[dreg:$0x0] =	wrdreg $0xFFFFFFFF;
	(pc) =	sbr.abs _section_cstart, $3  }
0xc0: {  	[dreg:$0x1] =	wrdreg $0xFFFFFFFF  }
0xc1: {  	_ =	task.clear_ibuf [dreg:s6], $0x2FFFF;
	_ =	strace $0x9FFFFFFF  }
0xc2: {  	(tm) =	ssettm $0x7FFFFFFF  }
0xc3: {  	_ =	shalt  }
tec
execute0_lowered:
.L_overlay_start_1:
0x0: {  	(tag) =	ssettag $0x1  }
0x1: {  	s4 =	rddreg [dreg:$0x0];
	s1 =	srdreg.scid  }
0x2: {  	s0 =	stileid.u32;
	s2 =	rddreg [dreg:$0x1];
	s3 =	simm.s32 $0x0  }
0x3: {  	s12 =	simm.s32 $0x7D8;
	s13 =	simm.s32 $0x1;
	s14 =	simm.s32 $0x3E8  }
0x4: {  	s15 =	simm.s32 $0x0;
	s5 =	sand.u32 $0x1, s1;
	s1 =	rddreg [dreg:$0x2]  }
0x5: {  	s6 =	smul.u32 $0x1388, s0;
	[smem:$0x7FF] =	sst s3;
	s8 =	sshll.u32 s0, $0x1  }
0x6: {  	s7 =	smul.u32 $0x13880, s5;
	s8 =	sor.u32 s5, s8;
	s5 =	ssub.s32 $0x2, s5  }
0x7: {  	s10 =	sadd.s32 $0xC600, s4;
	s8 =	smul.u32 $0x1388, s8;
	s28 =	sshrl.u32 s5, $0x1  }
0x8: {  	_ =	strace $0x80000047;
	s7 =	sadd.s32 s6, s7;
	s9 =	ssub.s32 s5, s28  }
0x9: {  	s7 =	sshrl.u32 s7, $0x3;
	s29 =	sshrl.u32 s8, $0x3;
	s11 =	sadd.s32 $0x3E8, s8  }
0xa: {  	s31 =	sadd.s32 $0xBB8, s8;
	s7 =	sadd.s32 s7, s4;
	s4 =	sadd.s32 s6, s2  }
0xb: {  	s6 =	sadd.s32 s10, s29;
	s30 =	sshrl.u32 s11, $0x3;
	s11 =	sshrl.u32 s31, $0x3  }
0xc: {  	s5 =	sadd.s32 $0x11600, s7;
	s7 =	smax.u32 s9, $0x1;
	s8 =	sadd.s32 s10, s30  }
0xd: {  	v0 =	vimm.f32 $0.0e+00;
	v1 =	vimm.f32 $1.000000000e+00;
	s9 =	sadd.s32 $0xFA, s6;
	s10 =	sadd.s32 s10, s11;
	s11 =	sadd.s32 $0x1F4, s6  }
.LBB2_1:
0xe: {  	s16 =	simm.s32 $0x0  }
.LBB2_2:
0xf: {  	p0 =	sne.s32 s16, $0x4E00  }
.Ltmp0:
0x10: {  	_ = 	snop;
	(pc) =	sbr.rel @p0 .LBB2_2-.Ltmp0, $3  }
0x11: {  	_ =	sdelay $0x1  }
0x12: {  	s17 =	sshra.s32 s16, $0x2  }
0x13: {  	s16 =	sadd.s32 $0x40, s16;
	[tilespmem:s17+$0x7D8] =	vst v0  }
0x14: {  	s16 =	simm.s32 $0x40;
	s17 =	simm.s32 $0x0  }
.LBB2_4:
0x15: {  	p0 =	sne.s32 s16, $0xF80;
	[tilespmem:s17+$0x3E8] =	vst v1;
	s17 =	smov.u32 s16;
	s16 =	sadd.s32 $0x40, s16  }
.Ltmp1:
0x16: {  	(pc) =	sbr.rel @p0 .LBB2_4-.Ltmp1, $2  }
0x17: {  	_ =	sdelay $0x2  }
0x18: {  	s17 =	sshra.s32 s17, $0x2  }
0x19: {  	[tilespmem:s17+$0x3E8] =	vst v1  }
0x1a: {  	[spmem:s4] =	stream.linear.scatter [tilespmem:s12], [sflag:$0x1], $0x1388, $0x38;
	[tilespmem:$0x2EF0] =	vst v63  }
0x1b: {  	_ =	swait.ge [sflag:s13], $0x1388  }
0x1c: {  	[sflag:s13] =	ssyncset.done $0x0  }
0x1d: {  	[sflag:s13] =	ssyncadd.s32 $0xFFFFEC78  }
0x1e: {  	[bflag:$0x0] =	sbarrier.arrive $0xFFFF  }
0x1f: {  	[tilespmem:s3], [sflag:$0x1] =	stream.linear.gather [hbm4b:s6+s3], $0x3E8, $0x38;
	[tilespmem:$0x2EF0] =	vst v63  }
0x20: {  	_ =	swait.ge [sflag:s13], $0x3E8  }
0x21: {  	[sflag:s13] =	ssyncset.done $0x0  }
0x22: {  	[sflag:s13] =	ssyncadd.s32 $0xFFFFFC18  }
0x23: {  	[spmem:s2] =	stream.indirect.scatter.add.f32 [tilespmem:s14], [sflag:$0x1], $0x1, s3, s14, $0xb8;
	[tilespmem:$0x2EF0] =	vst v63  }
0x24: {  	_ =	swait.ge [sflag:s13], $0x3E8  }
0x25: {  	[sflag:s13] =	ssyncset.done $0x0  }
0x26: {  	[sflag:s13] =	ssyncadd.s32 $0xFFFFFC18  }
0x27: {  	[tilespmem:s3], [sflag:$0x1] =	stream.linear.gather [hbm4b:s8+s3], $0x3E8, $0x38;
	[tilespmem:$0x2EF0] =	vst v63  }
0x28: {  	_ =	swait.ge [sflag:s13], $0x3E8  }
0x29: {  	[sflag:s13] =	ssyncset.done $0x0  }
0x2a: {  	[sflag:s13] =	ssyncadd.s32 $0xFFFFFC18  }
0x2b: {  	[spmem:s2] =	stream.indirect.scatter.add.f32 [tilespmem:s14], [sflag:$0x1], $0x1, s3, s14, $0xb8;
	[tilespmem:$0x2EF0] =	vst v63  }
0x2c: {  	_ =	swait.ge [sflag:s13], $0x3E8  }
0x2d: {  	[sflag:s13] =	ssyncset.done $0x0  }
0x2e: {  	[sflag:s13] =	ssyncadd.s32 $0xFFFFFC18  }
0x2f: {  	[tilespmem:s3], [sflag:$0x1] =	stream.linear.gather [hbm4b:s9+s3], $0x3E8, $0x38;
	[tilespmem:$0x2EF0] =	vst v63  }
0x30: {  	_ =	swait.ge [sflag:s13], $0x3E8  }
0x31: {  	[sflag:s13] =	ssyncset.done $0x0  }
0x32: {  	[sflag:s13] =	ssyncadd.s32 $0xFFFFFC18  }
0x33: {  	[spmem:s2] =	stream.indirect.scatter.add.f32 [tilespmem:s14], [sflag:$0x1], $0x1, s3, s14, $0xb8;
	[tilespmem:$0x2EF0] =	vst v63  }
0x34: {  	_ =	swait.ge [sflag:s13], $0x3E8  }
0x35: {  	[sflag:s13] =	ssyncset.done $0x0  }
0x36: {  	[sflag:s13] =	ssyncadd.s32 $0xFFFFFC18  }
0x37: {  	[tilespmem:s3], [sflag:$0x1] =	stream.linear.gather [hbm4b:s10+s3], $0x3E8, $0x38;
	[tilespmem:$0x2EF0] =	vst v63  }
0x38: {  	_ =	swait.ge [sflag:s13], $0x3E8  }
0x39: {  	[sflag:s13] =	ssyncset.done $0x0  }
0x3a: {  	[sflag:s13] =	ssyncadd.s32 $0xFFFFFC18  }
0x3b: {  	[spmem:s2] =	stream.indirect.scatter.add.f32 [tilespmem:s14], [sflag:$0x1], $0x1, s3, s14, $0xb8;
	[tilespmem:$0x2EF0] =	vst v63  }
0x3c: {  	_ =	swait.ge [sflag:s13], $0x3E8  }
0x3d: {  	[sflag:s13] =	ssyncset.done $0x0  }
0x3e: {  	[sflag:s13] =	ssyncadd.s32 $0xFFFFFC18  }
0x3f: {  	[tilespmem:s3], [sflag:$0x1] =	stream.linear.gather [hbm4b:s11+s3], $0x3E8, $0x38;
	[tilespmem:$0x2EF0] =	vst v63  }
0x40: {  	_ =	swait.ge [sflag:s13], $0x3E8  }
0x41: {  	[sflag:s13] =	ssyncset.done $0x0  }
0x42: {  	[sflag:s13] =	ssyncadd.s32 $0xFFFFFC18  }
0x43: {  	[spmem:s2] =	stream.indirect.scatter.add.f32 [tilespmem:s14], [sflag:$0x1], $0x1, s3, s14, $0xb8;
	[tilespmem:$0x2EF0] =	vst v63  }
0x44: {  	_ =	swait.ge [sflag:s13], $0x3E8  }
0x45: {  	[sflag:s13] =	ssyncset.done $0x0  }
0x46: {  	[sflag:s13] =	ssyncadd.s32 $0xFFFFFC18  }
0x47: {  	[bflag:$0x0] =	sbarrier.arrive $0xFFFF  }
0x48: {  	[tilespmem:s12], [sflag:$0x1] =	stream.linear.gather [spmem:s4], $0x1388, $0x38;
	[tilespmem:$0x2EF0] =	vst v63  }
0x49: {  	s15 =	sadd.s32 $0x1, s15;
	_ =	swait.ge [sflag:s13], $0x1388  }
0x4a: {  	p0 =	sne.s32 s15, s7;
	[sflag:s13] =	ssyncset.done $0x0  }
.Ltmp2:
0x4b: {  	[sflag:s13] =	ssyncadd.s32 $0xFFFFEC78;
	(pc) =	sbr.rel @p0 .LBB2_1-.Ltmp2, $4  }
0x4c: {  	[hbm4b:s5+s3] =	stream.linear.scatter [tilespmem:s12], [sflag:$0x1], $0x1388, $0x38;
	[tilespmem:$0x2EF0] =	vst v63  }
0x4d: {  	_ =	swait.ge [sflag:s13], $0x1388  }
0x4e: {  	[sflag:s13] =	ssyncset.done $0x0  }
0x4f: {  	[sflag:s13] =	ssyncadd.s32 $0xFFFFEC78  }
0x50: {  	_ =	sfence.sel $0x180000  }
0x51: {  	[bflag:$0x0] =	sbarrier.arrive $0xFFFF  }
0x52: {  	p0 =	sne.s32 s0, $0x0;
	_ =	strace $0x90000047  }
0x53: {  	s0 =	sadd.s32 @!p0 $0x100000, s1;
	[bflag:$0x2] =	sbarrier.arrive $0xFFFF  }
0x54: {  	[sflag:s0] =	ssyncadd.tile.s32 @!p0 $0x1;
	_ =	shalt  }
.Lfunc_end2:
_tile_overlayer_lowered:
.L_overlay_start_2:
0x55: {  	(tag) =	ssettag $0x2  }
0x56: {  	s0 =	rddreg [dreg:$0x0];
	s2 =	stileid.u32  }
0x57: {  	s1 =	rddreg [dreg:$0x1];
	p0 =	sne.s32 s2, $0x0  }
0x58: {  	s3 =	rddreg [dreg:$0x2];
	[bflag:$0x3] =	sbarrier.arrive $0xFFFF;
	s2 =	simm.s32 @!p0 $0x1C01  }
0x59: {  	[timem:s3], [sflag:s2] =	dma.local @!p0 [hbm:s0], s1  }
0x5a: {  	s0 =	simm.s32 @!p0 $0x1  }
0x5b: {  	_ =	swait.ge @!p0 [sflag:s0], s1  }
0x5c: {  	s1 =	ssub.s32 @!p0 $0x0, s1;
	[sflag:s0] =	ssyncset.done @!p0 $0x0  }
0x5d: {  	[sflag:s0] =	ssyncadd.s32 @!p0 s1  }
0x5e: {  	[bflag:$0x3] =	sbarrier.arrive $0xFFFF  }
0x5f: {  	_ =	shalt  }

</sc_bundles>
